<compile_context>
chip_gen: v7x
topology: tpu7x:2x2x1
jax: 0.10.2.dev20260603
libtpu: 0.0.44.dev20260713+nightly
codegen_flags: <defaults>
</compile_context>

<pallas_src>
import functools

import jax
import jax.numpy as jnp
from jax import lax
from jax.experimental import pallas as pl
from jax.experimental.pallas import tpu as pltpu
from jax.experimental.pallas import tpu_sc as plsc

B = 16384
V = 1000000
D = 32
L = 16
RW = 128
RPF = RW // D

try:
    _info = plsc.get_sparse_core_info()
    NC, NS = _info.num_cores, _info.num_subcores
except ValueError:
    NC, NS = 2, 16
NW = NC * NS
BPW = B // NW
CH = 128
NCH = BPW // CH
HALF = BPW // 2
HCH = HALF // CH
HG = HALF // L

_mesh = plsc.VectorSubcoreMesh(core_axis_name="c", subcore_axis_name="s")


@functools.partial(
    pl.kernel,
    mesh=_mesh,
    out_type=jax.ShapeDtypeStruct((B,), jnp.float32),
    compiler_params=pltpu.CompilerParams(
        needs_layout_passes=False, use_tc_tiling_on_sc=False
    ),
    scratch_types=[
        pltpu.VMEM((NCH, CH), jnp.int32),
        pltpu.VMEM((NCH, CH), jnp.int32),
        pltpu.VMEM((NCH, CH), jnp.int32),
        pltpu.VMEM((NCH, CH), jnp.int32),
        pltpu.VMEM((HALF, RW), jnp.float32),
        pltpu.VMEM((HALF, RW), jnp.float32),
        pltpu.VMEM((BPW,), jnp.float32),
        pltpu.VMEM((BPW,), jnp.float32),
        pltpu.VMEM((BPW,), jnp.float32),
        pltpu.SemaphoreType.DMA,
    ],
)
def _mf_sc(users_hbm, items_hbm, ue_hbm, ie_hbm, bu_hbm, bi_hbm, out_hbm,
           uidx, iidx, urow, irow, ud, idt, ubias, ibias, outv, sem):
    wid = lax.axis_index("s") * NC + lax.axis_index("c")
    base = wid * BPW

    for j in range(NCH):
        pltpu.sync_copy(users_hbm.at[pl.ds(base + j * CH, CH)], uidx.at[j])
        pltpu.sync_copy(items_hbm.at[pl.ds(base + j * CH, CH)], iidx.at[j])

    bias_copies = []
    for j in range(NCH):
        sl = pl.ds(j * CH, CH)
        bias_copies.append(
            pltpu.async_copy(bu_hbm.at[uidx.at[j]], ubias.at[sl], sem))
        bias_copies.append(
            pltpu.async_copy(bi_hbm.at[iidx.at[j]], ibias.at[sl], sem))

    for j in range(NCH):
        for c in range(CH // L):
            o = c * L
            urow[j, pl.ds(o, L)] = lax.shift_right_logical(
                uidx[j, pl.ds(o, L)], 2)
            irow[j, pl.ds(o, L)] = lax.shift_right_logical(
                iidx[j, pl.ds(o, L)], 2)

    iota = lax.iota(jnp.int32, L)

    for h in range(2):
        row_copies = []
        for c in range(HCH):
            j = h * HCH + c
            sl = pl.ds(c * CH, CH)
            row_copies.append(
                pltpu.async_copy(ue_hbm.at[urow.at[j]], ud.at[sl], sem))
            row_copies.append(
                pltpu.async_copy(ie_hbm.at[irow.at[j]], idt.at[sl], sem))
        if h == 0:
            for c in bias_copies:
                c.wait()
        for c in row_copies:
            c.wait()

        def group(g, carry):
            j = h * HCH + lax.shift_right_logical(g, 3)
            o = (g & (CH // L - 1)) * L
            gbase = h * HALF + g * L
            bu = uidx[j, pl.ds(o, L)]
            bi = iidx[j, pl.ds(o, L)]
            rows = g * L + iota
            ucol0 = (bu & (RPF - 1)) * D
            icol0 = (bi & (RPF - 1)) * D
            acc = ubias[pl.ds(gbase, L)] + ibias[pl.ds(gbase, L)]
            for d in range(D):
                uv = plsc.load_gather(ud, [rows, ucol0 + d])
                iv = plsc.load_gather(idt, [rows, icol0 + d])
                acc = acc + uv * iv
            outv[pl.ds(gbase, L)] = acc
            return carry

        lax.fori_loop(0, HG, group, 0)

    pltpu.sync_copy(outv, out_hbm.at[pl.ds(base, BPW)])


def kernel(users, items, user_embedding, item_embedding, user_biases, item_biases):
    return _mf_sc(
        users.astype(jnp.int32),
        items.astype(jnp.int32),
        user_embedding.reshape(V * D // RW, RW),
        item_embedding.reshape(V * D // RW, RW),
        user_biases.reshape(-1),
        item_biases.reshape(-1),
    )

# --- scband reference (transcript-rebuilt; emitter-appended) ---
"""Pipeline reference for scband-mf-28321014349832 (READ-ONLY COPY).

The authoritative reference and input builder live on the scoring server;
editing this copy changes nothing except your own understanding.
"""

import jax, jax.numpy as jnp
import numpy as np

USER_POOL = 1000000
ITEM_POOL = 1000000
LATENT_DIM = 32
BATCH = 16384

def setup_inputs(seed: int = 0) -> dict:
    key = jax.random.key(seed)
    k1, k2, k3, k4, k5, k6 = jax.random.split(key, 6)
    users = jax.random.randint(k1, (BATCH,), 0, USER_POOL, dtype=jnp.int64 if jax.config.jax_enable_x64 else jnp.int32)
    items = jax.random.randint(k2, (BATCH,), 0, ITEM_POOL, dtype=jnp.int64 if jax.config.jax_enable_x64 else jnp.int32)
    user_embedding = jax.random.normal(k3, (USER_POOL, LATENT_DIM), dtype=jnp.float32)
    item_embedding = jax.random.normal(k4, (ITEM_POOL, LATENT_DIM), dtype=jnp.float32)
    user_biases = jax.random.normal(k5, (USER_POOL, 1), dtype=jnp.float32)
    item_biases = jax.random.normal(k6, (ITEM_POOL, 1), dtype=jnp.float32)
    return {
        "users": users,
        "items": items,
        "user_embedding": user_embedding,
        "item_embedding": item_embedding,
        "user_biases": user_biases,
        "item_biases": item_biases,
    }

def reference(users, items, user_embedding, item_embedding, user_biases, item_biases):
    users_emb = jnp.take(user_embedding, users, axis=0)
    items_emb = jnp.take(item_embedding, items, axis=0)
    biases_u = jnp.take(user_biases, users, axis=0).squeeze()
    biases_i = jnp.take(item_biases, items, axis=0).squeeze()
    dots = (users_emb * items_emb).sum(axis=1)
    res = dots + biases_u + biases_i
    return res

if __name__ == "__main__":
    import jax
    _d = setup_inputs()
    print(jax.jit(kernel)(*tuple(_d.values())))

</pallas_src>

<mosaic_0001>
#map = affine_map<(d0, d1) -> (0)>
#map1 = affine_map<(d0, d1) -> (0, 0)>
module attributes {stable_mosaic.version = 14 : i64} {
  func.func @_mf_sc(%arg0: i32, %arg1: i32, %arg2: memref<16384xi32, #tpu.memory_space<hbm>>, %arg3: memref<16384xi32, #tpu.memory_space<hbm>>, %arg4: memref<250000x128xf32, #tpu.memory_space<hbm>>, %arg5: memref<250000x128xf32, #tpu.memory_space<hbm>>, %arg6: memref<1000000xf32, #tpu.memory_space<hbm>>, %arg7: memref<1000000xf32, #tpu.memory_space<hbm>>, %arg8: memref<16384xf32, #tpu.memory_space<hbm>>, %arg9: memref<4x128xi32, #tpu.memory_space<vmem>>, %arg10: memref<4x128xi32, #tpu.memory_space<vmem>>, %arg11: memref<4x128xi32, #tpu.memory_space<vmem>>, %arg12: memref<4x128xi32, #tpu.memory_space<vmem>>, %arg13: memref<256x128xf32, #tpu.memory_space<vmem>>, %arg14: memref<256x128xf32, #tpu.memory_space<vmem>>, %arg15: memref<512xf32, #tpu.memory_space<vmem>>, %arg16: memref<512xf32, #tpu.memory_space<vmem>>, %arg17: memref<512xf32, #tpu.memory_space<vmem>>, %arg18: memref<!tpu.dma_semaphore, #tpu.memory_space<semaphore_mem>>) attributes {dimension_semantics = [#tpu.dimension_semantics<core_parallel>, #tpu.dimension_semantics<subcore_parallel>], iteration_bounds = array<i64: 2, 16>, scalar_prefetch = 0 : i64, scratch_operands = 10 : i64, tpu.core_type = #tpu.core_type<sc_vector_subcore>, window_params = [{transform_indices = #map}, {transform_indices = #map}, {transform_indices = #map1}, {transform_indices = #map1}, {transform_indices = #map}, {transform_indices = #map}, {transform_indices = #map}]} {
    %mul3A = arith.constant 2 : i32
    %mul3A_0 = arith.muli %arg1, %mul3A : i32
    %add3A = arith.addi %mul3A_0, %arg0 : i32
    %mul3A_1 = arith.constant 512 : i32
    %mul3A_2 = arith.muli %add3A, %mul3A_1 : i32
    %add3A_3 = arith.constant 0 : i32
    %add3A_4 = arith.addi %mul3A_2, %add3A_3 : i32
    %run_scoped3A = arith.constant 0 : i32
    "tpu.region"() ({
      %run_scoped3A_1024 = tpu.sem_alloc : memref<!tpu.dma_semaphore, #tpu.memory_space<semaphore_mem>>
      %dma_start3A_1025 = arith.constant 0 : i32
      %dma_start3A_1026 = tpu.memref_slice %arg9[%run_scoped3A, %dma_start3A_1025] : memref<4x128xi32, #tpu.memory_space<vmem>> -> memref<1x128xi32, #tpu.memory_space<vmem>>
      %dma_start3A_1027 = tpu.memref_squeeze %dma_start3A_1026 : memref<1x128xi32, #tpu.memory_space<vmem>> -> memref<128xi32, #tpu.memory_space<vmem>>
      %dma_start3A_1028 = tpu.memref_slice %arg2[%add3A_4] : memref<16384xi32, #tpu.memory_space<hbm>> -> memref<128xi32, #tpu.memory_space<hbm>>
      %dma_start3A_1029 = arith.constant 0 : i32
      %dma_start3A_1030 = tpu.memref_slice %arg9[%run_scoped3A, %dma_start3A_1029] : memref<4x128xi32, #tpu.memory_space<vmem>> -> memref<1x128xi32, #tpu.memory_space<vmem>>
      %dma_start3A_1031 = tpu.memref_squeeze %dma_start3A_1030 : memref<1x128xi32, #tpu.memory_space<vmem>> -> memref<128xi32, #tpu.memory_space<vmem>>
      %dma_start3A_1032 = tpu.memref_slice %arg2[%add3A_4] : memref<16384xi32, #tpu.memory_space<hbm>> -> memref<128xi32, #tpu.memory_space<hbm>>
      tpu.enqueue_dma source(%dma_start3A_1032 : memref<128xi32, #tpu.memory_space<hbm>>) target(%dma_start3A_1031 : memref<128xi32, #tpu.memory_space<vmem>>) target_semaphore(%run_scoped3A_1024 : memref<!tpu.dma_semaphore, #tpu.memory_space<semaphore_mem>>)
      %dma_wait3A_1033 = arith.constant 0 : i32
      %dma_wait3A_1034 = tpu.memref_slice %arg9[%run_scoped3A, %dma_wait3A_1033] : memref<4x128xi32, #tpu.memory_space<vmem>> -> memref<1x128xi32, #tpu.memory_space<vmem>>
      %dma_wait3A_1035 = tpu.memref_squeeze %dma_wait3A_1034 : memref<1x128xi32, #tpu.memory_space<vmem>> -> memref<128xi32, #tpu.memory_space<vmem>>
      %dma_wait3A_1036 = tpu.memref_slice %arg2[%add3A_4] : memref<16384xi32, #tpu.memory_space<hbm>> -> memref<128xi32, #tpu.memory_space<hbm>>
      %dma_wait3A_1037 = arith.constant 0 : i32
      %dma_wait3A_1038 = tpu.memref_slice %arg9[%run_scoped3A, %dma_wait3A_1037] : memref<4x128xi32, #tpu.memory_space<vmem>> -> memref<1x128xi32, #tpu.memory_space<vmem>>
      %dma_wait3A_1039 = tpu.memref_squeeze %dma_wait3A_1038 : memref<1x128xi32, #tpu.memory_space<vmem>> -> memref<128xi32, #tpu.memory_space<vmem>>
      %dma_wait3A_1040 = tpu.memref_slice %arg2[%add3A_4] : memref<16384xi32, #tpu.memory_space<hbm>> -> memref<128xi32, #tpu.memory_space<hbm>>
      tpu.wait_dma2 semaphore(%run_scoped3A_1024 : memref<!tpu.dma_semaphore, #tpu.memory_space<semaphore_mem>>) src(%dma_wait3A_1040 : memref<128xi32, #tpu.memory_space<hbm>>) dst(%dma_wait3A_1039 : memref<128xi32, #tpu.memory_space<vmem>>)
      tpu.yield
    }) : () -> ()
    %add3A_5 = arith.constant 0 : i32
    %add3A_6 = arith.addi %mul3A_2, %add3A_5 : i32
    %run_scoped3A_7 = arith.constant 0 : i32
    "tpu.region"() ({
      %run_scoped3A_1024 = tpu.sem_alloc : memref<!tpu.dma_semaphore, #tpu.memory_space<semaphore_mem>>
      %dma_start3A_1025 = arith.constant 0 : i32
      %dma_start3A_1026 = tpu.memref_slice %arg10[%run_scoped3A_7, %dma_start3A_1025] : memref<4x128xi32, #tpu.memory_space<vmem>> -> memref<1x128xi32, #tpu.memory_space<vmem>>
      %dma_start3A_1027 = tpu.memref_squeeze %dma_start3A_1026 : memref<1x128xi32, #tpu.memory_space<vmem>> -> memref<128xi32, #tpu.memory_space<vmem>>
      %dma_start3A_1028 = tpu.memref_slice %arg3[%add3A_6] : memref<16384xi32, #tpu.memory_space<hbm>> -> memref<128xi32, #tpu.memory_space<hbm>>
      %dma_start3A_1029 = arith.constant 0 : i32
      %dma_start3A_1030 = tpu.memref_slice %arg10[%run_scoped3A_7, %dma_start3A_1029] : memref<4x128xi32, #tpu.memory_space<vmem>> -> memref<1x128xi32, #tpu.memory_space<vmem>>
      %dma_start3A_1031 = tpu.memref_squeeze %dma_start3A_1030 : memref<1x128xi32, #tpu.memory_space<vmem>> -> memref<128xi32, #tpu.memory_space<vmem>>
      %dma_start3A_1032 = tpu.memref_slice %arg3[%add3A_6] : memref<16384xi32, #tpu.memory_space<hbm>> -> memref<128xi32, #tpu.memory_space<hbm>>
      tpu.enqueue_dma source(%dma_start3A_1032 : memref<128xi32, #tpu.memory_space<hbm>>) target(%dma_start3A_1031 : memref<128xi32, #tpu.memory_space<vmem>>) target_semaphore(%run_scoped3A_1024 : memref<!tpu.dma_semaphore, #tpu.memory_space<semaphore_mem>>)
      %dma_wait3A_1033 = arith.constant 0 : i32
      %dma_wait3A_1034 = tpu.memref_slice %arg10[%run_scoped3A_7, %dma_wait3A_1033] : memref<4x128xi32, #tpu.memory_space<vmem>> -> memref<1x128xi32, #tpu.memory_space<vmem>>
      %dma_wait3A_1035 = tpu.memref_squeeze %dma_wait3A_1034 : memref<1x128xi32, #tpu.memory_space<vmem>> -> memref<128xi32, #tpu.memory_space<vmem>>
      %dma_wait3A_1036 = tpu.memref_slice %arg3[%add3A_6] : memref<16384xi32, #tpu.memory_space<hbm>> -> memref<128xi32, #tpu.memory_space<hbm>>
      %dma_wait3A_1037 = arith.constant 0 : i32
      %dma_wait3A_1038 = tpu.memref_slice %arg10[%run_scoped3A_7, %dma_wait3A_1037] : memref<4x128xi32, #tpu.memory_space<vmem>> -> memref<1x128xi32, #tpu.memory_space<vmem>>
      %dma_wait3A_1039 = tpu.memref_squeeze %dma_wait3A_1038 : memref<1x128xi32, #tpu.memory_space<vmem>> -> memref<128xi32, #tpu.memory_space<vmem>>
      %dma_wait3A_1040 = tpu.memref_slice %arg3[%add3A_6] : memref<16384xi32, #tpu.memory_space<hbm>> -> memref<128xi32, #tpu.memory_space<hbm>>
      tpu.wait_dma2 semaphore(%run_scoped3A_1024 : memref<!tpu.dma_semaphore, #tpu.memory_space<semaphore_mem>>) src(%dma_wait3A_1040 : memref<128xi32, #tpu.memory_space<hbm>>) dst(%dma_wait3A_1039 : memref<128xi32, #tpu.memory_space<vmem>>)
      tpu.yield
    }) : () -> ()
    %add3A_8 = arith.constant 128 : i32
    %add3A_9 = arith.addi %mul3A_2, %add3A_8 : i32
    %run_scoped3A_10 = arith.constant 1 : i32
    "tpu.region"() ({
      %run_scoped3A_1024 = tpu.sem_alloc : memref<!tpu.dma_semaphore, #tpu.memory_space<semaphore_mem>>
      %dma_start3A_1025 = arith.constant 0 : i32
      %dma_start3A_1026 = tpu.memref_slice %arg9[%run_scoped3A_10, %dma_start3A_1025] : memref<4x128xi32, #tpu.memory_space<vmem>> -> memref<1x128xi32, #tpu.memory_space<vmem>>
      %dma_start3A_1027 = tpu.memref_squeeze %dma_start3A_1026 : memref<1x128xi32, #tpu.memory_space<vmem>> -> memref<128xi32, #tpu.memory_space<vmem>>
      %dma_start3A_1028 = tpu.memref_slice %arg2[%add3A_9] : memref<16384xi32, #tpu.memory_space<hbm>> -> memref<128xi32, #tpu.memory_space<hbm>>
      %dma_start3A_1029 = arith.constant 0 : i32
      %dma_start3A_1030 = tpu.memref_slice %arg9[%run_scoped3A_10, %dma_start3A_1029] : memref<4x128xi32, #tpu.memory_space<vmem>> -> memref<1x128xi32, #tpu.memory_space<vmem>>
      %dma_start3A_1031 = tpu.memref_squeeze %dma_start3A_1030 : memref<1x128xi32, #tpu.memory_space<vmem>> -> memref<128xi32, #tpu.memory_space<vmem>>
      %dma_start3A_1032 = tpu.memref_slice %arg2[%add3A_9] : memref<16384xi32, #tpu.memory_space<hbm>> -> memref<128xi32, #tpu.memory_space<hbm>>
      tpu.enqueue_dma source(%dma_start3A_1032 : memref<128xi32, #tpu.memory_space<hbm>>) target(%dma_start3A_1031 : memref<128xi32, #tpu.memory_space<vmem>>) target_semaphore(%run_scoped3A_1024 : memref<!tpu.dma_semaphore, #tpu.memory_space<semaphore_mem>>)
      %dma_wait3A_1033 = arith.constant 0 : i32
      %dma_wait3A_1034 = tpu.memref_slice %arg9[%run_scoped3A_10, %dma_wait3A_1033] : memref<4x128xi32, #tpu.memory_space<vmem>> -> memref<1x128xi32, #tpu.memory_space<vmem>>
      %dma_wait3A_1035 = tpu.memref_squeeze %dma_wait3A_1034 : memref<1x128xi32, #tpu.memory_space<vmem>> -> memref<128xi32, #tpu.memory_space<vmem>>
      %dma_wait3A_1036 = tpu.memref_slice %arg2[%add3A_9] : memref<16384xi32, #tpu.memory_space<hbm>> -> memref<128xi32, #tpu.memory_space<hbm>>
      %dma_wait3A_1037 = arith.constant 0 : i32
      %dma_wait3A_1038 = tpu.memref_slice %arg9[%run_scoped3A_10, %dma_wait3A_1037] : memref<4x128xi32, #tpu.memory_space<vmem>> -> memref<1x128xi32, #tpu.memory_space<vmem>>
      %dma_wait3A_1039 = tpu.memref_squeeze %dma_wait3A_1038 : memref<1x128xi32, #tpu.memory_space<vmem>> -> memref<128xi32, #tpu.memory_space<vmem>>
      %dma_wait3A_1040 = tpu.memref_slice %arg2[%add3A_9] : memref<16384xi32, #tpu.memory_space<hbm>> -> memref<128xi32, #tpu.memory_space<hbm>>
      tpu.wait_dma2 semaphore(%run_scoped3A_1024 : memref<!tpu.dma_semaphore, #tpu.memory_space<semaphore_mem>>) src(%dma_wait3A_1040 : memref<128xi32, #tpu.memory_space<hbm>>) dst(%dma_wait3A_1039 : memref<128xi32, #tpu.memory_space<vmem>>)
      tpu.yield
    }) : () -> ()
    %add3A_11 = arith.constant 128 : i32
    %add3A_12 = arith.addi %mul3A_2, %add3A_11 : i32
    %run_scoped3A_13 = arith.constant 1 : i32
    "tpu.region"() ({
      %run_scoped3A_1024 = tpu.sem_alloc : memref<!tpu.dma_semaphore, #tpu.memory_space<semaphore_mem>>
      %dma_start3A_1025 = arith.constant 0 : i32
      %dma_start3A_1026 = tpu.memref_slice %arg10[%run_scoped3A_13, %dma_start3A_1025] : memref<4x128xi32, #tpu.memory_space<vmem>> -> memref<1x128xi32, #tpu.memory_space<vmem>>
      %dma_start3A_1027 = tpu.memref_squeeze %dma_start3A_1026 : memref<1x128xi32, #tpu.memory_space<vmem>> -> memref<128xi32, #tpu.memory_space<vmem>>
      %dma_start3A_1028 = tpu.memref_slice %arg3[%add3A_12] : memref<16384xi32, #tpu.memory_space<hbm>> -> memref<128xi32, #tpu.memory_space<hbm>>
      %dma_start3A_1029 = arith.constant 0 : i32
      %dma_start3A_1030 = tpu.memref_slice %arg10[%run_scoped3A_13, %dma_start3A_1029] : memref<4x128xi32, #tpu.memory_space<vmem>> -> memref<1x128xi32, #tpu.memory_space<vmem>>
      %dma_start3A_1031 = tpu.memref_squeeze %dma_start3A_1030 : memref<1x128xi32, #tpu.memory_space<vmem>> -> memref<128xi32, #tpu.memory_space<vmem>>
      %dma_start3A_1032 = tpu.memref_slice %arg3[%add3A_12] : memref<16384xi32, #tpu.memory_space<hbm>> -> memref<128xi32, #tpu.memory_space<hbm>>
      tpu.enqueue_dma source(%dma_start3A_1032 : memref<128xi32, #tpu.memory_space<hbm>>) target(%dma_start3A_1031 : memref<128xi32, #tpu.memory_space<vmem>>) target_semaphore(%run_scoped3A_1024 : memref<!tpu.dma_semaphore, #tpu.memory_space<semaphore_mem>>)
      %dma_wait3A_1033 = arith.constant 0 : i32
      %dma_wait3A_1034 = tpu.memref_slice %arg10[%run_scoped3A_13, %dma_wait3A_1033] : memref<4x128xi32, #tpu.memory_space<vmem>> -> memref<1x128xi32, #tpu.memory_space<vmem>>
      %dma_wait3A_1035 = tpu.memref_squeeze %dma_wait3A_1034 : memref<1x128xi32, #tpu.memory_space<vmem>> -> memref<128xi32, #tpu.memory_space<vmem>>
      %dma_wait3A_1036 = tpu.memref_slice %arg3[%add3A_12] : memref<16384xi32, #tpu.memory_space<hbm>> -> memref<128xi32, #tpu.memory_space<hbm>>
      %dma_wait3A_1037 = arith.constant 0 : i32
      %dma_wait3A_1038 = tpu.memref_slice %arg10[%run_scoped3A_13, %dma_wait3A_1037] : memref<4x128xi32, #tpu.memory_space<vmem>> -> memref<1x128xi32, #tpu.memory_space<vmem>>
      %dma_wait3A_1039 = tpu.memref_squeeze %dma_wait3A_1038 : memref<1x128xi32, #tpu.memory_space<vmem>> -> memref<128xi32, #tpu.memory_space<vmem>>
      %dma_wait3A_1040 = tpu.memref_slice %arg3[%add3A_12] : memref<16384xi32, #tpu.memory_space<hbm>> -> memref<128xi32, #tpu.memory_space<hbm>>
      tpu.wait_dma2 semaphore(%run_scoped3A_1024 : memref<!tpu.dma_semaphore, #tpu.memory_space<semaphore_mem>>) src(%dma_wait3A_1040 : memref<128xi32, #tpu.memory_space<hbm>>) dst(%dma_wait3A_1039 : memref<128xi32, #tpu.memory_space<vmem>>)
      tpu.yield
    }) : () -> ()
    %add3A_14 = arith.constant 256 : i32
    %add3A_15 = arith.addi %mul3A_2, %add3A_14 : i32
    %run_scoped3A_16 = arith.constant 2 : i32
    "tpu.region"() ({
      %run_scoped3A_1024 = tpu.sem_alloc : memref<!tpu.dma_semaphore, #tpu.memory_space<semaphore_mem>>
      %dma_start3A_1025 = arith.constant 0 : i32
      %dma_start3A_1026 = tpu.memref_slice %arg9[%run_scoped3A_16, %dma_start3A_1025] : memref<4x128xi32, #tpu.memory_space<vmem>> -> memref<1x128xi32, #tpu.memory_space<vmem>>
      %dma_start3A_1027 = tpu.memref_squeeze %dma_start3A_1026 : memref<1x128xi32, #tpu.memory_space<vmem>> -> memref<128xi32, #tpu.memory_space<vmem>>
      %dma_start3A_1028 = tpu.memref_slice %arg2[%add3A_15] : memref<16384xi32, #tpu.memory_space<hbm>> -> memref<128xi32, #tpu.memory_space<hbm>>
      %dma_start3A_1029 = arith.constant 0 : i32
      %dma_start3A_1030 = tpu.memref_slice %arg9[%run_scoped3A_16, %dma_start3A_1029] : memref<4x128xi32, #tpu.memory_space<vmem>> -> memref<1x128xi32, #tpu.memory_space<vmem>>
      %dma_start3A_1031 = tpu.memref_squeeze %dma_start3A_1030 : memref<1x128xi32, #tpu.memory_space<vmem>> -> memref<128xi32, #tpu.memory_space<vmem>>
      %dma_start3A_1032 = tpu.memref_slice %arg2[%add3A_15] : memref<16384xi32, #tpu.memory_space<hbm>> -> memref<128xi32, #tpu.memory_space<hbm>>
      tpu.enqueue_dma source(%dma_start3A_1032 : memref<128xi32, #tpu.memory_space<hbm>>) target(%dma_start3A_1031 : memref<128xi32, #tpu.memory_space<vmem>>) target_semaphore(%run_scoped3A_1024 : memref<!tpu.dma_semaphore, #tpu.memory_space<semaphore_mem>>)
      %dma_wait3A_1033 = arith.constant 0 : i32
      %dma_wait3A_1034 = tpu.memref_slice %arg9[%run_scoped3A_16, %dma_wait3A_1033] : memref<4x128xi32, #tpu.memory_space<vmem>> -> memref<1x128xi32, #tpu.memory_space<vmem>>
      %dma_wait3A_1035 = tpu.memref_squeeze %dma_wait3A_1034 : memref<1x128xi32, #tpu.memory_space<vmem>> -> memref<128xi32, #tpu.memory_space<vmem>>
      %dma_wait3A_1036 = tpu.memref_slice %arg2[%add3A_15] : memref<16384xi32, #tpu.memory_space<hbm>> -> memref<128xi32, #tpu.memory_space<hbm>>
      %dma_wait3A_1037 = arith.constant 0 : i32
      %dma_wait3A_1038 = tpu.memref_slice %arg9[%run_scoped3A_16, %dma_wait3A_1037] : memref<4x128xi32, #tpu.memory_space<vmem>> -> memref<1x128xi32, #tpu.memory_space<vmem>>
      %dma_wait3A_1039 = tpu.memref_squeeze %dma_wait3A_1038 : memref<1x128xi32, #tpu.memory_space<vmem>> -> memref<128xi32, #tpu.memory_space<vmem>>
      %dma_wait3A_1040 = tpu.memref_slice %arg2[%add3A_15] : memref<16384xi32, #tpu.memory_space<hbm>> -> memref<128xi32, #tpu.memory_space<hbm>>
      tpu.wait_dma2 semaphore(%run_scoped3A_1024 : memref<!tpu.dma_semaphore, #tpu.memory_space<semaphore_mem>>) src(%dma_wait3A_1040 : memref<128xi32, #tpu.memory_space<hbm>>) dst(%dma_wait3A_1039 : memref<128xi32, #tpu.memory_space<vmem>>)
      tpu.yield
    }) : () -> ()
    %add3A_17 = arith.constant 256 : i32
    %add3A_18 = arith.addi %mul3A_2, %add3A_17 : i32
    %run_scoped3A_19 = arith.constant 2 : i32
    "tpu.region"() ({
      %run_scoped3A_1024 = tpu.sem_alloc : memref<!tpu.dma_semaphore, #tpu.memory_space<semaphore_mem>>
      %dma_start3A_1025 = arith.constant 0 : i32
      %dma_start3A_1026 = tpu.memref_slice %arg10[%run_scoped3A_19, %dma_start3A_1025] : memref<4x128xi32, #tpu.memory_space<vmem>> -> memref<1x128xi32, #tpu.memory_space<vmem>>
      %dma_start3A_1027 = tpu.memref_squeeze %dma_start3A_1026 : memref<1x128xi32, #tpu.memory_space<vmem>> -> memref<128xi32, #tpu.memory_space<vmem>>
      %dma_start3A_1028 = tpu.memref_slice %arg3[%add3A_18] : memref<16384xi32, #tpu.memory_space<hbm>> -> memref<128xi32, #tpu.memory_space<hbm>>
      %dma_start3A_1029 = arith.constant 0 : i32
      %dma_start3A_1030 = tpu.memref_slice %arg10[%run_scoped3A_19, %dma_start3A_1029] : memref<4x128xi32, #tpu.memory_space<vmem>> -> memref<1x128xi32, #tpu.memory_space<vmem>>
      %dma_start3A_1031 = tpu.memref_squeeze %dma_start3A_1030 : memref<1x128xi32, #tpu.memory_space<vmem>> -> memref<128xi32, #tpu.memory_space<vmem>>
      %dma_start3A_1032 = tpu.memref_slice %arg3[%add3A_18] : memref<16384xi32, #tpu.memory_space<hbm>> -> memref<128xi32, #tpu.memory_space<hbm>>
      tpu.enqueue_dma source(%dma_start3A_1032 : memref<128xi32, #tpu.memory_space<hbm>>) target(%dma_start3A_1031 : memref<128xi32, #tpu.memory_space<vmem>>) target_semaphore(%run_scoped3A_1024 : memref<!tpu.dma_semaphore, #tpu.memory_space<semaphore_mem>>)
      %dma_wait3A_1033 = arith.constant 0 : i32
      %dma_wait3A_1034 = tpu.memref_slice %arg10[%run_scoped3A_19, %dma_wait3A_1033] : memref<4x128xi32, #tpu.memory_space<vmem>> -> memref<1x128xi32, #tpu.memory_space<vmem>>
      %dma_wait3A_1035 = tpu.memref_squeeze %dma_wait3A_1034 : memref<1x128xi32, #tpu.memory_space<vmem>> -> memref<128xi32, #tpu.memory_space<vmem>>
      %dma_wait3A_1036 = tpu.memref_slice %arg3[%add3A_18] : memref<16384xi32, #tpu.memory_space<hbm>> -> memref<128xi32, #tpu.memory_space<hbm>>
      %dma_wait3A_1037 = arith.constant 0 : i32
      %dma_wait3A_1038 = tpu.memref_slice %arg10[%run_scoped3A_19, %dma_wait3A_1037] : memref<4x128xi32, #tpu.memory_space<vmem>> -> memref<1x128xi32, #tpu.memory_space<vmem>>
      %dma_wait3A_1039 = tpu.memref_squeeze %dma_wait3A_1038 : memref<1x128xi32, #tpu.memory_space<vmem>> -> memref<128xi32, #tpu.memory_space<vmem>>
      %dma_wait3A_1040 = tpu.memref_slice %arg3[%add3A_18] : memref<16384xi32, #tpu.memory_space<hbm>> -> memref<128xi32, #tpu.memory_space<hbm>>
      tpu.wait_dma2 semaphore(%run_scoped3A_1024 : memref<!tpu.dma_semaphore, #tpu.memory_space<semaphore_mem>>) src(%dma_wait3A_1040 : memref<128xi32, #tpu.memory_space<hbm>>) dst(%dma_wait3A_1039 : memref<128xi32, #tpu.memory_space<vmem>>)
      tpu.yield
    }) : () -> ()
    %add3A_20 = arith.constant 384 : i32
    %add3A_21 = arith.addi %mul3A_2, %add3A_20 : i32
    %run_scoped3A_22 = arith.constant 3 : i32
    "tpu.region"() ({
      %run_scoped3A_1024 = tpu.sem_alloc : memref<!tpu.dma_semaphore, #tpu.memory_space<semaphore_mem>>
      %dma_start3A_1025 = arith.constant 0 : i32
      %dma_start3A_1026 = tpu.memref_slice %arg9[%run_scoped3A_22, %dma_start3A_1025] : memref<4x128xi32, #tpu.memory_space<vmem>> -> memref<1x128xi32, #tpu.memory_space<vmem>>
      %dma_start3A_1027 = tpu.memref_squeeze %dma_start3A_1026 : memref<1x128xi32, #tpu.memory_space<vmem>> -> memref<128xi32, #tpu.memory_space<vmem>>
      %dma_start3A_1028 = tpu.memref_slice %arg2[%add3A_21] : memref<16384xi32, #tpu.memory_space<hbm>> -> memref<128xi32, #tpu.memory_space<hbm>>
      %dma_start3A_1029 = arith.constant 0 : i32
      %dma_start3A_1030 = tpu.memref_slice %arg9[%run_scoped3A_22, %dma_start3A_1029] : memref<4x128xi32, #tpu.memory_space<vmem>> -> memref<1x128xi32, #tpu.memory_space<vmem>>
      %dma_start3A_1031 = tpu.memref_squeeze %dma_start3A_1030 : memref<1x128xi32, #tpu.memory_space<vmem>> -> memref<128xi32, #tpu.memory_space<vmem>>
      %dma_start3A_1032 = tpu.memref_slice %arg2[%add3A_21] : memref<16384xi32, #tpu.memory_space<hbm>> -> memref<128xi32, #tpu.memory_space<hbm>>
      tpu.enqueue_dma source(%dma_start3A_1032 : memref<128xi32, #tpu.memory_space<hbm>>) target(%dma_start3A_1031 : memref<128xi32, #tpu.memory_space<vmem>>) target_semaphore(%run_scoped3A_1024 : memref<!tpu.dma_semaphore, #tpu.memory_space<semaphore_mem>>)
      %dma_wait3A_1033 = arith.constant 0 : i32
      %dma_wait3A_1034 = tpu.memref_slice %arg9[%run_scoped3A_22, %dma_wait3A_1033] : memref<4x128xi32, #tpu.memory_space<vmem>> -> memref<1x128xi32, #tpu.memory_space<vmem>>
      %dma_wait3A_1035 = tpu.memref_squeeze %dma_wait3A_1034 : memref<1x128xi32, #tpu.memory_space<vmem>> -> memref<128xi32, #tpu.memory_space<vmem>>
      %dma_wait3A_1036 = tpu.memref_slice %arg2[%add3A_21] : memref<16384xi32, #tpu.memory_space<hbm>> -> memref<128xi32, #tpu.memory_space<hbm>>
      %dma_wait3A_1037 = arith.constant 0 : i32
      %dma_wait3A_1038 = tpu.memref_slice %arg9[%run_scoped3A_22, %dma_wait3A_1037] : memref<4x128xi32, #tpu.memory_space<vmem>> -> memref<1x128xi32, #tpu.memory_space<vmem>>
      %dma_wait3A_1039 = tpu.memref_squeeze %dma_wait3A_1038 : memref<1x128xi32, #tpu.memory_space<vmem>> -> memref<128xi32, #tpu.memory_space<vmem>>
      %dma_wait3A_1040 = tpu.memref_slice %arg2[%add3A_21] : memref<16384xi32, #tpu.memory_space<hbm>> -> memref<128xi32, #tpu.memory_space<hbm>>
      tpu.wait_dma2 semaphore(%run_scoped3A_1024 : memref<!tpu.dma_semaphore, #tpu.memory_space<semaphore_mem>>) src(%dma_wait3A_1040 : memref<128xi32, #tpu.memory_space<hbm>>) dst(%dma_wait3A_1039 : memref<128xi32, #tpu.memory_space<vmem>>)
      tpu.yield
    }) : () -> ()
    %add3A_23 = arith.constant 384 : i32
    %add3A_24 = arith.addi %mul3A_2, %add3A_23 : i32
    %run_scoped3A_25 = arith.constant 3 : i32
    "tpu.region"() ({
      %run_scoped3A_1024 = tpu.sem_alloc : memref<!tpu.dma_semaphore, #tpu.memory_space<semaphore_mem>>
      %dma_start3A_1025 = arith.constant 0 : i32
      %dma_start3A_1026 = tpu.memref_slice %arg10[%run_scoped3A_25, %dma_start3A_1025] : memref<4x128xi32, #tpu.memory_space<vmem>> -> memref<1x128xi32, #tpu.memory_space<vmem>>
      %dma_start3A_1027 = tpu.memref_squeeze %dma_start3A_1026 : memref<1x128xi32, #tpu.memory_space<vmem>> -> memref<128xi32, #tpu.memory_space<vmem>>
      %dma_start3A_1028 = tpu.memref_slice %arg3[%add3A_24] : memref<16384xi32, #tpu.memory_space<hbm>> -> memref<128xi32, #tpu.memory_space<hbm>>
      %dma_start3A_1029 = arith.constant 0 : i32
      %dma_start3A_1030 = tpu.memref_slice %arg10[%run_scoped3A_25, %dma_start3A_1029] : memref<4x128xi32, #tpu.memory_space<vmem>> -> memref<1x128xi32, #tpu.memory_space<vmem>>
      %dma_start3A_1031 = tpu.memref_squeeze %dma_start3A_1030 : memref<1x128xi32, #tpu.memory_space<vmem>> -> memref<128xi32, #tpu.memory_space<vmem>>
      %dma_start3A_1032 = tpu.memref_slice %arg3[%add3A_24] : memref<16384xi32, #tpu.memory_space<hbm>> -> memref<128xi32, #tpu.memory_space<hbm>>
      tpu.enqueue_dma source(%dma_start3A_1032 : memref<128xi32, #tpu.memory_space<hbm>>) target(%dma_start3A_1031 : memref<128xi32, #tpu.memory_space<vmem>>) target_semaphore(%run_scoped3A_1024 : memref<!tpu.dma_semaphore, #tpu.memory_space<semaphore_mem>>)
      %dma_wait3A_1033 = arith.constant 0 : i32
      %dma_wait3A_1034 = tpu.memref_slice %arg10[%run_scoped3A_25, %dma_wait3A_1033] : memref<4x128xi32, #tpu.memory_space<vmem>> -> memref<1x128xi32, #tpu.memory_space<vmem>>
      %dma_wait3A_1035 = tpu.memref_squeeze %dma_wait3A_1034 : memref<1x128xi32, #tpu.memory_space<vmem>> -> memref<128xi32, #tpu.memory_space<vmem>>
      %dma_wait3A_1036 = tpu.memref_slice %arg3[%add3A_24] : memref<16384xi32, #tpu.memory_space<hbm>> -> memref<128xi32, #tpu.memory_space<hbm>>
      %dma_wait3A_1037 = arith.constant 0 : i32
      %dma_wait3A_1038 = tpu.memref_slice %arg10[%run_scoped3A_25, %dma_wait3A_1037] : memref<4x128xi32, #tpu.memory_space<vmem>> -> memref<1x128xi32, #tpu.memory_space<vmem>>
      %dma_wait3A_1039 = tpu.memref_squeeze %dma_wait3A_1038 : memref<1x128xi32, #tpu.memory_space<vmem>> -> memref<128xi32, #tpu.memory_space<vmem>>
      %dma_wait3A_1040 = tpu.memref_slice %arg3[%add3A_24] : memref<16384xi32, #tpu.memory_space<hbm>> -> memref<128xi32, #tpu.memory_space<hbm>>
      tpu.wait_dma2 semaphore(%run_scoped3A_1024 : memref<!tpu.dma_semaphore, #tpu.memory_space<semaphore_mem>>) src(%dma_wait3A_1040 : memref<128xi32, #tpu.memory_space<hbm>>) dst(%dma_wait3A_1039 : memref<128xi32, #tpu.memory_space<vmem>>)
      tpu.yield
    }) : () -> ()
    %dma_start3A = arith.constant 0 : i32
    %dma_start3A_26 = arith.constant 0 : i32
    %dma_start3A_27 = tpu.memref_slice %arg15[%dma_start3A_26] : memref<512xf32, #tpu.memory_space<vmem>> -> memref<128xf32, #tpu.memory_space<vmem>>
    %dma_start3A_28 = arith.constant 0 : i32
    %dma_start3A_29 = tpu.memref_slice %arg9[%dma_start3A, %dma_start3A_28] : memref<4x128xi32, #tpu.memory_space<vmem>> -> memref<1x128xi32, #tpu.memory_space<vmem>>
    %dma_start3A_30 = tpu.memref_squeeze %dma_start3A_29 : memref<1x128xi32, #tpu.memory_space<vmem>> -> memref<128xi32, #tpu.memory_space<vmem>>
    %dma_start3A_31 = arith.constant 0 : i32
    %dma_start3A_32 = tpu.memref_slice %arg6[%dma_start3A_31] : memref<1000000xf32, #tpu.memory_space<hbm>> -> memref<1000000xf32, #tpu.memory_space<hbm>>
    tpu.enqueue_indirect_dma source(%dma_start3A_32 : memref<1000000xf32, #tpu.memory_space<hbm>>) target(%dma_start3A_27 : memref<128xf32, #tpu.memory_space<vmem>>) offsets(%dma_start3A_30 : memref<128xi32, #tpu.memory_space<vmem>>) semaphore(%arg18 : memref<!tpu.dma_semaphore, #tpu.memory_space<semaphore_mem>>)
    %dma_start3A_33 = arith.constant 0 : i32
    %dma_start3A_34 = arith.constant 0 : i32
    %dma_start3A_35 = tpu.memref_slice %arg16[%dma_start3A_34] : memref<512xf32, #tpu.memory_space<vmem>> -> memref<128xf32, #tpu.memory_space<vmem>>
    %dma_start3A_36 = arith.constant 0 : i32
    %dma_start3A_37 = tpu.memref_slice %arg10[%dma_start3A_33, %dma_start3A_36] : memref<4x128xi32, #tpu.memory_space<vmem>> -> memref<1x128xi32, #tpu.memory_space<vmem>>
    %dma_start3A_38 = tpu.memref_squeeze %dma_start3A_37 : memref<1x128xi32, #tpu.memory_space<vmem>> -> memref<128xi32, #tpu.memory_space<vmem>>
    %dma_start3A_39 = arith.constant 0 : i32
    %dma_start3A_40 = tpu.memref_slice %arg7[%dma_start3A_39] : memref<1000000xf32, #tpu.memory_space<hbm>> -> memref<1000000xf32, #tpu.memory_space<hbm>>
    tpu.enqueue_indirect_dma source(%dma_start3A_40 : memref<1000000xf32, #tpu.memory_space<hbm>>) target(%dma_start3A_35 : memref<128xf32, #tpu.memory_space<vmem>>) offsets(%dma_start3A_38 : memref<128xi32, #tpu.memory_space<vmem>>) semaphore(%arg18 : memref<!tpu.dma_semaphore, #tpu.memory_space<semaphore_mem>>)
    %dma_start3A_41 = arith.constant 1 : i32
    %dma_start3A_42 = arith.constant 128 : i32
    %dma_start3A_43 = tpu.memref_slice %arg15[%dma_start3A_42] : memref<512xf32, #tpu.memory_space<vmem>> -> memref<128xf32, #tpu.memory_space<vmem>>
    %dma_start3A_44 = arith.constant 0 : i32
    %dma_start3A_45 = tpu.memref_slice %arg9[%dma_start3A_41, %dma_start3A_44] : memref<4x128xi32, #tpu.memory_space<vmem>> -> memref<1x128xi32, #tpu.memory_space<vmem>>
    %dma_start3A_46 = tpu.memref_squeeze %dma_start3A_45 : memref<1x128xi32, #tpu.memory_space<vmem>> -> memref<128xi32, #tpu.memory_space<vmem>>
    %dma_start3A_47 = arith.constant 0 : i32
    %dma_start3A_48 = tpu.memref_slice %arg6[%dma_start3A_47] : memref<1000000xf32, #tpu.memory_space<hbm>> -> memref<1000000xf32, #tpu.memory_space<hbm>>
    tpu.enqueue_indirect_dma source(%dma_start3A_48 : memref<1000000xf32, #tpu.memory_space<hbm>>) target(%dma_start3A_43 : memref<128xf32, #tpu.memory_space<vmem>>) offsets(%dma_start3A_46 : memref<128xi32, #tpu.memory_space<vmem>>) semaphore(%arg18 : memref<!tpu.dma_semaphore, #tpu.memory_space<semaphore_mem>>)
    %dma_start3A_49 = arith.constant 1 : i32
    %dma_start3A_50 = arith.constant 128 : i32
    %dma_start3A_51 = tpu.memref_slice %arg16[%dma_start3A_50] : memref<512xf32, #tpu.memory_space<vmem>> -> memref<128xf32, #tpu.memory_space<vmem>>
    %dma_start3A_52 = arith.constant 0 : i32
    %dma_start3A_53 = tpu.memref_slice %arg10[%dma_start3A_49, %dma_start3A_52] : memref<4x128xi32, #tpu.memory_space<vmem>> -> memref<1x128xi32, #tpu.memory_space<vmem>>
    %dma_start3A_54 = tpu.memref_squeeze %dma_start3A_53 : memref<1x128xi32, #tpu.memory_space<vmem>> -> memref<128xi32, #tpu.memory_space<vmem>>
    %dma_start3A_55 = arith.constant 0 : i32
    %dma_start3A_56 = tpu.memref_slice %arg7[%dma_start3A_55] : memref<1000000xf32, #tpu.memory_space<hbm>> -> memref<1000000xf32, #tpu.memory_space<hbm>>
    tpu.enqueue_indirect_dma source(%dma_start3A_56 : memref<1000000xf32, #tpu.memory_space<hbm>>) target(%dma_start3A_51 : memref<128xf32, #tpu.memory_space<vmem>>) offsets(%dma_start3A_54 : memref<128xi32, #tpu.memory_space<vmem>>) semaphore(%arg18 : memref<!tpu.dma_semaphore, #tpu.memory_space<semaphore_mem>>)
    %dma_start3A_57 = arith.constant 2 : i32
    %dma_start3A_58 = arith.constant 256 : i32
    %dma_start3A_59 = tpu.memref_slice %arg15[%dma_start3A_58] : memref<512xf32, #tpu.memory_space<vmem>> -> memref<128xf32, #tpu.memory_space<vmem>>
    %dma_start3A_60 = arith.constant 0 : i32
    %dma_start3A_61 = tpu.memref_slice %arg9[%dma_start3A_57, %dma_start3A_60] : memref<4x128xi32, #tpu.memory_space<vmem>> -> memref<1x128xi32, #tpu.memory_space<vmem>>
    %dma_start3A_62 = tpu.memref_squeeze %dma_start3A_61 : memref<1x128xi32, #tpu.memory_space<vmem>> -> memref<128xi32, #tpu.memory_space<vmem>>
    %dma_start3A_63 = arith.constant 0 : i32
    %dma_start3A_64 = tpu.memref_slice %arg6[%dma_start3A_63] : memref<1000000xf32, #tpu.memory_space<hbm>> -> memref<1000000xf32, #tpu.memory_space<hbm>>
    tpu.enqueue_indirect_dma source(%dma_start3A_64 : memref<1000000xf32, #tpu.memory_space<hbm>>) target(%dma_start3A_59 : memref<128xf32, #tpu.memory_space<vmem>>) offsets(%dma_start3A_62 : memref<128xi32, #tpu.memory_space<vmem>>) semaphore(%arg18 : memref<!tpu.dma_semaphore, #tpu.memory_space<semaphore_mem>>)
    %dma_start3A_65 = arith.constant 2 : i32
    %dma_start3A_66 = arith.constant 256 : i32
    %dma_start3A_67 = tpu.memref_slice %arg16[%dma_start3A_66] : memref<512xf32, #tpu.memory_space<vmem>> -> memref<128xf32, #tpu.memory_space<vmem>>
    %dma_start3A_68 = arith.constant 0 : i32
    %dma_start3A_69 = tpu.memref_slice %arg10[%dma_start3A_65, %dma_start3A_68] : memref<4x128xi32, #tpu.memory_space<vmem>> -> memref<1x128xi32, #tpu.memory_space<vmem>>
    %dma_start3A_70 = tpu.memref_squeeze %dma_start3A_69 : memref<1x128xi32, #tpu.memory_space<vmem>> -> memref<128xi32, #tpu.memory_space<vmem>>
    %dma_start3A_71 = arith.constant 0 : i32
    %dma_start3A_72 = tpu.memref_slice %arg7[%dma_start3A_71] : memref<1000000xf32, #tpu.memory_space<hbm>> -> memref<1000000xf32, #tpu.memory_space<hbm>>
    tpu.enqueue_indirect_dma source(%dma_start3A_72 : memref<1000000xf32, #tpu.memory_space<hbm>>) target(%dma_start3A_67 : memref<128xf32, #tpu.memory_space<vmem>>) offsets(%dma_start3A_70 : memref<128xi32, #tpu.memory_space<vmem>>) semaphore(%arg18 : memref<!tpu.dma_semaphore, #tpu.memory_space<semaphore_mem>>)
    %dma_start3A_73 = arith.constant 3 : i32
    %dma_start3A_74 = arith.constant 384 : i32
    %dma_start3A_75 = tpu.memref_slice %arg15[%dma_start3A_74] : memref<512xf32, #tpu.memory_space<vmem>> -> memref<128xf32, #tpu.memory_space<vmem>>
    %dma_start3A_76 = arith.constant 0 : i32
    %dma_start3A_77 = tpu.memref_slice %arg9[%dma_start3A_73, %dma_start3A_76] : memref<4x128xi32, #tpu.memory_space<vmem>> -> memref<1x128xi32, #tpu.memory_space<vmem>>
    %dma_start3A_78 = tpu.memref_squeeze %dma_start3A_77 : memref<1x128xi32, #tpu.memory_space<vmem>> -> memref<128xi32, #tpu.memory_space<vmem>>
    %dma_start3A_79 = arith.constant 0 : i32
    %dma_start3A_80 = tpu.memref_slice %arg6[%dma_start3A_79] : memref<1000000xf32, #tpu.memory_space<hbm>> -> memref<1000000xf32, #tpu.memory_space<hbm>>
    tpu.enqueue_indirect_dma source(%dma_start3A_80 : memref<1000000xf32, #tpu.memory_space<hbm>>) target(%dma_start3A_75 : memref<128xf32, #tpu.memory_space<vmem>>) offsets(%dma_start3A_78 : memref<128xi32, #tpu.memory_space<vmem>>) semaphore(%arg18 : memref<!tpu.dma_semaphore, #tpu.memory_space<semaphore_mem>>)
    %dma_start3A_81 = arith.constant 3 : i32
    %dma_start3A_82 = arith.constant 384 : i32
    %dma_start3A_83 = tpu.memref_slice %arg16[%dma_start3A_82] : memref<512xf32, #tpu.memory_space<vmem>> -> memref<128xf32, #tpu.memory_space<vmem>>
    %dma_start3A_84 = arith.constant 0 : i32
    %dma_start3A_85 = tpu.memref_slice %arg10[%dma_start3A_81, %dma_start3A_84] : memref<4x128xi32, #tpu.memory_space<vmem>> -> memref<1x128xi32, #tpu.memory_space<vmem>>
    %dma_start3A_86 = tpu.memref_squeeze %dma_start3A_85 : memref<1x128xi32, #tpu.memory_space<vmem>> -> memref<128xi32, #tpu.memory_space<vmem>>
    %dma_start3A_87 = arith.constant 0 : i32
    %dma_start3A_88 = tpu.memref_slice %arg7[%dma_start3A_87] : memref<1000000xf32, #tpu.memory_space<hbm>> -> memref<1000000xf32, #tpu.memory_space<hbm>>
    tpu.enqueue_indirect_dma source(%dma_start3A_88 : memref<1000000xf32, #tpu.memory_space<hbm>>) target(%dma_start3A_83 : memref<128xf32, #tpu.memory_space<vmem>>) offsets(%dma_start3A_86 : memref<128xi32, #tpu.memory_space<vmem>>) semaphore(%arg18 : memref<!tpu.dma_semaphore, #tpu.memory_space<semaphore_mem>>)
    %get3A = arith.constant 0 : i32
    %get3A_89 = arith.index_cast %get3A : i32 to index
    %get3A_90 = arith.constant 0 : index
    %get3A_91 = tpu.vector_load %arg9[%get3A_89, %get3A_90] {strides = array<i32>} : memref<4x128xi32, #tpu.memory_space<vmem>>, vector<16xi32>,
    %shift_right_logical3A = arith.constant 2 : i32
    %shift_right_logical3A_92 = vector.broadcast %shift_right_logical3A : i32 to vector<16xi32>
    %shift_right_logical3A_93 = arith.shrui %get3A_91, %shift_right_logical3A_92 : vector<16xi32>
    %swap3A = arith.constant 0 : i32
    %swap3A_94 = arith.index_cast %swap3A : i32 to index
    %swap3A_95 = arith.constant 0 : index
    %swap3A_96 = tpu.vector_load %arg11[%swap3A_94, %swap3A_95] {strides = array<i32>} : memref<4x128xi32, #tpu.memory_space<vmem>>, vector<16xi32>,
    tpu.vector_store %arg11[%swap3A_94, %swap3A_95], %shift_right_logical3A_93 {strides = array<i32>} : memref<4x128xi32, #tpu.memory_space<vmem>>, vector<16xi32>,
    %get3A_97 = arith.constant 0 : i32
    %get3A_98 = arith.index_cast %get3A_97 : i32 to index
    %get3A_99 = arith.constant 0 : index
    %get3A_100 = tpu.vector_load %arg10[%get3A_98, %get3A_99] {strides = array<i32>} : memref<4x128xi32, #tpu.memory_space<vmem>>, vector<16xi32>,
    %shift_right_logical3A_101 = arith.constant 2 : i32
    %shift_right_logical3A_102 = vector.broadcast %shift_right_logical3A_101 : i32 to vector<16xi32>
    %shift_right_logical3A_103 = arith.shrui %get3A_100, %shift_right_logical3A_102 : vector<16xi32>
    %swap3A_104 = arith.constant 0 : i32
    %swap3A_105 = arith.index_cast %swap3A_104 : i32 to index
    %swap3A_106 = arith.constant 0 : index
    %swap3A_107 = tpu.vector_load %arg12[%swap3A_105, %swap3A_106] {strides = array<i32>} : memref<4x128xi32, #tpu.memory_space<vmem>>, vector<16xi32>,
    tpu.vector_store %arg12[%swap3A_105, %swap3A_106], %shift_right_logical3A_103 {strides = array<i32>} : memref<4x128xi32, #tpu.memory_space<vmem>>, vector<16xi32>,
    %get3A_108 = arith.constant 0 : i32
    %get3A_109 = arith.index_cast %get3A_108 : i32 to index
    %get3A_110 = arith.constant 16 : index
    %get3A_111 = tpu.vector_load %arg9[%get3A_109, %get3A_110] {strides = array<i32>} : memref<4x128xi32, #tpu.memory_space<vmem>>, vector<16xi32>,
    %shift_right_logical3A_112 = arith.constant 2 : i32
    %shift_right_logical3A_113 = vector.broadcast %shift_right_logical3A_112 : i32 to vector<16xi32>
    %shift_right_logical3A_114 = arith.shrui %get3A_111, %shift_right_logical3A_113 : vector<16xi32>
    %swap3A_115 = arith.constant 0 : i32
    %swap3A_116 = arith.index_cast %swap3A_115 : i32 to index
    %swap3A_117 = arith.constant 16 : index
    %swap3A_118 = tpu.vector_load %arg11[%swap3A_116, %swap3A_117] {strides = array<i32>} : memref<4x128xi32, #tpu.memory_space<vmem>>, vector<16xi32>,
    tpu.vector_store %arg11[%swap3A_116, %swap3A_117], %shift_right_logical3A_114 {strides = array<i32>} : memref<4x128xi32, #tpu.memory_space<vmem>>, vector<16xi32>,
    %get3A_119 = arith.constant 0 : i32
    %get3A_120 = arith.index_cast %get3A_119 : i32 to index
    %get3A_121 = arith.constant 16 : index
    %get3A_122 = tpu.vector_load %arg10[%get3A_120, %get3A_121] {strides = array<i32>} : memref<4x128xi32, #tpu.memory_space<vmem>>, vector<16xi32>,
    %shift_right_logical3A_123 = arith.constant 2 : i32
    %shift_right_logical3A_124 = vector.broadcast %shift_right_logical3A_123 : i32 to vector<16xi32>
    %shift_right_logical3A_125 = arith.shrui %get3A_122, %shift_right_logical3A_124 : vector<16xi32>
    %swap3A_126 = arith.constant 0 : i32
    %swap3A_127 = arith.index_cast %swap3A_126 : i32 to index
    %swap3A_128 = arith.constant 16 : index
    %swap3A_129 = tpu.vector_load %arg12[%swap3A_127, %swap3A_128] {strides = array<i32>} : memref<4x128xi32, #tpu.memory_space<vmem>>, vector<16xi32>,
    tpu.vector_store %arg12[%swap3A_127, %swap3A_128], %shift_right_logical3A_125 {strides = array<i32>} : memref<4x128xi32, #tpu.memory_space<vmem>>, vector<16xi32>,
    %get3A_130 = arith.constant 0 : i32
    %get3A_131 = arith.index_cast %get3A_130 : i32 to index
    %get3A_132 = arith.constant 32 : index
    %get3A_133 = tpu.vector_load %arg9[%get3A_131, %get3A_132] {strides = array<i32>} : memref<4x128xi32, #tpu.memory_space<vmem>>, vector<16xi32>,
    %shift_right_logical3A_134 = arith.constant 2 : i32
    %shift_right_logical3A_135 = vector.broadcast %shift_right_logical3A_134 : i32 to vector<16xi32>
    %shift_right_logical3A_136 = arith.shrui %get3A_133, %shift_right_logical3A_135 : vector<16xi32>
    %swap3A_137 = arith.constant 0 : i32
    %swap3A_138 = arith.index_cast %swap3A_137 : i32 to index
    %swap3A_139 = arith.constant 32 : index
    %swap3A_140 = tpu.vector_load %arg11[%swap3A_138, %swap3A_139] {strides = array<i32>} : memref<4x128xi32, #tpu.memory_space<vmem>>, vector<16xi32>,
    tpu.vector_store %arg11[%swap3A_138, %swap3A_139], %shift_right_logical3A_136 {strides = array<i32>} : memref<4x128xi32, #tpu.memory_space<vmem>>, vector<16xi32>,
    %get3A_141 = arith.constant 0 : i32
    %get3A_142 = arith.index_cast %get3A_141 : i32 to index
    %get3A_143 = arith.constant 32 : index
    %get3A_144 = tpu.vector_load %arg10[%get3A_142, %get3A_143] {strides = array<i32>} : memref<4x128xi32, #tpu.memory_space<vmem>>, vector<16xi32>,
    %shift_right_logical3A_145 = arith.constant 2 : i32
    %shift_right_logical3A_146 = vector.broadcast %shift_right_logical3A_145 : i32 to vector<16xi32>
    %shift_right_logical3A_147 = arith.shrui %get3A_144, %shift_right_logical3A_146 : vector<16xi32>
    %swap3A_148 = arith.constant 0 : i32
    %swap3A_149 = arith.index_cast %swap3A_148 : i32 to index
    %swap3A_150 = arith.constant 32 : index
    %swap3A_151 = tpu.vector_load %arg12[%swap3A_149, %swap3A_150] {strides = array<i32>} : memref<4x128xi32, #tpu.memory_space<vmem>>, vector<16xi32>,
    tpu.vector_store %arg12[%swap3A_149, %swap3A_150], %shift_right_logical3A_147 {strides = array<i32>} : memref<4x128xi32, #tpu.memory_space<vmem>>, vector<16xi32>,
    %get3A_152 = arith.constant 0 : i32
    %get3A_153 = arith.index_cast %get3A_152 : i32 to index
    %get3A_154 = arith.constant 48 : index
    %get3A_155 = tpu.vector_load %arg9[%get3A_153, %get3A_154] {strides = array<i32>} : memref<4x128xi32, #tpu.memory_space<vmem>>, vector<16xi32>,
    %shift_right_logical3A_156 = arith.constant 2 : i32
    %shift_right_logical3A_157 = vector.broadcast %shift_right_logical3A_156 : i32 to vector<16xi32>
    %shift_right_logical3A_158 = arith.shrui %get3A_155, %shift_right_logical3A_157 : vector<16xi32>
    %swap3A_159 = arith.constant 0 : i32
    %swap3A_160 = arith.index_cast %swap3A_159 : i32 to index
    %swap3A_161 = arith.constant 48 : index
    %swap3A_162 = tpu.vector_load %arg11[%swap3A_160, %swap3A_161] {strides = array<i32>} : memref<4x128xi32, #tpu.memory_space<vmem>>, vector<16xi32>,
    tpu.vector_store %arg11[%swap3A_160, %swap3A_161], %shift_right_logical3A_158 {strides = array<i32>} : memref<4x128xi32, #tpu.memory_space<vmem>>, vector<16xi32>,
    %get3A_163 = arith.constant 0 : i32
    %get3A_164 = arith.index_cast %get3A_163 : i32 to index
    %get3A_165 = arith.constant 48 : index
    %get3A_166 = tpu.vector_load %arg10[%get3A_164, %get3A_165] {strides = array<i32>} : memref<4x128xi32, #tpu.memory_space<vmem>>, vector<16xi32>,
    %shift_right_logical3A_167 = arith.constant 2 : i32
    %shift_right_logical3A_168 = vector.broadcast %shift_right_logical3A_167 : i32 to vector<16xi32>
    %shift_right_logical3A_169 = arith.shrui %get3A_166, %shift_right_logical3A_168 : vector<16xi32>
    %swap3A_170 = arith.constant 0 : i32
    %swap3A_171 = arith.index_cast %swap3A_170 : i32 to index
    %swap3A_172 = arith.constant 48 : index
    %swap3A_173 = tpu.vector_load %arg12[%swap3A_171, %swap3A_172] {strides = array<i32>} : memref<4x128xi32, #tpu.memory_space<vmem>>, vector<16xi32>,
    tpu.vector_store %arg12[%swap3A_171, %swap3A_172], %shift_right_logical3A_169 {strides = array<i32>} : memref<4x128xi32, #tpu.memory_space<vmem>>, vector<16xi32>,
    %get3A_174 = arith.constant 0 : i32
    %get3A_175 = arith.index_cast %get3A_174 : i32 to index
    %get3A_176 = arith.constant 64 : index
    %get3A_177 = tpu.vector_load %arg9[%get3A_175, %get3A_176] {strides = array<i32>} : memref<4x128xi32, #tpu.memory_space<vmem>>, vector<16xi32>,
    %shift_right_logical3A_178 = arith.constant 2 : i32
    %shift_right_logical3A_179 = vector.broadcast %shift_right_logical3A_178 : i32 to vector<16xi32>
    %shift_right_logical3A_180 = arith.shrui %get3A_177, %shift_right_logical3A_179 : vector<16xi32>
    %swap3A_181 = arith.constant 0 : i32
    %swap3A_182 = arith.index_cast %swap3A_181 : i32 to index
    %swap3A_183 = arith.constant 64 : index
    %swap3A_184 = tpu.vector_load %arg11[%swap3A_182, %swap3A_183] {strides = array<i32>} : memref<4x128xi32, #tpu.memory_space<vmem>>, vector<16xi32>,
    tpu.vector_store %arg11[%swap3A_182, %swap3A_183], %shift_right_logical3A_180 {strides = array<i32>} : memref<4x128xi32, #tpu.memory_space<vmem>>, vector<16xi32>,
    %get3A_185 = arith.constant 0 : i32
    %get3A_186 = arith.index_cast %get3A_185 : i32 to index
    %get3A_187 = arith.constant 64 : index
    %get3A_188 = tpu.vector_load %arg10[%get3A_186, %get3A_187] {strides = array<i32>} : memref<4x128xi32, #tpu.memory_space<vmem>>, vector<16xi32>,
    %shift_right_logical3A_189 = arith.constant 2 : i32
    %shift_right_logical3A_190 = vector.broadcast %shift_right_logical3A_189 : i32 to vector<16xi32>
    %shift_right_logical3A_191 = arith.shrui %get3A_188, %shift_right_logical3A_190 : vector<16xi32>
    %swap3A_192 = arith.constant 0 : i32
    %swap3A_193 = arith.index_cast %swap3A_192 : i32 to index
    %swap3A_194 = arith.constant 64 : index
    %swap3A_195 = tpu.vector_load %arg12[%swap3A_193, %swap3A_194] {strides = array<i32>} : memref<4x128xi32, #tpu.memory_space<vmem>>, vector<16xi32>,
    tpu.vector_store %arg12[%swap3A_193, %swap3A_194], %shift_right_logical3A_191 {strides = array<i32>} : memref<4x128xi32, #tpu.memory_space<vmem>>, vector<16xi32>,
    %get3A_196 = arith.constant 0 : i32
    %get3A_197 = arith.index_cast %get3A_196 : i32 to index
    %get3A_198 = arith.constant 80 : index
    %get3A_199 = tpu.vector_load %arg9[%get3A_197, %get3A_198] {strides = array<i32>} : memref<4x128xi32, #tpu.memory_space<vmem>>, vector<16xi32>,
    %shift_right_logical3A_200 = arith.constant 2 : i32
    %shift_right_logical3A_201 = vector.broadcast %shift_right_logical3A_200 : i32 to vector<16xi32>
    %shift_right_logical3A_202 = arith.shrui %get3A_199, %shift_right_logical3A_201 : vector<16xi32>
    %swap3A_203 = arith.constant 0 : i32
    %swap3A_204 = arith.index_cast %swap3A_203 : i32 to index
    %swap3A_205 = arith.constant 80 : index
    %swap3A_206 = tpu.vector_load %arg11[%swap3A_204, %swap3A_205] {strides = array<i32>} : memref<4x128xi32, #tpu.memory_space<vmem>>, vector<16xi32>,
    tpu.vector_store %arg11[%swap3A_204, %swap3A_205], %shift_right_logical3A_202 {strides = array<i32>} : memref<4x128xi32, #tpu.memory_space<vmem>>, vector<16xi32>,
    %get3A_207 = arith.constant 0 : i32
    %get3A_208 = arith.index_cast %get3A_207 : i32 to index
    %get3A_209 = arith.constant 80 : index
    %get3A_210 = tpu.vector_load %arg10[%get3A_208, %get3A_209] {strides = array<i32>} : memref<4x128xi32, #tpu.memory_space<vmem>>, vector<16xi32>,
    %shift_right_logical3A_211 = arith.constant 2 : i32
    %shift_right_logical3A_212 = vector.broadcast %shift_right_logical3A_211 : i32 to vector<16xi32>
    %shift_right_logical3A_213 = arith.shrui %get3A_210, %shift_right_logical3A_212 : vector<16xi32>
    %swap3A_214 = arith.constant 0 : i32
    %swap3A_215 = arith.index_cast %swap3A_214 : i32 to index
    %swap3A_216 = arith.constant 80 : index
    %swap3A_217 = tpu.vector_load %arg12[%swap3A_215, %swap3A_216] {strides = array<i32>} : memref<4x128xi32, #tpu.memory_space<vmem>>, vector<16xi32>,
    tpu.vector_store %arg12[%swap3A_215, %swap3A_216], %shift_right_logical3A_213 {strides = array<i32>} : memref<4x128xi32, #tpu.memory_space<vmem>>, vector<16xi32>,
    %get3A_218 = arith.constant 0 : i32
    %get3A_219 = arith.index_cast %get3A_218 : i32 to index
    %get3A_220 = arith.constant 96 : index
    %get3A_221 = tpu.vector_load %arg9[%get3A_219, %get3A_220] {strides = array<i32>} : memref<4x128xi32, #tpu.memory_space<vmem>>, vector<16xi32>,
    %shift_right_logical3A_222 = arith.constant 2 : i32
    %shift_right_logical3A_223 = vector.broadcast %shift_right_logical3A_222 : i32 to vector<16xi32>
    %shift_right_logical3A_224 = arith.shrui %get3A_221, %shift_right_logical3A_223 : vector<16xi32>
    %swap3A_225 = arith.constant 0 : i32
    %swap3A_226 = arith.index_cast %swap3A_225 : i32 to index
    %swap3A_227 = arith.constant 96 : index
    %swap3A_228 = tpu.vector_load %arg11[%swap3A_226, %swap3A_227] {strides = array<i32>} : memref<4x128xi32, #tpu.memory_space<vmem>>, vector<16xi32>,
    tpu.vector_store %arg11[%swap3A_226, %swap3A_227], %shift_right_logical3A_224 {strides = array<i32>} : memref<4x128xi32, #tpu.memory_space<vmem>>, vector<16xi32>,
    %get3A_229 = arith.constant 0 : i32
    %get3A_230 = arith.index_cast %get3A_229 : i32 to index
    %get3A_231 = arith.constant 96 : index
    %get3A_232 = tpu.vector_load %arg10[%get3A_230, %get3A_231] {strides = array<i32>} : memref<4x128xi32, #tpu.memory_space<vmem>>, vector<16xi32>,
    %shift_right_logical3A_233 = arith.constant 2 : i32
    %shift_right_logical3A_234 = vector.broadcast %shift_right_logical3A_233 : i32 to vector<16xi32>
    %shift_right_logical3A_235 = arith.shrui %get3A_232, %shift_right_logical3A_234 : vector<16xi32>
    %swap3A_236 = arith.constant 0 : i32
    %swap3A_237 = arith.index_cast %swap3A_236 : i32 to index
    %swap3A_238 = arith.constant 96 : index
    %swap3A_239 = tpu.vector_load %arg12[%swap3A_237, %swap3A_238] {strides = array<i32>} : memref<4x128xi32, #tpu.memory_space<vmem>>, vector<16xi32>,
    tpu.vector_store %arg12[%swap3A_237, %swap3A_238], %shift_right_logical3A_235 {strides = array<i32>} : memref<4x128xi32, #tpu.memory_space<vmem>>, vector<16xi32>,
    %get3A_240 = arith.constant 0 : i32
    %get3A_241 = arith.index_cast %get3A_240 : i32 to index
    %get3A_242 = arith.constant 112 : index
    %get3A_243 = tpu.vector_load %arg9[%get3A_241, %get3A_242] {strides = array<i32>} : memref<4x128xi32, #tpu.memory_space<vmem>>, vector<16xi32>,
    %shift_right_logical3A_244 = arith.constant 2 : i32
    %shift_right_logical3A_245 = vector.broadcast %shift_right_logical3A_244 : i32 to vector<16xi32>
    %shift_right_logical3A_246 = arith.shrui %get3A_243, %shift_right_logical3A_245 : vector<16xi32>
    %swap3A_247 = arith.constant 0 : i32
    %swap3A_248 = arith.index_cast %swap3A_247 : i32 to index
    %swap3A_249 = arith.constant 112 : index
    %swap3A_250 = tpu.vector_load %arg11[%swap3A_248, %swap3A_249] {strides = array<i32>} : memref<4x128xi32, #tpu.memory_space<vmem>>, vector<16xi32>,
    tpu.vector_store %arg11[%swap3A_248, %swap3A_249], %shift_right_logical3A_246 {strides = array<i32>} : memref<4x128xi32, #tpu.memory_space<vmem>>, vector<16xi32>,
    %get3A_251 = arith.constant 0 : i32
    %get3A_252 = arith.index_cast %get3A_251 : i32 to index
    %get3A_253 = arith.constant 112 : index
    %get3A_254 = tpu.vector_load %arg10[%get3A_252, %get3A_253] {strides = array<i32>} : memref<4x128xi32, #tpu.memory_space<vmem>>, vector<16xi32>,
    %shift_right_logical3A_255 = arith.constant 2 : i32
    %shift_right_logical3A_256 = vector.broadcast %shift_right_logical3A_255 : i32 to vector<16xi32>
    %shift_right_logical3A_257 = arith.shrui %get3A_254, %shift_right_logical3A_256 : vector<16xi32>
    %swap3A_258 = arith.constant 0 : i32
    %swap3A_259 = arith.index_cast %swap3A_258 : i32 to index
    %swap3A_260 = arith.constant 112 : index
    %swap3A_261 = tpu.vector_load %arg12[%swap3A_259, %swap3A_260] {strides = array<i32>} : memref<4x128xi32, #tpu.memory_space<vmem>>, vector<16xi32>,
    tpu.vector_store %arg12[%swap3A_259, %swap3A_260], %shift_right_logical3A_257 {strides = array<i32>} : memref<4x128xi32, #tpu.memory_space<vmem>>, vector<16xi32>,
    %get3A_262 = arith.constant 1 : i32
    %get3A_263 = arith.index_cast %get3A_262 : i32 to index
    %get3A_264 = arith.constant 0 : index
    %get3A_265 = tpu.vector_load %arg9[%get3A_263, %get3A_264] {strides = array<i32>} : memref<4x128xi32, #tpu.memory_space<vmem>>, vector<16xi32>,
    %shift_right_logical3A_266 = arith.constant 2 : i32
    %shift_right_logical3A_267 = vector.broadcast %shift_right_logical3A_266 : i32 to vector<16xi32>
    %shift_right_logical3A_268 = arith.shrui %get3A_265, %shift_right_logical3A_267 : vector<16xi32>
    %swap3A_269 = arith.constant 1 : i32
    %swap3A_270 = arith.index_cast %swap3A_269 : i32 to index
    %swap3A_271 = arith.constant 0 : index
    %swap3A_272 = tpu.vector_load %arg11[%swap3A_270, %swap3A_271] {strides = array<i32>} : memref<4x128xi32, #tpu.memory_space<vmem>>, vector<16xi32>,
    tpu.vector_store %arg11[%swap3A_270, %swap3A_271], %shift_right_logical3A_268 {strides = array<i32>} : memref<4x128xi32, #tpu.memory_space<vmem>>, vector<16xi32>,
    %get3A_273 = arith.constant 1 : i32
    %get3A_274 = arith.index_cast %get3A_273 : i32 to index
    %get3A_275 = arith.constant 0 : index
    %get3A_276 = tpu.vector_load %arg10[%get3A_274, %get3A_275] {strides = array<i32>} : memref<4x128xi32, #tpu.memory_space<vmem>>, vector<16xi32>,
    %shift_right_logical3A_277 = arith.constant 2 : i32
    %shift_right_logical3A_278 = vector.broadcast %shift_right_logical3A_277 : i32 to vector<16xi32>
    %shift_right_logical3A_279 = arith.shrui %get3A_276, %shift_right_logical3A_278 : vector<16xi32>
    %swap3A_280 = arith.constant 1 : i32
    %swap3A_281 = arith.index_cast %swap3A_280 : i32 to index
    %swap3A_282 = arith.constant 0 : index
    %swap3A_283 = tpu.vector_load %arg12[%swap3A_281, %swap3A_282] {strides = array<i32>} : memref<4x128xi32, #tpu.memory_space<vmem>>, vector<16xi32>,
    tpu.vector_store %arg12[%swap3A_281, %swap3A_282], %shift_right_logical3A_279 {strides = array<i32>} : memref<4x128xi32, #tpu.memory_space<vmem>>, vector<16xi32>,
    %get3A_284 = arith.constant 1 : i32
    %get3A_285 = arith.index_cast %get3A_284 : i32 to index
    %get3A_286 = arith.constant 16 : index
    %get3A_287 = tpu.vector_load %arg9[%get3A_285, %get3A_286] {strides = array<i32>} : memref<4x128xi32, #tpu.memory_space<vmem>>, vector<16xi32>,
    %shift_right_logical3A_288 = arith.constant 2 : i32
    %shift_right_logical3A_289 = vector.broadcast %shift_right_logical3A_288 : i32 to vector<16xi32>
    %shift_right_logical3A_290 = arith.shrui %get3A_287, %shift_right_logical3A_289 : vector<16xi32>
    %swap3A_291 = arith.constant 1 : i32
    %swap3A_292 = arith.index_cast %swap3A_291 : i32 to index
    %swap3A_293 = arith.constant 16 : index
    %swap3A_294 = tpu.vector_load %arg11[%swap3A_292, %swap3A_293] {strides = array<i32>} : memref<4x128xi32, #tpu.memory_space<vmem>>, vector<16xi32>,
    tpu.vector_store %arg11[%swap3A_292, %swap3A_293], %shift_right_logical3A_290 {strides = array<i32>} : memref<4x128xi32, #tpu.memory_space<vmem>>, vector<16xi32>,
    %get3A_295 = arith.constant 1 : i32
    %get3A_296 = arith.index_cast %get3A_295 : i32 to index
    %get3A_297 = arith.constant 16 : index
    %get3A_298 = tpu.vector_load %arg10[%get3A_296, %get3A_297] {strides = array<i32>} : memref<4x128xi32, #tpu.memory_space<vmem>>, vector<16xi32>,
    %shift_right_logical3A_299 = arith.constant 2 : i32
    %shift_right_logical3A_300 = vector.broadcast %shift_right_logical3A_299 : i32 to vector<16xi32>
    %shift_right_logical3A_301 = arith.shrui %get3A_298, %shift_right_logical3A_300 : vector<16xi32>
    %swap3A_302 = arith.constant 1 : i32
    %swap3A_303 = arith.index_cast %swap3A_302 : i32 to index
    %swap3A_304 = arith.constant 16 : index
    %swap3A_305 = tpu.vector_load %arg12[%swap3A_303, %swap3A_304] {strides = array<i32>} : memref<4x128xi32, #tpu.memory_space<vmem>>, vector<16xi32>,
    tpu.vector_store %arg12[%swap3A_303, %swap3A_304], %shift_right_logical3A_301 {strides = array<i32>} : memref<4x128xi32, #tpu.memory_space<vmem>>, vector<16xi32>,
    %get3A_306 = arith.constant 1 : i32
    %get3A_307 = arith.index_cast %get3A_306 : i32 to index
    %get3A_308 = arith.constant 32 : index
    %get3A_309 = tpu.vector_load %arg9[%get3A_307, %get3A_308] {strides = array<i32>} : memref<4x128xi32, #tpu.memory_space<vmem>>, vector<16xi32>,
    %shift_right_logical3A_310 = arith.constant 2 : i32
    %shift_right_logical3A_311 = vector.broadcast %shift_right_logical3A_310 : i32 to vector<16xi32>
    %shift_right_logical3A_312 = arith.shrui %get3A_309, %shift_right_logical3A_311 : vector<16xi32>
    %swap3A_313 = arith.constant 1 : i32
    %swap3A_314 = arith.index_cast %swap3A_313 : i32 to index
    %swap3A_315 = arith.constant 32 : index
    %swap3A_316 = tpu.vector_load %arg11[%swap3A_314, %swap3A_315] {strides = array<i32>} : memref<4x128xi32, #tpu.memory_space<vmem>>, vector<16xi32>,
    tpu.vector_store %arg11[%swap3A_314, %swap3A_315], %shift_right_logical3A_312 {strides = array<i32>} : memref<4x128xi32, #tpu.memory_space<vmem>>, vector<16xi32>,
    %get3A_317 = arith.constant 1 : i32
    %get3A_318 = arith.index_cast %get3A_317 : i32 to index
    %get3A_319 = arith.constant 32 : index
    %get3A_320 = tpu.vector_load %arg10[%get3A_318, %get3A_319] {strides = array<i32>} : memref<4x128xi32, #tpu.memory_space<vmem>>, vector<16xi32>,
    %shift_right_logical3A_321 = arith.constant 2 : i32
    %shift_right_logical3A_322 = vector.broadcast %shift_right_logical3A_321 : i32 to vector<16xi32>
    %shift_right_logical3A_323 = arith.shrui %get3A_320, %shift_right_logical3A_322 : vector<16xi32>
    %swap3A_324 = arith.constant 1 : i32
    %swap3A_325 = arith.index_cast %swap3A_324 : i32 to index
    %swap3A_326 = arith.constant 32 : index
    %swap3A_327 = tpu.vector_load %arg12[%swap3A_325, %swap3A_326] {strides = array<i32>} : memref<4x128xi32, #tpu.memory_space<vmem>>, vector<16xi32>,
    tpu.vector_store %arg12[%swap3A_325, %swap3A_326], %shift_right_logical3A_323 {strides = array<i32>} : memref<4x128xi32, #tpu.memory_space<vmem>>, vector<16xi32>,
    %get3A_328 = arith.constant 1 : i32
    %get3A_329 = arith.index_cast %get3A_328 : i32 to index
    %get3A_330 = arith.constant 48 : index
    %get3A_331 = tpu.vector_load %arg9[%get3A_329, %get3A_330] {strides = array<i32>} : memref<4x128xi32, #tpu.memory_space<vmem>>, vector<16xi32>,
    %shift_right_logical3A_332 = arith.constant 2 : i32
    %shift_right_logical3A_333 = vector.broadcast %shift_right_logical3A_332 : i32 to vector<16xi32>
    %shift_right_logical3A_334 = arith.shrui %get3A_331, %shift_right_logical3A_333 : vector<16xi32>
    %swap3A_335 = arith.constant 1 : i32
    %swap3A_336 = arith.index_cast %swap3A_335 : i32 to index
    %swap3A_337 = arith.constant 48 : index
    %swap3A_338 = tpu.vector_load %arg11[%swap3A_336, %swap3A_337] {strides = array<i32>} : memref<4x128xi32, #tpu.memory_space<vmem>>, vector<16xi32>,
    tpu.vector_store %arg11[%swap3A_336, %swap3A_337], %shift_right_logical3A_334 {strides = array<i32>} : memref<4x128xi32, #tpu.memory_space<vmem>>, vector<16xi32>,
    %get3A_339 = arith.constant 1 : i32
    %get3A_340 = arith.index_cast %get3A_339 : i32 to index
    %get3A_341 = arith.constant 48 : index
    %get3A_342 = tpu.vector_load %arg10[%get3A_340, %get3A_341] {strides = array<i32>} : memref<4x128xi32, #tpu.memory_space<vmem>>, vector<16xi32>,
    %shift_right_logical3A_343 = arith.constant 2 : i32
    %shift_right_logical3A_344 = vector.broadcast %shift_right_logical3A_343 : i32 to vector<16xi32>
    %shift_right_logical3A_345 = arith.shrui %get3A_342, %shift_right_logical3A_344 : vector<16xi32>
    %swap3A_346 = arith.constant 1 : i32
    %swap3A_347 = arith.index_cast %swap3A_346 : i32 to index
    %swap3A_348 = arith.constant 48 : index
    %swap3A_349 = tpu.vector_load %arg12[%swap3A_347, %swap3A_348] {strides = array<i32>} : memref<4x128xi32, #tpu.memory_space<vmem>>, vector<16xi32>,
    tpu.vector_store %arg12[%swap3A_347, %swap3A_348], %shift_right_logical3A_345 {strides = array<i32>} : memref<4x128xi32, #tpu.memory_space<vmem>>, vector<16xi32>,
    %get3A_350 = arith.constant 1 : i32
    %get3A_351 = arith.index_cast %get3A_350 : i32 to index
    %get3A_352 = arith.constant 64 : index
    %get3A_353 = tpu.vector_load %arg9[%get3A_351, %get3A_352] {strides = array<i32>} : memref<4x128xi32, #tpu.memory_space<vmem>>, vector<16xi32>,
    %shift_right_logical3A_354 = arith.constant 2 : i32
    %shift_right_logical3A_355 = vector.broadcast %shift_right_logical3A_354 : i32 to vector<16xi32>
    %shift_right_logical3A_356 = arith.shrui %get3A_353, %shift_right_logical3A_355 : vector<16xi32>
    %swap3A_357 = arith.constant 1 : i32
    %swap3A_358 = arith.index_cast %swap3A_357 : i32 to index
    %swap3A_359 = arith.constant 64 : index
    %swap3A_360 = tpu.vector_load %arg11[%swap3A_358, %swap3A_359] {strides = array<i32>} : memref<4x128xi32, #tpu.memory_space<vmem>>, vector<16xi32>,
    tpu.vector_store %arg11[%swap3A_358, %swap3A_359], %shift_right_logical3A_356 {strides = array<i32>} : memref<4x128xi32, #tpu.memory_space<vmem>>, vector<16xi32>,
    %get3A_361 = arith.constant 1 : i32
    %get3A_362 = arith.index_cast %get3A_361 : i32 to index
    %get3A_363 = arith.constant 64 : index
    %get3A_364 = tpu.vector_load %arg10[%get3A_362, %get3A_363] {strides = array<i32>} : memref<4x128xi32, #tpu.memory_space<vmem>>, vector<16xi32>,
    %shift_right_logical3A_365 = arith.constant 2 : i32
    %shift_right_logical3A_366 = vector.broadcast %shift_right_logical3A_365 : i32 to vector<16xi32>
    %shift_right_logical3A_367 = arith.shrui %get3A_364, %shift_right_logical3A_366 : vector<16xi32>
    %swap3A_368 = arith.constant 1 : i32
    %swap3A_369 = arith.index_cast %swap3A_368 : i32 to index
    %swap3A_370 = arith.constant 64 : index
    %swap3A_371 = tpu.vector_load %arg12[%swap3A_369, %swap3A_370] {strides = array<i32>} : memref<4x128xi32, #tpu.memory_space<vmem>>, vector<16xi32>,
    tpu.vector_store %arg12[%swap3A_369, %swap3A_370], %shift_right_logical3A_367 {strides = array<i32>} : memref<4x128xi32, #tpu.memory_space<vmem>>, vector<16xi32>,
    %get3A_372 = arith.constant 1 : i32
    %get3A_373 = arith.index_cast %get3A_372 : i32 to index
    %get3A_374 = arith.constant 80 : index
    %get3A_375 = tpu.vector_load %arg9[%get3A_373, %get3A_374] {strides = array<i32>} : memref<4x128xi32, #tpu.memory_space<vmem>>, vector<16xi32>,
    %shift_right_logical3A_376 = arith.constant 2 : i32
    %shift_right_logical3A_377 = vector.broadcast %shift_right_logical3A_376 : i32 to vector<16xi32>
    %shift_right_logical3A_378 = arith.shrui %get3A_375, %shift_right_logical3A_377 : vector<16xi32>
    %swap3A_379 = arith.constant 1 : i32
    %swap3A_380 = arith.index_cast %swap3A_379 : i32 to index
    %swap3A_381 = arith.constant 80 : index
    %swap3A_382 = tpu.vector_load %arg11[%swap3A_380, %swap3A_381] {strides = array<i32>} : memref<4x128xi32, #tpu.memory_space<vmem>>, vector<16xi32>,
    tpu.vector_store %arg11[%swap3A_380, %swap3A_381], %shift_right_logical3A_378 {strides = array<i32>} : memref<4x128xi32, #tpu.memory_space<vmem>>, vector<16xi32>,
    %get3A_383 = arith.constant 1 : i32
    %get3A_384 = arith.index_cast %get3A_383 : i32 to index
    %get3A_385 = arith.constant 80 : index
    %get3A_386 = tpu.vector_load %arg10[%get3A_384, %get3A_385] {strides = array<i32>} : memref<4x128xi32, #tpu.memory_space<vmem>>, vector<16xi32>,
    %shift_right_logical3A_387 = arith.constant 2 : i32
    %shift_right_logical3A_388 = vector.broadcast %shift_right_logical3A_387 : i32 to vector<16xi32>
    %shift_right_logical3A_389 = arith.shrui %get3A_386, %shift_right_logical3A_388 : vector<16xi32>
    %swap3A_390 = arith.constant 1 : i32
    %swap3A_391 = arith.index_cast %swap3A_390 : i32 to index
    %swap3A_392 = arith.constant 80 : index
    %swap3A_393 = tpu.vector_load %arg12[%swap3A_391, %swap3A_392] {strides = array<i32>} : memref<4x128xi32, #tpu.memory_space<vmem>>, vector<16xi32>,
    tpu.vector_store %arg12[%swap3A_391, %swap3A_392], %shift_right_logical3A_389 {strides = array<i32>} : memref<4x128xi32, #tpu.memory_space<vmem>>, vector<16xi32>,
    %get3A_394 = arith.constant 1 : i32
    %get3A_395 = arith.index_cast %get3A_394 : i32 to index
    %get3A_396 = arith.constant 96 : index
    %get3A_397 = tpu.vector_load %arg9[%get3A_395, %get3A_396] {strides = array<i32>} : memref<4x128xi32, #tpu.memory_space<vmem>>, vector<16xi32>,
    %shift_right_logical3A_398 = arith.constant 2 : i32
    %shift_right_logical3A_399 = vector.broadcast %shift_right_logical3A_398 : i32 to vector<16xi32>
    %shift_right_logical3A_400 = arith.shrui %get3A_397, %shift_right_logical3A_399 : vector<16xi32>
    %swap3A_401 = arith.constant 1 : i32
    %swap3A_402 = arith.index_cast %swap3A_401 : i32 to index
    %swap3A_403 = arith.constant 96 : index
    %swap3A_404 = tpu.vector_load %arg11[%swap3A_402, %swap3A_403] {strides = array<i32>} : memref<4x128xi32, #tpu.memory_space<vmem>>, vector<16xi32>,
    tpu.vector_store %arg11[%swap3A_402, %swap3A_403], %shift_right_logical3A_400 {strides = array<i32>} : memref<4x128xi32, #tpu.memory_space<vmem>>, vector<16xi32>,
    %get3A_405 = arith.constant 1 : i32
    %get3A_406 = arith.index_cast %get3A_405 : i32 to index
    %get3A_407 = arith.constant 96 : index
    %get3A_408 = tpu.vector_load %arg10[%get3A_406, %get3A_407] {strides = array<i32>} : memref<4x128xi32, #tpu.memory_space<vmem>>, vector<16xi32>,
    %shift_right_logical3A_409 = arith.constant 2 : i32
    %shift_right_logical3A_410 = vector.broadcast %shift_right_logical3A_409 : i32 to vector<16xi32>
    %shift_right_logical3A_411 = arith.shrui %get3A_408, %shift_right_logical3A_410 : vector<16xi32>
    %swap3A_412 = arith.constant 1 : i32
    %swap3A_413 = arith.index_cast %swap3A_412 : i32 to index
    %swap3A_414 = arith.constant 96 : index
    %swap3A_415 = tpu.vector_load %arg12[%swap3A_413, %swap3A_414] {strides = array<i32>} : memref<4x128xi32, #tpu.memory_space<vmem>>, vector<16xi32>,
    tpu.vector_store %arg12[%swap3A_413, %swap3A_414], %shift_right_logical3A_411 {strides = array<i32>} : memref<4x128xi32, #tpu.memory_space<vmem>>, vector<16xi32>,
    %get3A_416 = arith.constant 1 : i32
    %get3A_417 = arith.index_cast %get3A_416 : i32 to index
    %get3A_418 = arith.constant 112 : index
    %get3A_419 = tpu.vector_load %arg9[%get3A_417, %get3A_418] {strides = array<i32>} : memref<4x128xi32, #tpu.memory_space<vmem>>, vector<16xi32>,
    %shift_right_logical3A_420 = arith.constant 2 : i32
    %shift_right_logical3A_421 = vector.broadcast %shift_right_logical3A_420 : i32 to vector<16xi32>
    %shift_right_logical3A_422 = arith.shrui %get3A_419, %shift_right_logical3A_421 : vector<16xi32>
    %swap3A_423 = arith.constant 1 : i32
    %swap3A_424 = arith.index_cast %swap3A_423 : i32 to index
    %swap3A_425 = arith.constant 112 : index
    %swap3A_426 = tpu.vector_load %arg11[%swap3A_424, %swap3A_425] {strides = array<i32>} : memref<4x128xi32, #tpu.memory_space<vmem>>, vector<16xi32>,
    tpu.vector_store %arg11[%swap3A_424, %swap3A_425], %shift_right_logical3A_422 {strides = array<i32>} : memref<4x128xi32, #tpu.memory_space<vmem>>, vector<16xi32>,
    %get3A_427 = arith.constant 1 : i32
    %get3A_428 = arith.index_cast %get3A_427 : i32 to index
    %get3A_429 = arith.constant 112 : index
    %get3A_430 = tpu.vector_load %arg10[%get3A_428, %get3A_429] {strides = array<i32>} : memref<4x128xi32, #tpu.memory_space<vmem>>, vector<16xi32>,
    %shift_right_logical3A_431 = arith.constant 2 : i32
    %shift_right_logical3A_432 = vector.broadcast %shift_right_logical3A_431 : i32 to vector<16xi32>
    %shift_right_logical3A_433 = arith.shrui %get3A_430, %shift_right_logical3A_432 : vector<16xi32>
    %swap3A_434 = arith.constant 1 : i32
    %swap3A_435 = arith.index_cast %swap3A_434 : i32 to index
    %swap3A_436 = arith.constant 112 : index
    %swap3A_437 = tpu.vector_load %arg12[%swap3A_435, %swap3A_436] {strides = array<i32>} : memref<4x128xi32, #tpu.memory_space<vmem>>, vector<16xi32>,
    tpu.vector_store %arg12[%swap3A_435, %swap3A_436], %shift_right_logical3A_433 {strides = array<i32>} : memref<4x128xi32, #tpu.memory_space<vmem>>, vector<16xi32>,
    %get3A_438 = arith.constant 2 : i32
    %get3A_439 = arith.index_cast %get3A_438 : i32 to index
    %get3A_440 = arith.constant 0 : index
    %get3A_441 = tpu.vector_load %arg9[%get3A_439, %get3A_440] {strides = array<i32>} : memref<4x128xi32, #tpu.memory_space<vmem>>, vector<16xi32>,
    %shift_right_logical3A_442 = arith.constant 2 : i32
    %shift_right_logical3A_443 = vector.broadcast %shift_right_logical3A_442 : i32 to vector<16xi32>
    %shift_right_logical3A_444 = arith.shrui %get3A_441, %shift_right_logical3A_443 : vector<16xi32>
    %swap3A_445 = arith.constant 2 : i32
    %swap3A_446 = arith.index_cast %swap3A_445 : i32 to index
    %swap3A_447 = arith.constant 0 : index
    %swap3A_448 = tpu.vector_load %arg11[%swap3A_446, %swap3A_447] {strides = array<i32>} : memref<4x128xi32, #tpu.memory_space<vmem>>, vector<16xi32>,
    tpu.vector_store %arg11[%swap3A_446, %swap3A_447], %shift_right_logical3A_444 {strides = array<i32>} : memref<4x128xi32, #tpu.memory_space<vmem>>, vector<16xi32>,
    %get3A_449 = arith.constant 2 : i32
    %get3A_450 = arith.index_cast %get3A_449 : i32 to index
    %get3A_451 = arith.constant 0 : index
    %get3A_452 = tpu.vector_load %arg10[%get3A_450, %get3A_451] {strides = array<i32>} : memref<4x128xi32, #tpu.memory_space<vmem>>, vector<16xi32>,
    %shift_right_logical3A_453 = arith.constant 2 : i32
    %shift_right_logical3A_454 = vector.broadcast %shift_right_logical3A_453 : i32 to vector<16xi32>
    %shift_right_logical3A_455 = arith.shrui %get3A_452, %shift_right_logical3A_454 : vector<16xi32>
    %swap3A_456 = arith.constant 2 : i32
    %swap3A_457 = arith.index_cast %swap3A_456 : i32 to index
    %swap3A_458 = arith.constant 0 : index
    %swap3A_459 = tpu.vector_load %arg12[%swap3A_457, %swap3A_458] {strides = array<i32>} : memref<4x128xi32, #tpu.memory_space<vmem>>, vector<16xi32>,
    tpu.vector_store %arg12[%swap3A_457, %swap3A_458], %shift_right_logical3A_455 {strides = array<i32>} : memref<4x128xi32, #tpu.memory_space<vmem>>, vector<16xi32>,
    %get3A_460 = arith.constant 2 : i32
    %get3A_461 = arith.index_cast %get3A_460 : i32 to index
    %get3A_462 = arith.constant 16 : index
    %get3A_463 = tpu.vector_load %arg9[%get3A_461, %get3A_462] {strides = array<i32>} : memref<4x128xi32, #tpu.memory_space<vmem>>, vector<16xi32>,
    %shift_right_logical3A_464 = arith.constant 2 : i32
    %shift_right_logical3A_465 = vector.broadcast %shift_right_logical3A_464 : i32 to vector<16xi32>
    %shift_right_logical3A_466 = arith.shrui %get3A_463, %shift_right_logical3A_465 : vector<16xi32>
    %swap3A_467 = arith.constant 2 : i32
    %swap3A_468 = arith.index_cast %swap3A_467 : i32 to index
    %swap3A_469 = arith.constant 16 : index
    %swap3A_470 = tpu.vector_load %arg11[%swap3A_468, %swap3A_469] {strides = array<i32>} : memref<4x128xi32, #tpu.memory_space<vmem>>, vector<16xi32>,
    tpu.vector_store %arg11[%swap3A_468, %swap3A_469], %shift_right_logical3A_466 {strides = array<i32>} : memref<4x128xi32, #tpu.memory_space<vmem>>, vector<16xi32>,
    %get3A_471 = arith.constant 2 : i32
    %get3A_472 = arith.index_cast %get3A_471 : i32 to index
    %get3A_473 = arith.constant 16 : index
    %get3A_474 = tpu.vector_load %arg10[%get3A_472, %get3A_473] {strides = array<i32>} : memref<4x128xi32, #tpu.memory_space<vmem>>, vector<16xi32>,
    %shift_right_logical3A_475 = arith.constant 2 : i32
    %shift_right_logical3A_476 = vector.broadcast %shift_right_logical3A_475 : i32 to vector<16xi32>
    %shift_right_logical3A_477 = arith.shrui %get3A_474, %shift_right_logical3A_476 : vector<16xi32>
    %swap3A_478 = arith.constant 2 : i32
    %swap3A_479 = arith.index_cast %swap3A_478 : i32 to index
    %swap3A_480 = arith.constant 16 : index
    %swap3A_481 = tpu.vector_load %arg12[%swap3A_479, %swap3A_480] {strides = array<i32>} : memref<4x128xi32, #tpu.memory_space<vmem>>, vector<16xi32>,
    tpu.vector_store %arg12[%swap3A_479, %swap3A_480], %shift_right_logical3A_477 {strides = array<i32>} : memref<4x128xi32, #tpu.memory_space<vmem>>, vector<16xi32>,
    %get3A_482 = arith.constant 2 : i32
    %get3A_483 = arith.index_cast %get3A_482 : i32 to index
    %get3A_484 = arith.constant 32 : index
    %get3A_485 = tpu.vector_load %arg9[%get3A_483, %get3A_484] {strides = array<i32>} : memref<4x128xi32, #tpu.memory_space<vmem>>, vector<16xi32>,
    %shift_right_logical3A_486 = arith.constant 2 : i32
    %shift_right_logical3A_487 = vector.broadcast %shift_right_logical3A_486 : i32 to vector<16xi32>
    %shift_right_logical3A_488 = arith.shrui %get3A_485, %shift_right_logical3A_487 : vector<16xi32>
    %swap3A_489 = arith.constant 2 : i32
    %swap3A_490 = arith.index_cast %swap3A_489 : i32 to index
    %swap3A_491 = arith.constant 32 : index
    %swap3A_492 = tpu.vector_load %arg11[%swap3A_490, %swap3A_491] {strides = array<i32>} : memref<4x128xi32, #tpu.memory_space<vmem>>, vector<16xi32>,
    tpu.vector_store %arg11[%swap3A_490, %swap3A_491], %shift_right_logical3A_488 {strides = array<i32>} : memref<4x128xi32, #tpu.memory_space<vmem>>, vector<16xi32>,
    %get3A_493 = arith.constant 2 : i32
    %get3A_494 = arith.index_cast %get3A_493 : i32 to index
    %get3A_495 = arith.constant 32 : index
    %get3A_496 = tpu.vector_load %arg10[%get3A_494, %get3A_495] {strides = array<i32>} : memref<4x128xi32, #tpu.memory_space<vmem>>, vector<16xi32>,
    %shift_right_logical3A_497 = arith.constant 2 : i32
    %shift_right_logical3A_498 = vector.broadcast %shift_right_logical3A_497 : i32 to vector<16xi32>
    %shift_right_logical3A_499 = arith.shrui %get3A_496, %shift_right_logical3A_498 : vector<16xi32>
    %swap3A_500 = arith.constant 2 : i32
    %swap3A_501 = arith.index_cast %swap3A_500 : i32 to index
    %swap3A_502 = arith.constant 32 : index
    %swap3A_503 = tpu.vector_load %arg12[%swap3A_501, %swap3A_502] {strides = array<i32>} : memref<4x128xi32, #tpu.memory_space<vmem>>, vector<16xi32>,
    tpu.vector_store %arg12[%swap3A_501, %swap3A_502], %shift_right_logical3A_499 {strides = array<i32>} : memref<4x128xi32, #tpu.memory_space<vmem>>, vector<16xi32>,
    %get3A_504 = arith.constant 2 : i32
    %get3A_505 = arith.index_cast %get3A_504 : i32 to index
    %get3A_506 = arith.constant 48 : index
    %get3A_507 = tpu.vector_load %arg9[%get3A_505, %get3A_506] {strides = array<i32>} : memref<4x128xi32, #tpu.memory_space<vmem>>, vector<16xi32>,
    %shift_right_logical3A_508 = arith.constant 2 : i32
    %shift_right_logical3A_509 = vector.broadcast %shift_right_logical3A_508 : i32 to vector<16xi32>
    %shift_right_logical3A_510 = arith.shrui %get3A_507, %shift_right_logical3A_509 : vector<16xi32>
    %swap3A_511 = arith.constant 2 : i32
    %swap3A_512 = arith.index_cast %swap3A_511 : i32 to index
    %swap3A_513 = arith.constant 48 : index
    %swap3A_514 = tpu.vector_load %arg11[%swap3A_512, %swap3A_513] {strides = array<i32>} : memref<4x128xi32, #tpu.memory_space<vmem>>, vector<16xi32>,
    tpu.vector_store %arg11[%swap3A_512, %swap3A_513], %shift_right_logical3A_510 {strides = array<i32>} : memref<4x128xi32, #tpu.memory_space<vmem>>, vector<16xi32>,
    %get3A_515 = arith.constant 2 : i32
    %get3A_516 = arith.index_cast %get3A_515 : i32 to index
    %get3A_517 = arith.constant 48 : index
    %get3A_518 = tpu.vector_load %arg10[%get3A_516, %get3A_517] {strides = array<i32>} : memref<4x128xi32, #tpu.memory_space<vmem>>, vector<16xi32>,
    %shift_right_logical3A_519 = arith.constant 2 : i32
    %shift_right_logical3A_520 = vector.broadcast %shift_right_logical3A_519 : i32 to vector<16xi32>
    %shift_right_logical3A_521 = arith.shrui %get3A_518, %shift_right_logical3A_520 : vector<16xi32>
    %swap3A_522 = arith.constant 2 : i32
    %swap3A_523 = arith.index_cast %swap3A_522 : i32 to index
    %swap3A_524 = arith.constant 48 : index
    %swap3A_525 = tpu.vector_load %arg12[%swap3A_523, %swap3A_524] {strides = array<i32>} : memref<4x128xi32, #tpu.memory_space<vmem>>, vector<16xi32>,
    tpu.vector_store %arg12[%swap3A_523, %swap3A_524], %shift_right_logical3A_521 {strides = array<i32>} : memref<4x128xi32, #tpu.memory_space<vmem>>, vector<16xi32>,
    %get3A_526 = arith.constant 2 : i32
    %get3A_527 = arith.index_cast %get3A_526 : i32 to index
    %get3A_528 = arith.constant 64 : index
    %get3A_529 = tpu.vector_load %arg9[%get3A_527, %get3A_528] {strides = array<i32>} : memref<4x128xi32, #tpu.memory_space<vmem>>, vector<16xi32>,
    %shift_right_logical3A_530 = arith.constant 2 : i32
    %shift_right_logical3A_531 = vector.broadcast %shift_right_logical3A_530 : i32 to vector<16xi32>
    %shift_right_logical3A_532 = arith.shrui %get3A_529, %shift_right_logical3A_531 : vector<16xi32>
    %swap3A_533 = arith.constant 2 : i32
    %swap3A_534 = arith.index_cast %swap3A_533 : i32 to index
    %swap3A_535 = arith.constant 64 : index
    %swap3A_536 = tpu.vector_load %arg11[%swap3A_534, %swap3A_535] {strides = array<i32>} : memref<4x128xi32, #tpu.memory_space<vmem>>, vector<16xi32>,
    tpu.vector_store %arg11[%swap3A_534, %swap3A_535], %shift_right_logical3A_532 {strides = array<i32>} : memref<4x128xi32, #tpu.memory_space<vmem>>, vector<16xi32>,
    %get3A_537 = arith.constant 2 : i32
    %get3A_538 = arith.index_cast %get3A_537 : i32 to index
    %get3A_539 = arith.constant 64 : index
    %get3A_540 = tpu.vector_load %arg10[%get3A_538, %get3A_539] {strides = array<i32>} : memref<4x128xi32, #tpu.memory_space<vmem>>, vector<16xi32>,
    %shift_right_logical3A_541 = arith.constant 2 : i32
    %shift_right_logical3A_542 = vector.broadcast %shift_right_logical3A_541 : i32 to vector<16xi32>
    %shift_right_logical3A_543 = arith.shrui %get3A_540, %shift_right_logical3A_542 : vector<16xi32>
    %swap3A_544 = arith.constant 2 : i32
    %swap3A_545 = arith.index_cast %swap3A_544 : i32 to index
    %swap3A_546 = arith.constant 64 : index
    %swap3A_547 = tpu.vector_load %arg12[%swap3A_545, %swap3A_546] {strides = array<i32>} : memref<4x128xi32, #tpu.memory_space<vmem>>, vector<16xi32>,
    tpu.vector_store %arg12[%swap3A_545, %swap3A_546], %shift_right_logical3A_543 {strides = array<i32>} : memref<4x128xi32, #tpu.memory_space<vmem>>, vector<16xi32>,
    %get3A_548 = arith.constant 2 : i32
    %get3A_549 = arith.index_cast %get3A_548 : i32 to index
    %get3A_550 = arith.constant 80 : index
    %get3A_551 = tpu.vector_load %arg9[%get3A_549, %get3A_550] {strides = array<i32>} : memref<4x128xi32, #tpu.memory_space<vmem>>, vector<16xi32>,
    %shift_right_logical3A_552 = arith.constant 2 : i32
    %shift_right_logical3A_553 = vector.broadcast %shift_right_logical3A_552 : i32 to vector<16xi32>
    %shift_right_logical3A_554 = arith.shrui %get3A_551, %shift_right_logical3A_553 : vector<16xi32>
    %swap3A_555 = arith.constant 2 : i32
    %swap3A_556 = arith.index_cast %swap3A_555 : i32 to index
    %swap3A_557 = arith.constant 80 : index
    %swap3A_558 = tpu.vector_load %arg11[%swap3A_556, %swap3A_557] {strides = array<i32>} : memref<4x128xi32, #tpu.memory_space<vmem>>, vector<16xi32>,
    tpu.vector_store %arg11[%swap3A_556, %swap3A_557], %shift_right_logical3A_554 {strides = array<i32>} : memref<4x128xi32, #tpu.memory_space<vmem>>, vector<16xi32>,
    %get3A_559 = arith.constant 2 : i32
    %get3A_560 = arith.index_cast %get3A_559 : i32 to index
    %get3A_561 = arith.constant 80 : index
    %get3A_562 = tpu.vector_load %arg10[%get3A_560, %get3A_561] {strides = array<i32>} : memref<4x128xi32, #tpu.memory_space<vmem>>, vector<16xi32>,
    %shift_right_logical3A_563 = arith.constant 2 : i32
    %shift_right_logical3A_564 = vector.broadcast %shift_right_logical3A_563 : i32 to vector<16xi32>
    %shift_right_logical3A_565 = arith.shrui %get3A_562, %shift_right_logical3A_564 : vector<16xi32>
    %swap3A_566 = arith.constant 2 : i32
    %swap3A_567 = arith.index_cast %swap3A_566 : i32 to index
    %swap3A_568 = arith.constant 80 : index
    %swap3A_569 = tpu.vector_load %arg12[%swap3A_567, %swap3A_568] {strides = array<i32>} : memref<4x128xi32, #tpu.memory_space<vmem>>, vector<16xi32>,
    tpu.vector_store %arg12[%swap3A_567, %swap3A_568], %shift_right_logical3A_565 {strides = array<i32>} : memref<4x128xi32, #tpu.memory_space<vmem>>, vector<16xi32>,
    %get3A_570 = arith.constant 2 : i32
    %get3A_571 = arith.index_cast %get3A_570 : i32 to index
    %get3A_572 = arith.constant 96 : index
    %get3A_573 = tpu.vector_load %arg9[%get3A_571, %get3A_572] {strides = array<i32>} : memref<4x128xi32, #tpu.memory_space<vmem>>, vector<16xi32>,
    %shift_right_logical3A_574 = arith.constant 2 : i32
    %shift_right_logical3A_575 = vector.broadcast %shift_right_logical3A_574 : i32 to vector<16xi32>
    %shift_right_logical3A_576 = arith.shrui %get3A_573, %shift_right_logical3A_575 : vector<16xi32>
    %swap3A_577 = arith.constant 2 : i32
    %swap3A_578 = arith.index_cast %swap3A_577 : i32 to index
    %swap3A_579 = arith.constant 96 : index
    %swap3A_580 = tpu.vector_load %arg11[%swap3A_578, %swap3A_579] {strides = array<i32>} : memref<4x128xi32, #tpu.memory_space<vmem>>, vector<16xi32>,
    tpu.vector_store %arg11[%swap3A_578, %swap3A_579], %shift_right_logical3A_576 {strides = array<i32>} : memref<4x128xi32, #tpu.memory_space<vmem>>, vector<16xi32>,
    %get3A_581 = arith.constant 2 : i32
    %get3A_582 = arith.index_cast %get3A_581 : i32 to index
    %get3A_583 = arith.constant 96 : index
    %get3A_584 = tpu.vector_load %arg10[%get3A_582, %get3A_583] {strides = array<i32>} : memref<4x128xi32, #tpu.memory_space<vmem>>, vector<16xi32>,
    %shift_right_logical3A_585 = arith.constant 2 : i32
    %shift_right_logical3A_586 = vector.broadcast %shift_right_logical3A_585 : i32 to vector<16xi32>
    %shift_right_logical3A_587 = arith.shrui %get3A_584, %shift_right_logical3A_586 : vector<16xi32>
    %swap3A_588 = arith.constant 2 : i32
    %swap3A_589 = arith.index_cast %swap3A_588 : i32 to index
    %swap3A_590 = arith.constant 96 : index
    %swap3A_591 = tpu.vector_load %arg12[%swap3A_589, %swap3A_590] {strides = array<i32>} : memref<4x128xi32, #tpu.memory_space<vmem>>, vector<16xi32>,
    tpu.vector_store %arg12[%swap3A_589, %swap3A_590], %shift_right_logical3A_587 {strides = array<i32>} : memref<4x128xi32, #tpu.memory_space<vmem>>, vector<16xi32>,
    %get3A_592 = arith.constant 2 : i32
    %get3A_593 = arith.index_cast %get3A_592 : i32 to index
    %get3A_594 = arith.constant 112 : index
    %get3A_595 = tpu.vector_load %arg9[%get3A_593, %get3A_594] {strides = array<i32>} : memref<4x128xi32, #tpu.memory_space<vmem>>, vector<16xi32>,
    %shift_right_logical3A_596 = arith.constant 2 : i32
    %shift_right_logical3A_597 = vector.broadcast %shift_right_logical3A_596 : i32 to vector<16xi32>
    %shift_right_logical3A_598 = arith.shrui %get3A_595, %shift_right_logical3A_597 : vector<16xi32>
    %swap3A_599 = arith.constant 2 : i32
    %swap3A_600 = arith.index_cast %swap3A_599 : i32 to index
    %swap3A_601 = arith.constant 112 : index
    %swap3A_602 = tpu.vector_load %arg11[%swap3A_600, %swap3A_601] {strides = array<i32>} : memref<4x128xi32, #tpu.memory_space<vmem>>, vector<16xi32>,
    tpu.vector_store %arg11[%swap3A_600, %swap3A_601], %shift_right_logical3A_598 {strides = array<i32>} : memref<4x128xi32, #tpu.memory_space<vmem>>, vector<16xi32>,
    %get3A_603 = arith.constant 2 : i32
    %get3A_604 = arith.index_cast %get3A_603 : i32 to index
    %get3A_605 = arith.constant 112 : index
    %get3A_606 = tpu.vector_load %arg10[%get3A_604, %get3A_605] {strides = array<i32>} : memref<4x128xi32, #tpu.memory_space<vmem>>, vector<16xi32>,
    %shift_right_logical3A_607 = arith.constant 2 : i32
    %shift_right_logical3A_608 = vector.broadcast %shift_right_logical3A_607 : i32 to vector<16xi32>
    %shift_right_logical3A_609 = arith.shrui %get3A_606, %shift_right_logical3A_608 : vector<16xi32>
    %swap3A_610 = arith.constant 2 : i32
    %swap3A_611 = arith.index_cast %swap3A_610 : i32 to index
    %swap3A_612 = arith.constant 112 : index
    %swap3A_613 = tpu.vector_load %arg12[%swap3A_611, %swap3A_612] {strides = array<i32>} : memref<4x128xi32, #tpu.memory_space<vmem>>, vector<16xi32>,
    tpu.vector_store %arg12[%swap3A_611, %swap3A_612], %shift_right_logical3A_609 {strides = array<i32>} : memref<4x128xi32, #tpu.memory_space<vmem>>, vector<16xi32>,
    %get3A_614 = arith.constant 3 : i32
    %get3A_615 = arith.index_cast %get3A_614 : i32 to index
    %get3A_616 = arith.constant 0 : index
    %get3A_617 = tpu.vector_load %arg9[%get3A_615, %get3A_616] {strides = array<i32>} : memref<4x128xi32, #tpu.memory_space<vmem>>, vector<16xi32>,
    %shift_right_logical3A_618 = arith.constant 2 : i32
    %shift_right_logical3A_619 = vector.broadcast %shift_right_logical3A_618 : i32 to vector<16xi32>
    %shift_right_logical3A_620 = arith.shrui %get3A_617, %shift_right_logical3A_619 : vector<16xi32>
    %swap3A_621 = arith.constant 3 : i32
    %swap3A_622 = arith.index_cast %swap3A_621 : i32 to index
    %swap3A_623 = arith.constant 0 : index
    %swap3A_624 = tpu.vector_load %arg11[%swap3A_622, %swap3A_623] {strides = array<i32>} : memref<4x128xi32, #tpu.memory_space<vmem>>, vector<16xi32>,
    tpu.vector_store %arg11[%swap3A_622, %swap3A_623], %shift_right_logical3A_620 {strides = array<i32>} : memref<4x128xi32, #tpu.memory_space<vmem>>, vector<16xi32>,
    %get3A_625 = arith.constant 3 : i32
    %get3A_626 = arith.index_cast %get3A_625 : i32 to index
    %get3A_627 = arith.constant 0 : index
    %get3A_628 = tpu.vector_load %arg10[%get3A_626, %get3A_627] {strides = array<i32>} : memref<4x128xi32, #tpu.memory_space<vmem>>, vector<16xi32>,
    %shift_right_logical3A_629 = arith.constant 2 : i32
    %shift_right_logical3A_630 = vector.broadcast %shift_right_logical3A_629 : i32 to vector<16xi32>
    %shift_right_logical3A_631 = arith.shrui %get3A_628, %shift_right_logical3A_630 : vector<16xi32>
    %swap3A_632 = arith.constant 3 : i32
    %swap3A_633 = arith.index_cast %swap3A_632 : i32 to index
    %swap3A_634 = arith.constant 0 : index
    %swap3A_635 = tpu.vector_load %arg12[%swap3A_633, %swap3A_634] {strides = array<i32>} : memref<4x128xi32, #tpu.memory_space<vmem>>, vector<16xi32>,
    tpu.vector_store %arg12[%swap3A_633, %swap3A_634], %shift_right_logical3A_631 {strides = array<i32>} : memref<4x128xi32, #tpu.memory_space<vmem>>, vector<16xi32>,
    %get3A_636 = arith.constant 3 : i32
    %get3A_637 = arith.index_cast %get3A_636 : i32 to index
    %get3A_638 = arith.constant 16 : index
    %get3A_639 = tpu.vector_load %arg9[%get3A_637, %get3A_638] {strides = array<i32>} : memref<4x128xi32, #tpu.memory_space<vmem>>, vector<16xi32>,
    %shift_right_logical3A_640 = arith.constant 2 : i32
    %shift_right_logical3A_641 = vector.broadcast %shift_right_logical3A_640 : i32 to vector<16xi32>
    %shift_right_logical3A_642 = arith.shrui %get3A_639, %shift_right_logical3A_641 : vector<16xi32>
    %swap3A_643 = arith.constant 3 : i32
    %swap3A_644 = arith.index_cast %swap3A_643 : i32 to index
    %swap3A_645 = arith.constant 16 : index
    %swap3A_646 = tpu.vector_load %arg11[%swap3A_644, %swap3A_645] {strides = array<i32>} : memref<4x128xi32, #tpu.memory_space<vmem>>, vector<16xi32>,
    tpu.vector_store %arg11[%swap3A_644, %swap3A_645], %shift_right_logical3A_642 {strides = array<i32>} : memref<4x128xi32, #tpu.memory_space<vmem>>, vector<16xi32>,
    %get3A_647 = arith.constant 3 : i32
    %get3A_648 = arith.index_cast %get3A_647 : i32 to index
    %get3A_649 = arith.constant 16 : index
    %get3A_650 = tpu.vector_load %arg10[%get3A_648, %get3A_649] {strides = array<i32>} : memref<4x128xi32, #tpu.memory_space<vmem>>, vector<16xi32>,
    %shift_right_logical3A_651 = arith.constant 2 : i32
    %shift_right_logical3A_652 = vector.broadcast %shift_right_logical3A_651 : i32 to vector<16xi32>
    %shift_right_logical3A_653 = arith.shrui %get3A_650, %shift_right_logical3A_652 : vector<16xi32>
    %swap3A_654 = arith.constant 3 : i32
    %swap3A_655 = arith.index_cast %swap3A_654 : i32 to index
    %swap3A_656 = arith.constant 16 : index
    %swap3A_657 = tpu.vector_load %arg12[%swap3A_655, %swap3A_656] {strides = array<i32>} : memref<4x128xi32, #tpu.memory_space<vmem>>, vector<16xi32>,
    tpu.vector_store %arg12[%swap3A_655, %swap3A_656], %shift_right_logical3A_653 {strides = array<i32>} : memref<4x128xi32, #tpu.memory_space<vmem>>, vector<16xi32>,
    %get3A_658 = arith.constant 3 : i32
    %get3A_659 = arith.index_cast %get3A_658 : i32 to index
    %get3A_660 = arith.constant 32 : index
    %get3A_661 = tpu.vector_load %arg9[%get3A_659, %get3A_660] {strides = array<i32>} : memref<4x128xi32, #tpu.memory_space<vmem>>, vector<16xi32>,
    %shift_right_logical3A_662 = arith.constant 2 : i32
    %shift_right_logical3A_663 = vector.broadcast %shift_right_logical3A_662 : i32 to vector<16xi32>
    %shift_right_logical3A_664 = arith.shrui %get3A_661, %shift_right_logical3A_663 : vector<16xi32>
    %swap3A_665 = arith.constant 3 : i32
    %swap3A_666 = arith.index_cast %swap3A_665 : i32 to index
    %swap3A_667 = arith.constant 32 : index
    %swap3A_668 = tpu.vector_load %arg11[%swap3A_666, %swap3A_667] {strides = array<i32>} : memref<4x128xi32, #tpu.memory_space<vmem>>, vector<16xi32>,
    tpu.vector_store %arg11[%swap3A_666, %swap3A_667], %shift_right_logical3A_664 {strides = array<i32>} : memref<4x128xi32, #tpu.memory_space<vmem>>, vector<16xi32>,
    %get3A_669 = arith.constant 3 : i32
    %get3A_670 = arith.index_cast %get3A_669 : i32 to index
    %get3A_671 = arith.constant 32 : index
    %get3A_672 = tpu.vector_load %arg10[%get3A_670, %get3A_671] {strides = array<i32>} : memref<4x128xi32, #tpu.memory_space<vmem>>, vector<16xi32>,
    %shift_right_logical3A_673 = arith.constant 2 : i32
    %shift_right_logical3A_674 = vector.broadcast %shift_right_logical3A_673 : i32 to vector<16xi32>
    %shift_right_logical3A_675 = arith.shrui %get3A_672, %shift_right_logical3A_674 : vector<16xi32>
    %swap3A_676 = arith.constant 3 : i32
    %swap3A_677 = arith.index_cast %swap3A_676 : i32 to index
    %swap3A_678 = arith.constant 32 : index
    %swap3A_679 = tpu.vector_load %arg12[%swap3A_677, %swap3A_678] {strides = array<i32>} : memref<4x128xi32, #tpu.memory_space<vmem>>, vector<16xi32>,
    tpu.vector_store %arg12[%swap3A_677, %swap3A_678], %shift_right_logical3A_675 {strides = array<i32>} : memref<4x128xi32, #tpu.memory_space<vmem>>, vector<16xi32>,
    %get3A_680 = arith.constant 3 : i32
    %get3A_681 = arith.index_cast %get3A_680 : i32 to index
    %get3A_682 = arith.constant 48 : index
    %get3A_683 = tpu.vector_load %arg9[%get3A_681, %get3A_682] {strides = array<i32>} : memref<4x128xi32, #tpu.memory_space<vmem>>, vector<16xi32>,
    %shift_right_logical3A_684 = arith.constant 2 : i32
    %shift_right_logical3A_685 = vector.broadcast %shift_right_logical3A_684 : i32 to vector<16xi32>
    %shift_right_logical3A_686 = arith.shrui %get3A_683, %shift_right_logical3A_685 : vector<16xi32>
    %swap3A_687 = arith.constant 3 : i32
    %swap3A_688 = arith.index_cast %swap3A_687 : i32 to index
    %swap3A_689 = arith.constant 48 : index
    %swap3A_690 = tpu.vector_load %arg11[%swap3A_688, %swap3A_689] {strides = array<i32>} : memref<4x128xi32, #tpu.memory_space<vmem>>, vector<16xi32>,
    tpu.vector_store %arg11[%swap3A_688, %swap3A_689], %shift_right_logical3A_686 {strides = array<i32>} : memref<4x128xi32, #tpu.memory_space<vmem>>, vector<16xi32>,
    %get3A_691 = arith.constant 3 : i32
    %get3A_692 = arith.index_cast %get3A_691 : i32 to index
    %get3A_693 = arith.constant 48 : index
    %get3A_694 = tpu.vector_load %arg10[%get3A_692, %get3A_693] {strides = array<i32>} : memref<4x128xi32, #tpu.memory_space<vmem>>, vector<16xi32>,
    %shift_right_logical3A_695 = arith.constant 2 : i32
    %shift_right_logical3A_696 = vector.broadcast %shift_right_logical3A_695 : i32 to vector<16xi32>
    %shift_right_logical3A_697 = arith.shrui %get3A_694, %shift_right_logical3A_696 : vector<16xi32>
    %swap3A_698 = arith.constant 3 : i32
    %swap3A_699 = arith.index_cast %swap3A_698 : i32 to index
    %swap3A_700 = arith.constant 48 : index
    %swap3A_701 = tpu.vector_load %arg12[%swap3A_699, %swap3A_700] {strides = array<i32>} : memref<4x128xi32, #tpu.memory_space<vmem>>, vector<16xi32>,
    tpu.vector_store %arg12[%swap3A_699, %swap3A_700], %shift_right_logical3A_697 {strides = array<i32>} : memref<4x128xi32, #tpu.memory_space<vmem>>, vector<16xi32>,
    %get3A_702 = arith.constant 3 : i32
    %get3A_703 = arith.index_cast %get3A_702 : i32 to index
    %get3A_704 = arith.constant 64 : index
    %get3A_705 = tpu.vector_load %arg9[%get3A_703, %get3A_704] {strides = array<i32>} : memref<4x128xi32, #tpu.memory_space<vmem>>, vector<16xi32>,
    %shift_right_logical3A_706 = arith.constant 2 : i32
    %shift_right_logical3A_707 = vector.broadcast %shift_right_logical3A_706 : i32 to vector<16xi32>
    %shift_right_logical3A_708 = arith.shrui %get3A_705, %shift_right_logical3A_707 : vector<16xi32>
    %swap3A_709 = arith.constant 3 : i32
    %swap3A_710 = arith.index_cast %swap3A_709 : i32 to index
    %swap3A_711 = arith.constant 64 : index
    %swap3A_712 = tpu.vector_load %arg11[%swap3A_710, %swap3A_711] {strides = array<i32>} : memref<4x128xi32, #tpu.memory_space<vmem>>, vector<16xi32>,
    tpu.vector_store %arg11[%swap3A_710, %swap3A_711], %shift_right_logical3A_708 {strides = array<i32>} : memref<4x128xi32, #tpu.memory_space<vmem>>, vector<16xi32>,
    %get3A_713 = arith.constant 3 : i32
    %get3A_714 = arith.index_cast %get3A_713 : i32 to index
    %get3A_715 = arith.constant 64 : index
    %get3A_716 = tpu.vector_load %arg10[%get3A_714, %get3A_715] {strides = array<i32>} : memref<4x128xi32, #tpu.memory_space<vmem>>, vector<16xi32>,
    %shift_right_logical3A_717 = arith.constant 2 : i32
    %shift_right_logical3A_718 = vector.broadcast %shift_right_logical3A_717 : i32 to vector<16xi32>
    %shift_right_logical3A_719 = arith.shrui %get3A_716, %shift_right_logical3A_718 : vector<16xi32>
    %swap3A_720 = arith.constant 3 : i32
    %swap3A_721 = arith.index_cast %swap3A_720 : i32 to index
    %swap3A_722 = arith.constant 64 : index
    %swap3A_723 = tpu.vector_load %arg12[%swap3A_721, %swap3A_722] {strides = array<i32>} : memref<4x128xi32, #tpu.memory_space<vmem>>, vector<16xi32>,
    tpu.vector_store %arg12[%swap3A_721, %swap3A_722], %shift_right_logical3A_719 {strides = array<i32>} : memref<4x128xi32, #tpu.memory_space<vmem>>, vector<16xi32>,
    %get3A_724 = arith.constant 3 : i32
    %get3A_725 = arith.index_cast %get3A_724 : i32 to index
    %get3A_726 = arith.constant 80 : index
    %get3A_727 = tpu.vector_load %arg9[%get3A_725, %get3A_726] {strides = array<i32>} : memref<4x128xi32, #tpu.memory_space<vmem>>, vector<16xi32>,
    %shift_right_logical3A_728 = arith.constant 2 : i32
    %shift_right_logical3A_729 = vector.broadcast %shift_right_logical3A_728 : i32 to vector<16xi32>
    %shift_right_logical3A_730 = arith.shrui %get3A_727, %shift_right_logical3A_729 : vector<16xi32>
    %swap3A_731 = arith.constant 3 : i32
    %swap3A_732 = arith.index_cast %swap3A_731 : i32 to index
    %swap3A_733 = arith.constant 80 : index
    %swap3A_734 = tpu.vector_load %arg11[%swap3A_732, %swap3A_733] {strides = array<i32>} : memref<4x128xi32, #tpu.memory_space<vmem>>, vector<16xi32>,
    tpu.vector_store %arg11[%swap3A_732, %swap3A_733], %shift_right_logical3A_730 {strides = array<i32>} : memref<4x128xi32, #tpu.memory_space<vmem>>, vector<16xi32>,
    %get3A_735 = arith.constant 3 : i32
    %get3A_736 = arith.index_cast %get3A_735 : i32 to index
    %get3A_737 = arith.constant 80 : index
    %get3A_738 = tpu.vector_load %arg10[%get3A_736, %get3A_737] {strides = array<i32>} : memref<4x128xi32, #tpu.memory_space<vmem>>, vector<16xi32>,
    %shift_right_logical3A_739 = arith.constant 2 : i32
    %shift_right_logical3A_740 = vector.broadcast %shift_right_logical3A_739 : i32 to vector<16xi32>
    %shift_right_logical3A_741 = arith.shrui %get3A_738, %shift_right_logical3A_740 : vector<16xi32>
    %swap3A_742 = arith.constant 3 : i32
    %swap3A_743 = arith.index_cast %swap3A_742 : i32 to index
    %swap3A_744 = arith.constant 80 : index
    %swap3A_745 = tpu.vector_load %arg12[%swap3A_743, %swap3A_744] {strides = array<i32>} : memref<4x128xi32, #tpu.memory_space<vmem>>, vector<16xi32>,
    tpu.vector_store %arg12[%swap3A_743, %swap3A_744], %shift_right_logical3A_741 {strides = array<i32>} : memref<4x128xi32, #tpu.memory_space<vmem>>, vector<16xi32>,
    %get3A_746 = arith.constant 3 : i32
    %get3A_747 = arith.index_cast %get3A_746 : i32 to index
    %get3A_748 = arith.constant 96 : index
    %get3A_749 = tpu.vector_load %arg9[%get3A_747, %get3A_748] {strides = array<i32>} : memref<4x128xi32, #tpu.memory_space<vmem>>, vector<16xi32>,
    %shift_right_logical3A_750 = arith.constant 2 : i32
    %shift_right_logical3A_751 = vector.broadcast %shift_right_logical3A_750 : i32 to vector<16xi32>
    %shift_right_logical3A_752 = arith.shrui %get3A_749, %shift_right_logical3A_751 : vector<16xi32>
    %swap3A_753 = arith.constant 3 : i32
    %swap3A_754 = arith.index_cast %swap3A_753 : i32 to index
    %swap3A_755 = arith.constant 96 : index
    %swap3A_756 = tpu.vector_load %arg11[%swap3A_754, %swap3A_755] {strides = array<i32>} : memref<4x128xi32, #tpu.memory_space<vmem>>, vector<16xi32>,
    tpu.vector_store %arg11[%swap3A_754, %swap3A_755], %shift_right_logical3A_752 {strides = array<i32>} : memref<4x128xi32, #tpu.memory_space<vmem>>, vector<16xi32>,
    %get3A_757 = arith.constant 3 : i32
    %get3A_758 = arith.index_cast %get3A_757 : i32 to index
    %get3A_759 = arith.constant 96 : index
    %get3A_760 = tpu.vector_load %arg10[%get3A_758, %get3A_759] {strides = array<i32>} : memref<4x128xi32, #tpu.memory_space<vmem>>, vector<16xi32>,
    %shift_right_logical3A_761 = arith.constant 2 : i32
    %shift_right_logical3A_762 = vector.broadcast %shift_right_logical3A_761 : i32 to vector<16xi32>
    %shift_right_logical3A_763 = arith.shrui %get3A_760, %shift_right_logical3A_762 : vector<16xi32>
    %swap3A_764 = arith.constant 3 : i32
    %swap3A_765 = arith.index_cast %swap3A_764 : i32 to index
    %swap3A_766 = arith.constant 96 : index
    %swap3A_767 = tpu.vector_load %arg12[%swap3A_765, %swap3A_766] {strides = array<i32>} : memref<4x128xi32, #tpu.memory_space<vmem>>, vector<16xi32>,
    tpu.vector_store %arg12[%swap3A_765, %swap3A_766], %shift_right_logical3A_763 {strides = array<i32>} : memref<4x128xi32, #tpu.memory_space<vmem>>, vector<16xi32>,
    %get3A_768 = arith.constant 3 : i32
    %get3A_769 = arith.index_cast %get3A_768 : i32 to index
    %get3A_770 = arith.constant 112 : index
    %get3A_771 = tpu.vector_load %arg9[%get3A_769, %get3A_770] {strides = array<i32>} : memref<4x128xi32, #tpu.memory_space<vmem>>, vector<16xi32>,
    %shift_right_logical3A_772 = arith.constant 2 : i32
    %shift_right_logical3A_773 = vector.broadcast %shift_right_logical3A_772 : i32 to vector<16xi32>
    %shift_right_logical3A_774 = arith.shrui %get3A_771, %shift_right_logical3A_773 : vector<16xi32>
    %swap3A_775 = arith.constant 3 : i32
    %swap3A_776 = arith.index_cast %swap3A_775 : i32 to index
    %swap3A_777 = arith.constant 112 : index
    %swap3A_778 = tpu.vector_load %arg11[%swap3A_776, %swap3A_777] {strides = array<i32>} : memref<4x128xi32, #tpu.memory_space<vmem>>, vector<16xi32>,
    tpu.vector_store %arg11[%swap3A_776, %swap3A_777], %shift_right_logical3A_774 {strides = array<i32>} : memref<4x128xi32, #tpu.memory_space<vmem>>, vector<16xi32>,
    %get3A_779 = arith.constant 3 : i32
    %get3A_780 = arith.index_cast %get3A_779 : i32 to index
    %get3A_781 = arith.constant 112 : index
    %get3A_782 = tpu.vector_load %arg10[%get3A_780, %get3A_781] {strides = array<i32>} : memref<4x128xi32, #tpu.memory_space<vmem>>, vector<16xi32>,
    %shift_right_logical3A_783 = arith.constant 2 : i32
    %shift_right_logical3A_784 = vector.broadcast %shift_right_logical3A_783 : i32 to vector<16xi32>
    %shift_right_logical3A_785 = arith.shrui %get3A_782, %shift_right_logical3A_784 : vector<16xi32>
    %swap3A_786 = arith.constant 3 : i32
    %swap3A_787 = arith.index_cast %swap3A_786 : i32 to index
    %swap3A_788 = arith.constant 112 : index
    %swap3A_789 = tpu.vector_load %arg12[%swap3A_787, %swap3A_788] {strides = array<i32>} : memref<4x128xi32, #tpu.memory_space<vmem>>, vector<16xi32>,
    tpu.vector_store %arg12[%swap3A_787, %swap3A_788], %shift_right_logical3A_785 {strides = array<i32>} : memref<4x128xi32, #tpu.memory_space<vmem>>, vector<16xi32>,
    %iota3A = tpu.iota {dimensions = array<i32: 0>} : vector<16xi32>
    %dma_start3A_790 = arith.constant 0 : i32
    %dma_start3A_791 = arith.constant 0 : i32
    %dma_start3A_792 = arith.constant 0 : i32
    %dma_start3A_793 = tpu.memref_slice %arg13[%dma_start3A_791, %dma_start3A_792] : memref<256x128xf32, #tpu.memory_space<vmem>> -> memref<128x128xf32, #tpu.memory_space<vmem>>
    %dma_start3A_794 = arith.constant 0 : i32
    %dma_start3A_795 = tpu.memref_slice %arg11[%dma_start3A_790, %dma_start3A_794] : memref<4x128xi32, #tpu.memory_space<vmem>> -> memref<1x128xi32, #tpu.memory_space<vmem>>
    %dma_start3A_796 = tpu.memref_squeeze %dma_start3A_795 : memref<1x128xi32, #tpu.memory_space<vmem>> -> memref<128xi32, #tpu.memory_space<vmem>>
    %dma_start3A_797 = arith.constant 0 : i32
    %dma_start3A_798 = arith.constant 0 : i32
    %dma_start3A_799 = tpu.memref_slice %arg4[%dma_start3A_797, %dma_start3A_798] : memref<250000x128xf32, #tpu.memory_space<hbm>> -> memref<250000x128xf32, #tpu.memory_space<hbm>>
    tpu.enqueue_indirect_dma source(%dma_start3A_799 : memref<250000x128xf32, #tpu.memory_space<hbm>>) target(%dma_start3A_793 : memref<128x128xf32, #tpu.memory_space<vmem>>) offsets(%dma_start3A_796 : memref<128xi32, #tpu.memory_space<vmem>>) semaphore(%arg18 : memref<!tpu.dma_semaphore, #tpu.memory_space<semaphore_mem>>)
    %dma_start3A_800 = arith.constant 0 : i32
    %dma_start3A_801 = arith.constant 0 : i32
    %dma_start3A_802 = arith.constant 0 : i32
    %dma_start3A_803 = tpu.memref_slice %arg14[%dma_start3A_801, %dma_start3A_802] : memref<256x128xf32, #tpu.memory_space<vmem>> -> memref<128x128xf32, #tpu.memory_space<vmem>>
    %dma_start3A_804 = arith.constant 0 : i32
    %dma_start3A_805 = tpu.memref_slice %arg12[%dma_start3A_800, %dma_start3A_804] : memref<4x128xi32, #tpu.memory_space<vmem>> -> memref<1x128xi32, #tpu.memory_space<vmem>>
    %dma_start3A_806 = tpu.memref_squeeze %dma_start3A_805 : memref<1x128xi32, #tpu.memory_space<vmem>> -> memref<128xi32, #tpu.memory_space<vmem>>
    %dma_start3A_807 = arith.constant 0 : i32
    %dma_start3A_808 = arith.constant 0 : i32
    %dma_start3A_809 = tpu.memref_slice %arg5[%dma_start3A_807, %dma_start3A_808] : memref<250000x128xf32, #tpu.memory_space<hbm>> -> memref<250000x128xf32, #tpu.memory_space<hbm>>
    tpu.enqueue_indirect_dma source(%dma_start3A_809 : memref<250000x128xf32, #tpu.memory_space<hbm>>) target(%dma_start3A_803 : memref<128x128xf32, #tpu.memory_space<vmem>>) offsets(%dma_start3A_806 : memref<128xi32, #tpu.memory_space<vmem>>) semaphore(%arg18 : memref<!tpu.dma_semaphore, #tpu.memory_space<semaphore_mem>>)
    %dma_start3A_810 = arith.constant 1 : i32
    %dma_start3A_811 = arith.constant 128 : i32
    %dma_start3A_812 = arith.constant 0 : i32
    %dma_start3A_813 = tpu.memref_slice %arg13[%dma_start3A_811, %dma_start3A_812] : memref<256x128xf32, #tpu.memory_space<vmem>> -> memref<128x128xf32, #tpu.memory_space<vmem>>
    %dma_start3A_814 = arith.constant 0 : i32
    %dma_start3A_815 = tpu.memref_slice %arg11[%dma_start3A_810, %dma_start3A_814] : memref<4x128xi32, #tpu.memory_space<vmem>> -> memref<1x128xi32, #tpu.memory_space<vmem>>
    %dma_start3A_816 = tpu.memref_squeeze %dma_start3A_815 : memref<1x128xi32, #tpu.memory_space<vmem>> -> memref<128xi32, #tpu.memory_space<vmem>>
    %dma_start3A_817 = arith.constant 0 : i32
    %dma_start3A_818 = arith.constant 0 : i32
    %dma_start3A_819 = tpu.memref_slice %arg4[%dma_start3A_817, %dma_start3A_818] : memref<250000x128xf32, #tpu.memory_space<hbm>> -> memref<250000x128xf32, #tpu.memory_space<hbm>>
    tpu.enqueue_indirect_dma source(%dma_start3A_819 : memref<250000x128xf32, #tpu.memory_space<hbm>>) target(%dma_start3A_813 : memref<128x128xf32, #tpu.memory_space<vmem>>) offsets(%dma_start3A_816 : memref<128xi32, #tpu.memory_space<vmem>>) semaphore(%arg18 : memref<!tpu.dma_semaphore, #tpu.memory_space<semaphore_mem>>)
    %dma_start3A_820 = arith.constant 1 : i32
    %dma_start3A_821 = arith.constant 128 : i32
    %dma_start3A_822 = arith.constant 0 : i32
    %dma_start3A_823 = tpu.memref_slice %arg14[%dma_start3A_821, %dma_start3A_822] : memref<256x128xf32, #tpu.memory_space<vmem>> -> memref<128x128xf32, #tpu.memory_space<vmem>>
    %dma_start3A_824 = arith.constant 0 : i32
    %dma_start3A_825 = tpu.memref_slice %arg12[%dma_start3A_820, %dma_start3A_824] : memref<4x128xi32, #tpu.memory_space<vmem>> -> memref<1x128xi32, #tpu.memory_space<vmem>>
    %dma_start3A_826 = tpu.memref_squeeze %dma_start3A_825 : memref<1x128xi32, #tpu.memory_space<vmem>> -> memref<128xi32, #tpu.memory_space<vmem>>
    %dma_start3A_827 = arith.constant 0 : i32
    %dma_start3A_828 = arith.constant 0 : i32
    %dma_start3A_829 = tpu.memref_slice %arg5[%dma_start3A_827, %dma_start3A_828] : memref<250000x128xf32, #tpu.memory_space<hbm>> -> memref<250000x128xf32, #tpu.memory_space<hbm>>
    tpu.enqueue_indirect_dma source(%dma_start3A_829 : memref<250000x128xf32, #tpu.memory_space<hbm>>) target(%dma_start3A_823 : memref<128x128xf32, #tpu.memory_space<vmem>>) offsets(%dma_start3A_826 : memref<128xi32, #tpu.memory_space<vmem>>) semaphore(%arg18 : memref<!tpu.dma_semaphore, #tpu.memory_space<semaphore_mem>>)
    %dma_wait3A = arith.constant 0 : i32
    %dma_wait3A_830 = arith.constant 0 : i32
    %dma_wait3A_831 = tpu.memref_slice %arg15[%dma_wait3A_830] : memref<512xf32, #tpu.memory_space<vmem>> -> memref<128xf32, #tpu.memory_space<vmem>>
    %dma_wait3A_832 = arith.constant 0 : i32
    %dma_wait3A_833 = tpu.memref_slice %arg9[%dma_wait3A, %dma_wait3A_832] : memref<4x128xi32, #tpu.memory_space<vmem>> -> memref<1x128xi32, #tpu.memory_space<vmem>>
    %dma_wait3A_834 = tpu.memref_squeeze %dma_wait3A_833 : memref<1x128xi32, #tpu.memory_space<vmem>> -> memref<128xi32, #tpu.memory_space<vmem>>
    %dma_wait3A_835 = arith.constant 0 : i32
    %dma_wait3A_836 = tpu.memref_slice %arg6[%dma_wait3A_835] : memref<1000000xf32, #tpu.memory_space<hbm>> -> memref<1000000xf32, #tpu.memory_space<hbm>>
    tpu.wait_indirect_dma semaphore(%arg18 : memref<!tpu.dma_semaphore, #tpu.memory_space<semaphore_mem>>) src(%dma_wait3A_836 : memref<1000000xf32, #tpu.memory_space<hbm>>) dst(%dma_wait3A_831 : memref<128xf32, #tpu.memory_space<vmem>>)
    %dma_wait3A_837 = arith.constant 0 : i32
    %dma_wait3A_838 = arith.constant 0 : i32
    %dma_wait3A_839 = tpu.memref_slice %arg16[%dma_wait3A_838] : memref<512xf32, #tpu.memory_space<vmem>> -> memref<128xf32, #tpu.memory_space<vmem>>
    %dma_wait3A_840 = arith.constant 0 : i32
    %dma_wait3A_841 = tpu.memref_slice %arg10[%dma_wait3A_837, %dma_wait3A_840] : memref<4x128xi32, #tpu.memory_space<vmem>> -> memref<1x128xi32, #tpu.memory_space<vmem>>
    %dma_wait3A_842 = tpu.memref_squeeze %dma_wait3A_841 : memref<1x128xi32, #tpu.memory_space<vmem>> -> memref<128xi32, #tpu.memory_space<vmem>>
    %dma_wait3A_843 = arith.constant 0 : i32
    %dma_wait3A_844 = tpu.memref_slice %arg7[%dma_wait3A_843] : memref<1000000xf32, #tpu.memory_space<hbm>> -> memref<1000000xf32, #tpu.memory_space<hbm>>
    tpu.wait_indirect_dma semaphore(%arg18 : memref<!tpu.dma_semaphore, #tpu.memory_space<semaphore_mem>>) src(%dma_wait3A_844 : memref<1000000xf32, #tpu.memory_space<hbm>>) dst(%dma_wait3A_839 : memref<128xf32, #tpu.memory_space<vmem>>)
    %dma_wait3A_845 = arith.constant 1 : i32
    %dma_wait3A_846 = arith.constant 128 : i32
    %dma_wait3A_847 = tpu.memref_slice %arg15[%dma_wait3A_846] : memref<512xf32, #tpu.memory_space<vmem>> -> memref<128xf32, #tpu.memory_space<vmem>>
    %dma_wait3A_848 = arith.constant 0 : i32
    %dma_wait3A_849 = tpu.memref_slice %arg9[%dma_wait3A_845, %dma_wait3A_848] : memref<4x128xi32, #tpu.memory_space<vmem>> -> memref<1x128xi32, #tpu.memory_space<vmem>>
    %dma_wait3A_850 = tpu.memref_squeeze %dma_wait3A_849 : memref<1x128xi32, #tpu.memory_space<vmem>> -> memref<128xi32, #tpu.memory_space<vmem>>
    %dma_wait3A_851 = arith.constant 0 : i32
    %dma_wait3A_852 = tpu.memref_slice %arg6[%dma_wait3A_851] : memref<1000000xf32, #tpu.memory_space<hbm>> -> memref<1000000xf32, #tpu.memory_space<hbm>>
    tpu.wait_indirect_dma semaphore(%arg18 : memref<!tpu.dma_semaphore, #tpu.memory_space<semaphore_mem>>) src(%dma_wait3A_852 : memref<1000000xf32, #tpu.memory_space<hbm>>) dst(%dma_wait3A_847 : memref<128xf32, #tpu.memory_space<vmem>>)
    %dma_wait3A_853 = arith.constant 1 : i32
    %dma_wait3A_854 = arith.constant 128 : i32
    %dma_wait3A_855 = tpu.memref_slice %arg16[%dma_wait3A_854] : memref<512xf32, #tpu.memory_space<vmem>> -> memref<128xf32, #tpu.memory_space<vmem>>
    %dma_wait3A_856 = arith.constant 0 : i32
    %dma_wait3A_857 = tpu.memref_slice %arg10[%dma_wait3A_853, %dma_wait3A_856] : memref<4x128xi32, #tpu.memory_space<vmem>> -> memref<1x128xi32, #tpu.memory_space<vmem>>
    %dma_wait3A_858 = tpu.memref_squeeze %dma_wait3A_857 : memref<1x128xi32, #tpu.memory_space<vmem>> -> memref<128xi32, #tpu.memory_space<vmem>>
    %dma_wait3A_859 = arith.constant 0 : i32
    %dma_wait3A_860 = tpu.memref_slice %arg7[%dma_wait3A_859] : memref<1000000xf32, #tpu.memory_space<hbm>> -> memref<1000000xf32, #tpu.memory_space<hbm>>
    tpu.wait_indirect_dma semaphore(%arg18 : memref<!tpu.dma_semaphore, #tpu.memory_space<semaphore_mem>>) src(%dma_wait3A_860 : memref<1000000xf32, #tpu.memory_space<hbm>>) dst(%dma_wait3A_855 : memref<128xf32, #tpu.memory_space<vmem>>)
    %dma_wait3A_861 = arith.constant 2 : i32
    %dma_wait3A_862 = arith.constant 256 : i32
    %dma_wait3A_863 = tpu.memref_slice %arg15[%dma_wait3A_862] : memref<512xf32, #tpu.memory_space<vmem>> -> memref<128xf32, #tpu.memory_space<vmem>>
    %dma_wait3A_864 = arith.constant 0 : i32
    %dma_wait3A_865 = tpu.memref_slice %arg9[%dma_wait3A_861, %dma_wait3A_864] : memref<4x128xi32, #tpu.memory_space<vmem>> -> memref<1x128xi32, #tpu.memory_space<vmem>>
    %dma_wait3A_866 = tpu.memref_squeeze %dma_wait3A_865 : memref<1x128xi32, #tpu.memory_space<vmem>> -> memref<128xi32, #tpu.memory_space<vmem>>
    %dma_wait3A_867 = arith.constant 0 : i32
    %dma_wait3A_868 = tpu.memref_slice %arg6[%dma_wait3A_867] : memref<1000000xf32, #tpu.memory_space<hbm>> -> memref<1000000xf32, #tpu.memory_space<hbm>>
    tpu.wait_indirect_dma semaphore(%arg18 : memref<!tpu.dma_semaphore, #tpu.memory_space<semaphore_mem>>) src(%dma_wait3A_868 : memref<1000000xf32, #tpu.memory_space<hbm>>) dst(%dma_wait3A_863 : memref<128xf32, #tpu.memory_space<vmem>>)
    %dma_wait3A_869 = arith.constant 2 : i32
    %dma_wait3A_870 = arith.constant 256 : i32
    %dma_wait3A_871 = tpu.memref_slice %arg16[%dma_wait3A_870] : memref<512xf32, #tpu.memory_space<vmem>> -> memref<128xf32, #tpu.memory_space<vmem>>
    %dma_wait3A_872 = arith.constant 0 : i32
    %dma_wait3A_873 = tpu.memref_slice %arg10[%dma_wait3A_869, %dma_wait3A_872] : memref<4x128xi32, #tpu.memory_space<vmem>> -> memref<1x128xi32, #tpu.memory_space<vmem>>
    %dma_wait3A_874 = tpu.memref_squeeze %dma_wait3A_873 : memref<1x128xi32, #tpu.memory_space<vmem>> -> memref<128xi32, #tpu.memory_space<vmem>>
    %dma_wait3A_875 = arith.constant 0 : i32
    %dma_wait3A_876 = tpu.memref_slice %arg7[%dma_wait3A_875] : memref<1000000xf32, #tpu.memory_space<hbm>> -> memref<1000000xf32, #tpu.memory_space<hbm>>
    tpu.wait_indirect_dma semaphore(%arg18 : memref<!tpu.dma_semaphore, #tpu.memory_space<semaphore_mem>>) src(%dma_wait3A_876 : memref<1000000xf32, #tpu.memory_space<hbm>>) dst(%dma_wait3A_871 : memref<128xf32, #tpu.memory_space<vmem>>)
    %dma_wait3A_877 = arith.constant 3 : i32
    %dma_wait3A_878 = arith.constant 384 : i32
    %dma_wait3A_879 = tpu.memref_slice %arg15[%dma_wait3A_878] : memref<512xf32, #tpu.memory_space<vmem>> -> memref<128xf32, #tpu.memory_space<vmem>>
    %dma_wait3A_880 = arith.constant 0 : i32
    %dma_wait3A_881 = tpu.memref_slice %arg9[%dma_wait3A_877, %dma_wait3A_880] : memref<4x128xi32, #tpu.memory_space<vmem>> -> memref<1x128xi32, #tpu.memory_space<vmem>>
    %dma_wait3A_882 = tpu.memref_squeeze %dma_wait3A_881 : memref<1x128xi32, #tpu.memory_space<vmem>> -> memref<128xi32, #tpu.memory_space<vmem>>
    %dma_wait3A_883 = arith.constant 0 : i32
    %dma_wait3A_884 = tpu.memref_slice %arg6[%dma_wait3A_883] : memref<1000000xf32, #tpu.memory_space<hbm>> -> memref<1000000xf32, #tpu.memory_space<hbm>>
    tpu.wait_indirect_dma semaphore(%arg18 : memref<!tpu.dma_semaphore, #tpu.memory_space<semaphore_mem>>) src(%dma_wait3A_884 : memref<1000000xf32, #tpu.memory_space<hbm>>) dst(%dma_wait3A_879 : memref<128xf32, #tpu.memory_space<vmem>>)
    %dma_wait3A_885 = arith.constant 3 : i32
    %dma_wait3A_886 = arith.constant 384 : i32
    %dma_wait3A_887 = tpu.memref_slice %arg16[%dma_wait3A_886] : memref<512xf32, #tpu.memory_space<vmem>> -> memref<128xf32, #tpu.memory_space<vmem>>
    %dma_wait3A_888 = arith.constant 0 : i32
    %dma_wait3A_889 = tpu.memref_slice %arg10[%dma_wait3A_885, %dma_wait3A_888] : memref<4x128xi32, #tpu.memory_space<vmem>> -> memref<1x128xi32, #tpu.memory_space<vmem>>
    %dma_wait3A_890 = tpu.memref_squeeze %dma_wait3A_889 : memref<1x128xi32, #tpu.memory_space<vmem>> -> memref<128xi32, #tpu.memory_space<vmem>>
    %dma_wait3A_891 = arith.constant 0 : i32
    %dma_wait3A_892 = tpu.memref_slice %arg7[%dma_wait3A_891] : memref<1000000xf32, #tpu.memory_space<hbm>> -> memref<1000000xf32, #tpu.memory_space<hbm>>
    tpu.wait_indirect_dma semaphore(%arg18 : memref<!tpu.dma_semaphore, #tpu.memory_space<semaphore_mem>>) src(%dma_wait3A_892 : memref<1000000xf32, #tpu.memory_space<hbm>>) dst(%dma_wait3A_887 : memref<128xf32, #tpu.memory_space<vmem>>)
    %dma_wait3A_893 = arith.constant 0 : i32
    %dma_wait3A_894 = arith.constant 0 : i32
    %dma_wait3A_895 = arith.constant 0 : i32
    %dma_wait3A_896 = tpu.memref_slice %arg13[%dma_wait3A_894, %dma_wait3A_895] : memref<256x128xf32, #tpu.memory_space<vmem>> -> memref<128x128xf32, #tpu.memory_space<vmem>>
    %dma_wait3A_897 = arith.constant 0 : i32
    %dma_wait3A_898 = tpu.memref_slice %arg11[%dma_wait3A_893, %dma_wait3A_897] : memref<4x128xi32, #tpu.memory_space<vmem>> -> memref<1x128xi32, #tpu.memory_space<vmem>>
    %dma_wait3A_899 = tpu.memref_squeeze %dma_wait3A_898 : memref<1x128xi32, #tpu.memory_space<vmem>> -> memref<128xi32, #tpu.memory_space<vmem>>
    %dma_wait3A_900 = arith.constant 0 : i32
    %dma_wait3A_901 = arith.constant 0 : i32
    %dma_wait3A_902 = tpu.memref_slice %arg4[%dma_wait3A_900, %dma_wait3A_901] : memref<250000x128xf32, #tpu.memory_space<hbm>> -> memref<250000x128xf32, #tpu.memory_space<hbm>>
    tpu.wait_indirect_dma semaphore(%arg18 : memref<!tpu.dma_semaphore, #tpu.memory_space<semaphore_mem>>) src(%dma_wait3A_902 : memref<250000x128xf32, #tpu.memory_space<hbm>>) dst(%dma_wait3A_896 : memref<128x128xf32, #tpu.memory_space<vmem>>)
    %dma_wait3A_903 = arith.constant 0 : i32
    %dma_wait3A_904 = arith.constant 0 : i32
    %dma_wait3A_905 = arith.constant 0 : i32
    %dma_wait3A_906 = tpu.memref_slice %arg14[%dma_wait3A_904, %dma_wait3A_905] : memref<256x128xf32, #tpu.memory_space<vmem>> -> memref<128x128xf32, #tpu.memory_space<vmem>>
    %dma_wait3A_907 = arith.constant 0 : i32
    %dma_wait3A_908 = tpu.memref_slice %arg12[%dma_wait3A_903, %dma_wait3A_907] : memref<4x128xi32, #tpu.memory_space<vmem>> -> memref<1x128xi32, #tpu.memory_space<vmem>>
    %dma_wait3A_909 = tpu.memref_squeeze %dma_wait3A_908 : memref<1x128xi32, #tpu.memory_space<vmem>> -> memref<128xi32, #tpu.memory_space<vmem>>
    %dma_wait3A_910 = arith.constant 0 : i32
    %dma_wait3A_911 = arith.constant 0 : i32
    %dma_wait3A_912 = tpu.memref_slice %arg5[%dma_wait3A_910, %dma_wait3A_911] : memref<250000x128xf32, #tpu.memory_space<hbm>> -> memref<250000x128xf32, #tpu.memory_space<hbm>>
    tpu.wait_indirect_dma semaphore(%arg18 : memref<!tpu.dma_semaphore, #tpu.memory_space<semaphore_mem>>) src(%dma_wait3A_912 : memref<250000x128xf32, #tpu.memory_space<hbm>>) dst(%dma_wait3A_906 : memref<128x128xf32, #tpu.memory_space<vmem>>)
    %dma_wait3A_913 = arith.constant 1 : i32
    %dma_wait3A_914 = arith.constant 128 : i32
    %dma_wait3A_915 = arith.constant 0 : i32
    %dma_wait3A_916 = tpu.memref_slice %arg13[%dma_wait3A_914, %dma_wait3A_915] : memref<256x128xf32, #tpu.memory_space<vmem>> -> memref<128x128xf32, #tpu.memory_space<vmem>>
    %dma_wait3A_917 = arith.constant 0 : i32
    %dma_wait3A_918 = tpu.memref_slice %arg11[%dma_wait3A_913, %dma_wait3A_917] : memref<4x128xi32, #tpu.memory_space<vmem>> -> memref<1x128xi32, #tpu.memory_space<vmem>>
    %dma_wait3A_919 = tpu.memref_squeeze %dma_wait3A_918 : memref<1x128xi32, #tpu.memory_space<vmem>> -> memref<128xi32, #tpu.memory_space<vmem>>
    %dma_wait3A_920 = arith.constant 0 : i32
    %dma_wait3A_921 = arith.constant 0 : i32
    %dma_wait3A_922 = tpu.memref_slice %arg4[%dma_wait3A_920, %dma_wait3A_921] : memref<250000x128xf32, #tpu.memory_space<hbm>> -> memref<250000x128xf32, #tpu.memory_space<hbm>>
    tpu.wait_indirect_dma semaphore(%arg18 : memref<!tpu.dma_semaphore, #tpu.memory_space<semaphore_mem>>) src(%dma_wait3A_922 : memref<250000x128xf32, #tpu.memory_space<hbm>>) dst(%dma_wait3A_916 : memref<128x128xf32, #tpu.memory_space<vmem>>)
    %dma_wait3A_923 = arith.constant 1 : i32
    %dma_wait3A_924 = arith.constant 128 : i32
    %dma_wait3A_925 = arith.constant 0 : i32
    %dma_wait3A_926 = tpu.memref_slice %arg14[%dma_wait3A_924, %dma_wait3A_925] : memref<256x128xf32, #tpu.memory_space<vmem>> -> memref<128x128xf32, #tpu.memory_space<vmem>>
    %dma_wait3A_927 = arith.constant 0 : i32
    %dma_wait3A_928 = tpu.memref_slice %arg12[%dma_wait3A_923, %dma_wait3A_927] : memref<4x128xi32, #tpu.memory_space<vmem>> -> memref<1x128xi32, #tpu.memory_space<vmem>>
    %dma_wait3A_929 = tpu.memref_squeeze %dma_wait3A_928 : memref<1x128xi32, #tpu.memory_space<vmem>> -> memref<128xi32, #tpu.memory_space<vmem>>
    %dma_wait3A_930 = arith.constant 0 : i32
    %dma_wait3A_931 = arith.constant 0 : i32
    %dma_wait3A_932 = tpu.memref_slice %arg5[%dma_wait3A_930, %dma_wait3A_931] : memref<250000x128xf32, #tpu.memory_space<hbm>> -> memref<250000x128xf32, #tpu.memory_space<hbm>>
    tpu.wait_indirect_dma semaphore(%arg18 : memref<!tpu.dma_semaphore, #tpu.memory_space<semaphore_mem>>) src(%dma_wait3A_932 : memref<250000x128xf32, #tpu.memory_space<hbm>>) dst(%dma_wait3A_926 : memref<128x128xf32, #tpu.memory_space<vmem>>)
    %scan3A = arith.constant 0 : i32
    %scan3A_933 = arith.constant 0 : i32
    %scan3A_934 = arith.constant 16 : i32
    %scan3A_935 = arith.addi %scan3A_933, %scan3A_934 : i32
    %scan3A_936 = arith.constant 1 : i32
    scf.for %scan3A_1024 = %scan3A_933 to %scan3A_935 step %scan3A_936  : i32 {
      %shift_right_logical3A_1025 = arith.constant 3 : i32
      %shift_right_logical3A_1026 = arith.shrui %scan3A_1024, %shift_right_logical3A_1025 : i32
      %add3A_1027 = arith.constant 0 : i32
      %add3A_1028 = arith.addi %add3A_1027, %shift_right_logical3A_1026 : i32
      %and3A = arith.constant 7 : i32
      %and3A_1029 = arith.andi %scan3A_1024, %and3A : i32
      %mul3A_1030 = arith.constant 16 : i32
      %mul3A_1031 = arith.muli %and3A_1029, %mul3A_1030 : i32
      %mul3A_1032 = arith.constant 16 : i32
      %mul3A_1033 = arith.muli %scan3A_1024, %mul3A_1032 : i32
      %add3A_1034 = arith.constant 0 : i32
      %add3A_1035 = arith.addi %add3A_1034, %mul3A_1033 : i32
      %get3A_1036 = arith.index_cast %add3A_1028 : i32 to index
      %get3A_1037 = arith.index_cast %mul3A_1031 : i32 to index
      %get3A_1038 = tpu.vector_load %arg9[%get3A_1036, %get3A_1037] {strides = array<i32>} : memref<4x128xi32, #tpu.memory_space<vmem>>, vector<16xi32>,
      %get3A_1039 = arith.index_cast %add3A_1028 : i32 to index
      %get3A_1040 = arith.index_cast %mul3A_1031 : i32 to index
      %get3A_1041 = tpu.vector_load %arg10[%get3A_1039, %get3A_1040] {strides = array<i32>} : memref<4x128xi32, #tpu.memory_space<vmem>>, vector<16xi32>,
      %mul3A_1042 = arith.constant 16 : i32
      %mul3A_1043 = arith.muli %scan3A_1024, %mul3A_1042 : i32
      %add3A_1044 = vector.broadcast %mul3A_1043 : i32 to vector<16xi32>
      %add3A_1045 = arith.addi %add3A_1044, %iota3A : vector<16xi32>
      %and3A_1046 = arith.constant 3 : i32
      %and3A_1047 = vector.broadcast %and3A_1046 : i32 to vector<16xi32>
      %and3A_1048 = arith.andi %get3A_1038, %and3A_1047 : vector<16xi32>
      %mul3A_1049 = arith.constant 32 : i32
      %mul3A_1050 = vector.broadcast %mul3A_1049 : i32 to vector<16xi32>
      %mul3A_1051 = arith.muli %and3A_1048, %mul3A_1050 : vector<16xi32>
      %and3A_1052 = arith.constant 3 : i32
      %and3A_1053 = vector.broadcast %and3A_1052 : i32 to vector<16xi32>
      %and3A_1054 = arith.andi %get3A_1041, %and3A_1053 : vector<16xi32>
      %mul3A_1055 = arith.constant 32 : i32
      %mul3A_1056 = vector.broadcast %mul3A_1055 : i32 to vector<16xi32>
      %mul3A_1057 = arith.muli %and3A_1054, %mul3A_1056 : vector<16xi32>
      %get3A_1058 = arith.index_cast %add3A_1035 : i32 to index
      %get3A_1059 = tpu.vector_load %arg15[%get3A_1058] {strides = array<i32>} : memref<512xf32, #tpu.memory_space<vmem>>, vector<16xf32>,
      %get3A_1060 = arith.index_cast %add3A_1035 : i32 to index
      %get3A_1061 = tpu.vector_load %arg16[%get3A_1060] {strides = array<i32>} : memref<512xf32, #tpu.memory_space<vmem>>, vector<16xf32>,
      %add3A_1062 = arith.addf %get3A_1059, %get3A_1061 : vector<16xf32>
      %add3A_1063 = arith.constant 0 : i32
      %add3A_1064 = vector.broadcast %add3A_1063 : i32 to vector<16xi32>
      %add3A_1065 = arith.addi %mul3A_1051, %add3A_1064 : vector<16xi32>
      %gather3A = tpu.vector_load_idx %arg13[%add3A_1045, %add3A_1065] : memref<256x128xf32, #tpu.memory_space<vmem>>[vector<16xi32>, vector<16xi32>], vector<16xf32>,
      %add3A_1066 = arith.constant 0 : i32
      %add3A_1067 = vector.broadcast %add3A_1066 : i32 to vector<16xi32>
      %add3A_1068 = arith.addi %mul3A_1057, %add3A_1067 : vector<16xi32>
      %gather3A_1069 = tpu.vector_load_idx %arg14[%add3A_1045, %add3A_1068] : memref<256x128xf32, #tpu.memory_space<vmem>>[vector<16xi32>, vector<16xi32>], vector<16xf32>,
      %mul3A_1070 = arith.mulf %gather3A, %gather3A_1069 : vector<16xf32>
      %add3A_1071 = arith.addf %add3A_1062, %mul3A_1070 : vector<16xf32>
      %add3A_1072 = arith.constant 1 : i32
      %add3A_1073 = vector.broadcast %add3A_1072 : i32 to vector<16xi32>
      %add3A_1074 = arith.addi %mul3A_1051, %add3A_1073 : vector<16xi32>
      %gather3A_1075 = tpu.vector_load_idx %arg13[%add3A_1045, %add3A_1074] : memref<256x128xf32, #tpu.memory_space<vmem>>[vector<16xi32>, vector<16xi32>], vector<16xf32>,
      %add3A_1076 = arith.constant 1 : i32
      %add3A_1077 = vector.broadcast %add3A_1076 : i32 to vector<16xi32>
      %add3A_1078 = arith.addi %mul3A_1057, %add3A_1077 : vector<16xi32>
      %gather3A_1079 = tpu.vector_load_idx %arg14[%add3A_1045, %add3A_1078] : memref<256x128xf32, #tpu.memory_space<vmem>>[vector<16xi32>, vector<16xi32>], vector<16xf32>,
      %mul3A_1080 = arith.mulf %gather3A_1075, %gather3A_1079 : vector<16xf32>
      %add3A_1081 = arith.addf %add3A_1071, %mul3A_1080 : vector<16xf32>
      %add3A_1082 = arith.constant 2 : i32
      %add3A_1083 = vector.broadcast %add3A_1082 : i32 to vector<16xi32>
      %add3A_1084 = arith.addi %mul3A_1051, %add3A_1083 : vector<16xi32>
      %gather3A_1085 = tpu.vector_load_idx %arg13[%add3A_1045, %add3A_1084] : memref<256x128xf32, #tpu.memory_space<vmem>>[vector<16xi32>, vector<16xi32>], vector<16xf32>,
      %add3A_1086 = arith.constant 2 : i32
      %add3A_1087 = vector.broadcast %add3A_1086 : i32 to vector<16xi32>
      %add3A_1088 = arith.addi %mul3A_1057, %add3A_1087 : vector<16xi32>
      %gather3A_1089 = tpu.vector_load_idx %arg14[%add3A_1045, %add3A_1088] : memref<256x128xf32, #tpu.memory_space<vmem>>[vector<16xi32>, vector<16xi32>], vector<16xf32>,
      %mul3A_1090 = arith.mulf %gather3A_1085, %gather3A_1089 : vector<16xf32>
      %add3A_1091 = arith.addf %add3A_1081, %mul3A_1090 : vector<16xf32>
      %add3A_1092 = arith.constant 3 : i32
      %add3A_1093 = vector.broadcast %add3A_1092 : i32 to vector<16xi32>
      %add3A_1094 = arith.addi %mul3A_1051, %add3A_1093 : vector<16xi32>
      %gather3A_1095 = tpu.vector_load_idx %arg13[%add3A_1045, %add3A_1094] : memref<256x128xf32, #tpu.memory_space<vmem>>[vector<16xi32>, vector<16xi32>], vector<16xf32>,
      %add3A_1096 = arith.constant 3 : i32
      %add3A_1097 = vector.broadcast %add3A_1096 : i32 to vector<16xi32>
      %add3A_1098 = arith.addi %mul3A_1057, %add3A_1097 : vector<16xi32>
      %gather3A_1099 = tpu.vector_load_idx %arg14[%add3A_1045, %add3A_1098] : memref<256x128xf32, #tpu.memory_space<vmem>>[vector<16xi32>, vector<16xi32>], vector<16xf32>,
      %mul3A_1100 = arith.mulf %gather3A_1095, %gather3A_1099 : vector<16xf32>
      %add3A_1101 = arith.addf %add3A_1091, %mul3A_1100 : vector<16xf32>
      %add3A_1102 = arith.constant 4 : i32
      %add3A_1103 = vector.broadcast %add3A_1102 : i32 to vector<16xi32>
      %add3A_1104 = arith.addi %mul3A_1051, %add3A_1103 : vector<16xi32>
      %gather3A_1105 = tpu.vector_load_idx %arg13[%add3A_1045, %add3A_1104] : memref<256x128xf32, #tpu.memory_space<vmem>>[vector<16xi32>, vector<16xi32>], vector<16xf32>,
      %add3A_1106 = arith.constant 4 : i32
      %add3A_1107 = vector.broadcast %add3A_1106 : i32 to vector<16xi32>
      %add3A_1108 = arith.addi %mul3A_1057, %add3A_1107 : vector<16xi32>
      %gather3A_1109 = tpu.vector_load_idx %arg14[%add3A_1045, %add3A_1108] : memref<256x128xf32, #tpu.memory_space<vmem>>[vector<16xi32>, vector<16xi32>], vector<16xf32>,
      %mul3A_1110 = arith.mulf %gather3A_1105, %gather3A_1109 : vector<16xf32>
      %add3A_1111 = arith.addf %add3A_1101, %mul3A_1110 : vector<16xf32>
      %add3A_1112 = arith.constant 5 : i32
      %add3A_1113 = vector.broadcast %add3A_1112 : i32 to vector<16xi32>
      %add3A_1114 = arith.addi %mul3A_1051, %add3A_1113 : vector<16xi32>
      %gather3A_1115 = tpu.vector_load_idx %arg13[%add3A_1045, %add3A_1114] : memref<256x128xf32, #tpu.memory_space<vmem>>[vector<16xi32>, vector<16xi32>], vector<16xf32>,
      %add3A_1116 = arith.constant 5 : i32
      %add3A_1117 = vector.broadcast %add3A_1116 : i32 to vector<16xi32>
      %add3A_1118 = arith.addi %mul3A_1057, %add3A_1117 : vector<16xi32>
      %gather3A_1119 = tpu.vector_load_idx %arg14[%add3A_1045, %add3A_1118] : memref<256x128xf32, #tpu.memory_space<vmem>>[vector<16xi32>, vector<16xi32>], vector<16xf32>,
      %mul3A_1120 = arith.mulf %gather3A_1115, %gather3A_1119 : vector<16xf32>
      %add3A_1121 = arith.addf %add3A_1111, %mul3A_1120 : vector<16xf32>
      %add3A_1122 = arith.constant 6 : i32
      %add3A_1123 = vector.broadcast %add3A_1122 : i32 to vector<16xi32>
      %add3A_1124 = arith.addi %mul3A_1051, %add3A_1123 : vector<16xi32>
      %gather3A_1125 = tpu.vector_load_idx %arg13[%add3A_1045, %add3A_1124] : memref<256x128xf32, #tpu.memory_space<vmem>>[vector<16xi32>, vector<16xi32>], vector<16xf32>,
      %add3A_1126 = arith.constant 6 : i32
      %add3A_1127 = vector.broadcast %add3A_1126 : i32 to vector<16xi32>
      %add3A_1128 = arith.addi %mul3A_1057, %add3A_1127 : vector<16xi32>
      %gather3A_1129 = tpu.vector_load_idx %arg14[%add3A_1045, %add3A_1128] : memref<256x128xf32, #tpu.memory_space<vmem>>[vector<16xi32>, vector<16xi32>], vector<16xf32>,
      %mul3A_1130 = arith.mulf %gather3A_1125, %gather3A_1129 : vector<16xf32>
      %add3A_1131 = arith.addf %add3A_1121, %mul3A_1130 : vector<16xf32>
      %add3A_1132 = arith.constant 7 : i32
      %add3A_1133 = vector.broadcast %add3A_1132 : i32 to vector<16xi32>
      %add3A_1134 = arith.addi %mul3A_1051, %add3A_1133 : vector<16xi32>
      %gather3A_1135 = tpu.vector_load_idx %arg13[%add3A_1045, %add3A_1134] : memref<256x128xf32, #tpu.memory_space<vmem>>[vector<16xi32>, vector<16xi32>], vector<16xf32>,
      %add3A_1136 = arith.constant 7 : i32
      %add3A_1137 = vector.broadcast %add3A_1136 : i32 to vector<16xi32>
      %add3A_1138 = arith.addi %mul3A_1057, %add3A_1137 : vector<16xi32>
      %gather3A_1139 = tpu.vector_load_idx %arg14[%add3A_1045, %add3A_1138] : memref<256x128xf32, #tpu.memory_space<vmem>>[vector<16xi32>, vector<16xi32>], vector<16xf32>,
      %mul3A_1140 = arith.mulf %gather3A_1135, %gather3A_1139 : vector<16xf32>
      %add3A_1141 = arith.addf %add3A_1131, %mul3A_1140 : vector<16xf32>
      %add3A_1142 = arith.constant 8 : i32
      %add3A_1143 = vector.broadcast %add3A_1142 : i32 to vector<16xi32>
      %add3A_1144 = arith.addi %mul3A_1051, %add3A_1143 : vector<16xi32>
      %gather3A_1145 = tpu.vector_load_idx %arg13[%add3A_1045, %add3A_1144] : memref<256x128xf32, #tpu.memory_space<vmem>>[vector<16xi32>, vector<16xi32>], vector<16xf32>,
      %add3A_1146 = arith.constant 8 : i32
      %add3A_1147 = vector.broadcast %add3A_1146 : i32 to vector<16xi32>
      %add3A_1148 = arith.addi %mul3A_1057, %add3A_1147 : vector<16xi32>
      %gather3A_1149 = tpu.vector_load_idx %arg14[%add3A_1045, %add3A_1148] : memref<256x128xf32, #tpu.memory_space<vmem>>[vector<16xi32>, vector<16xi32>], vector<16xf32>,
      %mul3A_1150 = arith.mulf %gather3A_1145, %gather3A_1149 : vector<16xf32>
      %add3A_1151 = arith.addf %add3A_1141, %mul3A_1150 : vector<16xf32>
      %add3A_1152 = arith.constant 9 : i32
      %add3A_1153 = vector.broadcast %add3A_1152 : i32 to vector<16xi32>
      %add3A_1154 = arith.addi %mul3A_1051, %add3A_1153 : vector<16xi32>
      %gather3A_1155 = tpu.vector_load_idx %arg13[%add3A_1045, %add3A_1154] : memref<256x128xf32, #tpu.memory_space<vmem>>[vector<16xi32>, vector<16xi32>], vector<16xf32>,
      %add3A_1156 = arith.constant 9 : i32
      %add3A_1157 = vector.broadcast %add3A_1156 : i32 to vector<16xi32>
      %add3A_1158 = arith.addi %mul3A_1057, %add3A_1157 : vector<16xi32>
      %gather3A_1159 = tpu.vector_load_idx %arg14[%add3A_1045, %add3A_1158] : memref<256x128xf32, #tpu.memory_space<vmem>>[vector<16xi32>, vector<16xi32>], vector<16xf32>,
      %mul3A_1160 = arith.mulf %gather3A_1155, %gather3A_1159 : vector<16xf32>
      %add3A_1161 = arith.addf %add3A_1151, %mul3A_1160 : vector<16xf32>
      %add3A_1162 = arith.constant 10 : i32
      %add3A_1163 = vector.broadcast %add3A_1162 : i32 to vector<16xi32>
      %add3A_1164 = arith.addi %mul3A_1051, %add3A_1163 : vector<16xi32>
      %gather3A_1165 = tpu.vector_load_idx %arg13[%add3A_1045, %add3A_1164] : memref<256x128xf32, #tpu.memory_space<vmem>>[vector<16xi32>, vector<16xi32>], vector<16xf32>,
      %add3A_1166 = arith.constant 10 : i32
      %add3A_1167 = vector.broadcast %add3A_1166 : i32 to vector<16xi32>
      %add3A_1168 = arith.addi %mul3A_1057, %add3A_1167 : vector<16xi32>
      %gather3A_1169 = tpu.vector_load_idx %arg14[%add3A_1045, %add3A_1168] : memref<256x128xf32, #tpu.memory_space<vmem>>[vector<16xi32>, vector<16xi32>], vector<16xf32>,
      %mul3A_1170 = arith.mulf %gather3A_1165, %gather3A_1169 : vector<16xf32>
      %add3A_1171 = arith.addf %add3A_1161, %mul3A_1170 : vector<16xf32>
      %add3A_1172 = arith.constant 11 : i32
      %add3A_1173 = vector.broadcast %add3A_1172 : i32 to vector<16xi32>
      %add3A_1174 = arith.addi %mul3A_1051, %add3A_1173 : vector<16xi32>
      %gather3A_1175 = tpu.vector_load_idx %arg13[%add3A_1045, %add3A_1174] : memref<256x128xf32, #tpu.memory_space<vmem>>[vector<16xi32>, vector<16xi32>], vector<16xf32>,
      %add3A_1176 = arith.constant 11 : i32
      %add3A_1177 = vector.broadcast %add3A_1176 : i32 to vector<16xi32>
      %add3A_1178 = arith.addi %mul3A_1057, %add3A_1177 : vector<16xi32>
      %gather3A_1179 = tpu.vector_load_idx %arg14[%add3A_1045, %add3A_1178] : memref<256x128xf32, #tpu.memory_space<vmem>>[vector<16xi32>, vector<16xi32>], vector<16xf32>,
      %mul3A_1180 = arith.mulf %gather3A_1175, %gather3A_1179 : vector<16xf32>
      %add3A_1181 = arith.addf %add3A_1171, %mul3A_1180 : vector<16xf32>
      %add3A_1182 = arith.constant 12 : i32
      %add3A_1183 = vector.broadcast %add3A_1182 : i32 to vector<16xi32>
      %add3A_1184 = arith.addi %mul3A_1051, %add3A_1183 : vector<16xi32>
      %gather3A_1185 = tpu.vector_load_idx %arg13[%add3A_1045, %add3A_1184] : memref<256x128xf32, #tpu.memory_space<vmem>>[vector<16xi32>, vector<16xi32>], vector<16xf32>,
      %add3A_1186 = arith.constant 12 : i32
      %add3A_1187 = vector.broadcast %add3A_1186 : i32 to vector<16xi32>
      %add3A_1188 = arith.addi %mul3A_1057, %add3A_1187 : vector<16xi32>
      %gather3A_1189 = tpu.vector_load_idx %arg14[%add3A_1045, %add3A_1188] : memref<256x128xf32, #tpu.memory_space<vmem>>[vector<16xi32>, vector<16xi32>], vector<16xf32>,
      %mul3A_1190 = arith.mulf %gather3A_1185, %gather3A_1189 : vector<16xf32>
      %add3A_1191 = arith.addf %add3A_1181, %mul3A_1190 : vector<16xf32>
      %add3A_1192 = arith.constant 13 : i32
      %add3A_1193 = vector.broadcast %add3A_1192 : i32 to vector<16xi32>
      %add3A_1194 = arith.addi %mul3A_1051, %add3A_1193 : vector<16xi32>
      %gather3A_1195 = tpu.vector_load_idx %arg13[%add3A_1045, %add3A_1194] : memref<256x128xf32, #tpu.memory_space<vmem>>[vector<16xi32>, vector<16xi32>], vector<16xf32>,
      %add3A_1196 = arith.constant 13 : i32
      %add3A_1197 = vector.broadcast %add3A_1196 : i32 to vector<16xi32>
      %add3A_1198 = arith.addi %mul3A_1057, %add3A_1197 : vector<16xi32>
      %gather3A_1199 = tpu.vector_load_idx %arg14[%add3A_1045, %add3A_1198] : memref<256x128xf32, #tpu.memory_space<vmem>>[vector<16xi32>, vector<16xi32>], vector<16xf32>,
      %mul3A_1200 = arith.mulf %gather3A_1195, %gather3A_1199 : vector<16xf32>
      %add3A_1201 = arith.addf %add3A_1191, %mul3A_1200 : vector<16xf32>
      %add3A_1202 = arith.constant 14 : i32
      %add3A_1203 = vector.broadcast %add3A_1202 : i32 to vector<16xi32>
      %add3A_1204 = arith.addi %mul3A_1051, %add3A_1203 : vector<16xi32>
      %gather3A_1205 = tpu.vector_load_idx %arg13[%add3A_1045, %add3A_1204] : memref<256x128xf32, #tpu.memory_space<vmem>>[vector<16xi32>, vector<16xi32>], vector<16xf32>,
      %add3A_1206 = arith.constant 14 : i32
      %add3A_1207 = vector.broadcast %add3A_1206 : i32 to vector<16xi32>
      %add3A_1208 = arith.addi %mul3A_1057, %add3A_1207 : vector<16xi32>
      %gather3A_1209 = tpu.vector_load_idx %arg14[%add3A_1045, %add3A_1208] : memref<256x128xf32, #tpu.memory_space<vmem>>[vector<16xi32>, vector<16xi32>], vector<16xf32>,
      %mul3A_1210 = arith.mulf %gather3A_1205, %gather3A_1209 : vector<16xf32>
      %add3A_1211 = arith.addf %add3A_1201, %mul3A_1210 : vector<16xf32>
      %add3A_1212 = arith.constant 15 : i32
      %add3A_1213 = vector.broadcast %add3A_1212 : i32 to vector<16xi32>
      %add3A_1214 = arith.addi %mul3A_1051, %add3A_1213 : vector<16xi32>
      %gather3A_1215 = tpu.vector_load_idx %arg13[%add3A_1045, %add3A_1214] : memref<256x128xf32, #tpu.memory_space<vmem>>[vector<16xi32>, vector<16xi32>], vector<16xf32>,
      %add3A_1216 = arith.constant 15 : i32
      %add3A_1217 = vector.broadcast %add3A_1216 : i32 to vector<16xi32>
      %add3A_1218 = arith.addi %mul3A_1057, %add3A_1217 : vector<16xi32>
      %gather3A_1219 = tpu.vector_load_idx %arg14[%add3A_1045, %add3A_1218] : memref<256x128xf32, #tpu.memory_space<vmem>>[vector<16xi32>, vector<16xi32>], vector<16xf32>,
      %mul3A_1220 = arith.mulf %gather3A_1215, %gather3A_1219 : vector<16xf32>
      %add3A_1221 = arith.addf %add3A_1211, %mul3A_1220 : vector<16xf32>
      %add3A_1222 = arith.constant 16 : i32
      %add3A_1223 = vector.broadcast %add3A_1222 : i32 to vector<16xi32>
      %add3A_1224 = arith.addi %mul3A_1051, %add3A_1223 : vector<16xi32>
      %gather3A_1225 = tpu.vector_load_idx %arg13[%add3A_1045, %add3A_1224] : memref<256x128xf32, #tpu.memory_space<vmem>>[vector<16xi32>, vector<16xi32>], vector<16xf32>,
      %add3A_1226 = arith.constant 16 : i32
      %add3A_1227 = vector.broadcast %add3A_1226 : i32 to vector<16xi32>
      %add3A_1228 = arith.addi %mul3A_1057, %add3A_1227 : vector<16xi32>
      %gather3A_1229 = tpu.vector_load_idx %arg14[%add3A_1045, %add3A_1228] : memref<256x128xf32, #tpu.memory_space<vmem>>[vector<16xi32>, vector<16xi32>], vector<16xf32>,
      %mul3A_1230 = arith.mulf %gather3A_1225, %gather3A_1229 : vector<16xf32>
      %add3A_1231 = arith.addf %add3A_1221, %mul3A_1230 : vector<16xf32>
      %add3A_1232 = arith.constant 17 : i32
      %add3A_1233 = vector.broadcast %add3A_1232 : i32 to vector<16xi32>
      %add3A_1234 = arith.addi %mul3A_1051, %add3A_1233 : vector<16xi32>
      %gather3A_1235 = tpu.vector_load_idx %arg13[%add3A_1045, %add3A_1234] : memref<256x128xf32, #tpu.memory_space<vmem>>[vector<16xi32>, vector<16xi32>], vector<16xf32>,
      %add3A_1236 = arith.constant 17 : i32
      %add3A_1237 = vector.broadcast %add3A_1236 : i32 to vector<16xi32>
      %add3A_1238 = arith.addi %mul3A_1057, %add3A_1237 : vector<16xi32>
      %gather3A_1239 = tpu.vector_load_idx %arg14[%add3A_1045, %add3A_1238] : memref<256x128xf32, #tpu.memory_space<vmem>>[vector<16xi32>, vector<16xi32>], vector<16xf32>,
      %mul3A_1240 = arith.mulf %gather3A_1235, %gather3A_1239 : vector<16xf32>
      %add3A_1241 = arith.addf %add3A_1231, %mul3A_1240 : vector<16xf32>
      %add3A_1242 = arith.constant 18 : i32
      %add3A_1243 = vector.broadcast %add3A_1242 : i32 to vector<16xi32>
      %add3A_1244 = arith.addi %mul3A_1051, %add3A_1243 : vector<16xi32>
      %gather3A_1245 = tpu.vector_load_idx %arg13[%add3A_1045, %add3A_1244] : memref<256x128xf32, #tpu.memory_space<vmem>>[vector<16xi32>, vector<16xi32>], vector<16xf32>,
      %add3A_1246 = arith.constant 18 : i32
      %add3A_1247 = vector.broadcast %add3A_1246 : i32 to vector<16xi32>
      %add3A_1248 = arith.addi %mul3A_1057, %add3A_1247 : vector<16xi32>
      %gather3A_1249 = tpu.vector_load_idx %arg14[%add3A_1045, %add3A_1248] : memref<256x128xf32, #tpu.memory_space<vmem>>[vector<16xi32>, vector<16xi32>], vector<16xf32>,
      %mul3A_1250 = arith.mulf %gather3A_1245, %gather3A_1249 : vector<16xf32>
      %add3A_1251 = arith.addf %add3A_1241, %mul3A_1250 : vector<16xf32>
      %add3A_1252 = arith.constant 19 : i32
      %add3A_1253 = vector.broadcast %add3A_1252 : i32 to vector<16xi32>
      %add3A_1254 = arith.addi %mul3A_1051, %add3A_1253 : vector<16xi32>
      %gather3A_1255 = tpu.vector_load_idx %arg13[%add3A_1045, %add3A_1254] : memref<256x128xf32, #tpu.memory_space<vmem>>[vector<16xi32>, vector<16xi32>], vector<16xf32>,
      %add3A_1256 = arith.constant 19 : i32
      %add3A_1257 = vector.broadcast %add3A_1256 : i32 to vector<16xi32>
      %add3A_1258 = arith.addi %mul3A_1057, %add3A_1257 : vector<16xi32>
      %gather3A_1259 = tpu.vector_load_idx %arg14[%add3A_1045, %add3A_1258] : memref<256x128xf32, #tpu.memory_space<vmem>>[vector<16xi32>, vector<16xi32>], vector<16xf32>,
      %mul3A_1260 = arith.mulf %gather3A_1255, %gather3A_1259 : vector<16xf32>
      %add3A_1261 = arith.addf %add3A_1251, %mul3A_1260 : vector<16xf32>
      %add3A_1262 = arith.constant 20 : i32
      %add3A_1263 = vector.broadcast %add3A_1262 : i32 to vector<16xi32>
      %add3A_1264 = arith.addi %mul3A_1051, %add3A_1263 : vector<16xi32>
      %gather3A_1265 = tpu.vector_load_idx %arg13[%add3A_1045, %add3A_1264] : memref<256x128xf32, #tpu.memory_space<vmem>>[vector<16xi32>, vector<16xi32>], vector<16xf32>,
      %add3A_1266 = arith.constant 20 : i32
      %add3A_1267 = vector.broadcast %add3A_1266 : i32 to vector<16xi32>
      %add3A_1268 = arith.addi %mul3A_1057, %add3A_1267 : vector<16xi32>
      %gather3A_1269 = tpu.vector_load_idx %arg14[%add3A_1045, %add3A_1268] : memref<256x128xf32, #tpu.memory_space<vmem>>[vector<16xi32>, vector<16xi32>], vector<16xf32>,
      %mul3A_1270 = arith.mulf %gather3A_1265, %gather3A_1269 : vector<16xf32>
      %add3A_1271 = arith.addf %add3A_1261, %mul3A_1270 : vector<16xf32>
      %add3A_1272 = arith.constant 21 : i32
      %add3A_1273 = vector.broadcast %add3A_1272 : i32 to vector<16xi32>
      %add3A_1274 = arith.addi %mul3A_1051, %add3A_1273 : vector<16xi32>
      %gather3A_1275 = tpu.vector_load_idx %arg13[%add3A_1045, %add3A_1274] : memref<256x128xf32, #tpu.memory_space<vmem>>[vector<16xi32>, vector<16xi32>], vector<16xf32>,
      %add3A_1276 = arith.constant 21 : i32
      %add3A_1277 = vector.broadcast %add3A_1276 : i32 to vector<16xi32>
      %add3A_1278 = arith.addi %mul3A_1057, %add3A_1277 : vector<16xi32>
      %gather3A_1279 = tpu.vector_load_idx %arg14[%add3A_1045, %add3A_1278] : memref<256x128xf32, #tpu.memory_space<vmem>>[vector<16xi32>, vector<16xi32>], vector<16xf32>,
      %mul3A_1280 = arith.mulf %gather3A_1275, %gather3A_1279 : vector<16xf32>
      %add3A_1281 = arith.addf %add3A_1271, %mul3A_1280 : vector<16xf32>
      %add3A_1282 = arith.constant 22 : i32
      %add3A_1283 = vector.broadcast %add3A_1282 : i32 to vector<16xi32>
      %add3A_1284 = arith.addi %mul3A_1051, %add3A_1283 : vector<16xi32>
      %gather3A_1285 = tpu.vector_load_idx %arg13[%add3A_1045, %add3A_1284] : memref<256x128xf32, #tpu.memory_space<vmem>>[vector<16xi32>, vector<16xi32>], vector<16xf32>,
      %add3A_1286 = arith.constant 22 : i32
      %add3A_1287 = vector.broadcast %add3A_1286 : i32 to vector<16xi32>
      %add3A_1288 = arith.addi %mul3A_1057, %add3A_1287 : vector<16xi32>
      %gather3A_1289 = tpu.vector_load_idx %arg14[%add3A_1045, %add3A_1288] : memref<256x128xf32, #tpu.memory_space<vmem>>[vector<16xi32>, vector<16xi32>], vector<16xf32>,
      %mul3A_1290 = arith.mulf %gather3A_1285, %gather3A_1289 : vector<16xf32>
      %add3A_1291 = arith.addf %add3A_1281, %mul3A_1290 : vector<16xf32>
      %add3A_1292 = arith.constant 23 : i32
      %add3A_1293 = vector.broadcast %add3A_1292 : i32 to vector<16xi32>
      %add3A_1294 = arith.addi %mul3A_1051, %add3A_1293 : vector<16xi32>
      %gather3A_1295 = tpu.vector_load_idx %arg13[%add3A_1045, %add3A_1294] : memref<256x128xf32, #tpu.memory_space<vmem>>[vector<16xi32>, vector<16xi32>], vector<16xf32>,
      %add3A_1296 = arith.constant 23 : i32
      %add3A_1297 = vector.broadcast %add3A_1296 : i32 to vector<16xi32>
      %add3A_1298 = arith.addi %mul3A_1057, %add3A_1297 : vector<16xi32>
      %gather3A_1299 = tpu.vector_load_idx %arg14[%add3A_1045, %add3A_1298] : memref<256x128xf32, #tpu.memory_space<vmem>>[vector<16xi32>, vector<16xi32>], vector<16xf32>,
      %mul3A_1300 = arith.mulf %gather3A_1295, %gather3A_1299 : vector<16xf32>
      %add3A_1301 = arith.addf %add3A_1291, %mul3A_1300 : vector<16xf32>
      %add3A_1302 = arith.constant 24 : i32
      %add3A_1303 = vector.broadcast %add3A_1302 : i32 to vector<16xi32>
      %add3A_1304 = arith.addi %mul3A_1051, %add3A_1303 : vector<16xi32>
      %gather3A_1305 = tpu.vector_load_idx %arg13[%add3A_1045, %add3A_1304] : memref<256x128xf32, #tpu.memory_space<vmem>>[vector<16xi32>, vector<16xi32>], vector<16xf32>,
      %add3A_1306 = arith.constant 24 : i32
      %add3A_1307 = vector.broadcast %add3A_1306 : i32 to vector<16xi32>
      %add3A_1308 = arith.addi %mul3A_1057, %add3A_1307 : vector<16xi32>
      %gather3A_1309 = tpu.vector_load_idx %arg14[%add3A_1045, %add3A_1308] : memref<256x128xf32, #tpu.memory_space<vmem>>[vector<16xi32>, vector<16xi32>], vector<16xf32>,
      %mul3A_1310 = arith.mulf %gather3A_1305, %gather3A_1309 : vector<16xf32>
      %add3A_1311 = arith.addf %add3A_1301, %mul3A_1310 : vector<16xf32>
      %add3A_1312 = arith.constant 25 : i32
      %add3A_1313 = vector.broadcast %add3A_1312 : i32 to vector<16xi32>
      %add3A_1314 = arith.addi %mul3A_1051, %add3A_1313 : vector<16xi32>
      %gather3A_1315 = tpu.vector_load_idx %arg13[%add3A_1045, %add3A_1314] : memref<256x128xf32, #tpu.memory_space<vmem>>[vector<16xi32>, vector<16xi32>], vector<16xf32>,
      %add3A_1316 = arith.constant 25 : i32
      %add3A_1317 = vector.broadcast %add3A_1316 : i32 to vector<16xi32>
      %add3A_1318 = arith.addi %mul3A_1057, %add3A_1317 : vector<16xi32>
      %gather3A_1319 = tpu.vector_load_idx %arg14[%add3A_1045, %add3A_1318] : memref<256x128xf32, #tpu.memory_space<vmem>>[vector<16xi32>, vector<16xi32>], vector<16xf32>,
      %mul3A_1320 = arith.mulf %gather3A_1315, %gather3A_1319 : vector<16xf32>
      %add3A_1321 = arith.addf %add3A_1311, %mul3A_1320 : vector<16xf32>
      %add3A_1322 = arith.constant 26 : i32
      %add3A_1323 = vector.broadcast %add3A_1322 : i32 to vector<16xi32>
      %add3A_1324 = arith.addi %mul3A_1051, %add3A_1323 : vector<16xi32>
      %gather3A_1325 = tpu.vector_load_idx %arg13[%add3A_1045, %add3A_1324] : memref<256x128xf32, #tpu.memory_space<vmem>>[vector<16xi32>, vector<16xi32>], vector<16xf32>,
      %add3A_1326 = arith.constant 26 : i32
      %add3A_1327 = vector.broadcast %add3A_1326 : i32 to vector<16xi32>
      %add3A_1328 = arith.addi %mul3A_1057, %add3A_1327 : vector<16xi32>
      %gather3A_1329 = tpu.vector_load_idx %arg14[%add3A_1045, %add3A_1328] : memref<256x128xf32, #tpu.memory_space<vmem>>[vector<16xi32>, vector<16xi32>], vector<16xf32>,
      %mul3A_1330 = arith.mulf %gather3A_1325, %gather3A_1329 : vector<16xf32>
      %add3A_1331 = arith.addf %add3A_1321, %mul3A_1330 : vector<16xf32>
      %add3A_1332 = arith.constant 27 : i32
      %add3A_1333 = vector.broadcast %add3A_1332 : i32 to vector<16xi32>
      %add3A_1334 = arith.addi %mul3A_1051, %add3A_1333 : vector<16xi32>
      %gather3A_1335 = tpu.vector_load_idx %arg13[%add3A_1045, %add3A_1334] : memref<256x128xf32, #tpu.memory_space<vmem>>[vector<16xi32>, vector<16xi32>], vector<16xf32>,
      %add3A_1336 = arith.constant 27 : i32
      %add3A_1337 = vector.broadcast %add3A_1336 : i32 to vector<16xi32>
      %add3A_1338 = arith.addi %mul3A_1057, %add3A_1337 : vector<16xi32>
      %gather3A_1339 = tpu.vector_load_idx %arg14[%add3A_1045, %add3A_1338] : memref<256x128xf32, #tpu.memory_space<vmem>>[vector<16xi32>, vector<16xi32>], vector<16xf32>,
      %mul3A_1340 = arith.mulf %gather3A_1335, %gather3A_1339 : vector<16xf32>
      %add3A_1341 = arith.addf %add3A_1331, %mul3A_1340 : vector<16xf32>
      %add3A_1342 = arith.constant 28 : i32
      %add3A_1343 = vector.broadcast %add3A_1342 : i32 to vector<16xi32>
      %add3A_1344 = arith.addi %mul3A_1051, %add3A_1343 : vector<16xi32>
      %gather3A_1345 = tpu.vector_load_idx %arg13[%add3A_1045, %add3A_1344] : memref<256x128xf32, #tpu.memory_space<vmem>>[vector<16xi32>, vector<16xi32>], vector<16xf32>,
      %add3A_1346 = arith.constant 28 : i32
      %add3A_1347 = vector.broadcast %add3A_1346 : i32 to vector<16xi32>
      %add3A_1348 = arith.addi %mul3A_1057, %add3A_1347 : vector<16xi32>
      %gather3A_1349 = tpu.vector_load_idx %arg14[%add3A_1045, %add3A_1348] : memref<256x128xf32, #tpu.memory_space<vmem>>[vector<16xi32>, vector<16xi32>], vector<16xf32>,
      %mul3A_1350 = arith.mulf %gather3A_1345, %gather3A_1349 : vector<16xf32>
      %add3A_1351 = arith.addf %add3A_1341, %mul3A_1350 : vector<16xf32>
      %add3A_1352 = arith.constant 29 : i32
      %add3A_1353 = vector.broadcast %add3A_1352 : i32 to vector<16xi32>
      %add3A_1354 = arith.addi %mul3A_1051, %add3A_1353 : vector<16xi32>
      %gather3A_1355 = tpu.vector_load_idx %arg13[%add3A_1045, %add3A_1354] : memref<256x128xf32, #tpu.memory_space<vmem>>[vector<16xi32>, vector<16xi32>], vector<16xf32>,
      %add3A_1356 = arith.constant 29 : i32
      %add3A_1357 = vector.broadcast %add3A_1356 : i32 to vector<16xi32>
      %add3A_1358 = arith.addi %mul3A_1057, %add3A_1357 : vector<16xi32>
      %gather3A_1359 = tpu.vector_load_idx %arg14[%add3A_1045, %add3A_1358] : memref<256x128xf32, #tpu.memory_space<vmem>>[vector<16xi32>, vector<16xi32>], vector<16xf32>,
      %mul3A_1360 = arith.mulf %gather3A_1355, %gather3A_1359 : vector<16xf32>
      %add3A_1361 = arith.addf %add3A_1351, %mul3A_1360 : vector<16xf32>
      %add3A_1362 = arith.constant 30 : i32
      %add3A_1363 = vector.broadcast %add3A_1362 : i32 to vector<16xi32>
      %add3A_1364 = arith.addi %mul3A_1051, %add3A_1363 : vector<16xi32>
      %gather3A_1365 = tpu.vector_load_idx %arg13[%add3A_1045, %add3A_1364] : memref<256x128xf32, #tpu.memory_space<vmem>>[vector<16xi32>, vector<16xi32>], vector<16xf32>,
      %add3A_1366 = arith.constant 30 : i32
      %add3A_1367 = vector.broadcast %add3A_1366 : i32 to vector<16xi32>
      %add3A_1368 = arith.addi %mul3A_1057, %add3A_1367 : vector<16xi32>
      %gather3A_1369 = tpu.vector_load_idx %arg14[%add3A_1045, %add3A_1368] : memref<256x128xf32, #tpu.memory_space<vmem>>[vector<16xi32>, vector<16xi32>], vector<16xf32>,
      %mul3A_1370 = arith.mulf %gather3A_1365, %gather3A_1369 : vector<16xf32>
      %add3A_1371 = arith.addf %add3A_1361, %mul3A_1370 : vector<16xf32>
      %add3A_1372 = arith.constant 31 : i32
      %add3A_1373 = vector.broadcast %add3A_1372 : i32 to vector<16xi32>
      %add3A_1374 = arith.addi %mul3A_1051, %add3A_1373 : vector<16xi32>
      %gather3A_1375 = tpu.vector_load_idx %arg13[%add3A_1045, %add3A_1374] : memref<256x128xf32, #tpu.memory_space<vmem>>[vector<16xi32>, vector<16xi32>], vector<16xf32>,
      %add3A_1376 = arith.constant 31 : i32
      %add3A_1377 = vector.broadcast %add3A_1376 : i32 to vector<16xi32>
      %add3A_1378 = arith.addi %mul3A_1057, %add3A_1377 : vector<16xi32>
      %gather3A_1379 = tpu.vector_load_idx %arg14[%add3A_1045, %add3A_1378] : memref<256x128xf32, #tpu.memory_space<vmem>>[vector<16xi32>, vector<16xi32>], vector<16xf32>,
      %mul3A_1380 = arith.mulf %gather3A_1375, %gather3A_1379 : vector<16xf32>
      %add3A_1381 = arith.addf %add3A_1371, %mul3A_1380 : vector<16xf32>
      %swap3A_1382 = arith.index_cast %add3A_1035 : i32 to index
      %swap3A_1383 = tpu.vector_load %arg17[%swap3A_1382] {strides = array<i32>} : memref<512xf32, #tpu.memory_space<vmem>>, vector<16xf32>,
      tpu.vector_store %arg17[%swap3A_1382], %add3A_1381 {strides = array<i32>} : memref<512xf32, #tpu.memory_space<vmem>>, vector<16xf32>,
    }
    %scan3A_937 = arith.constant 16 : i32
    %dma_start3A_938 = arith.constant 2 : i32
    %dma_start3A_939 = arith.constant 0 : i32
    %dma_start3A_940 = arith.constant 0 : i32
    %dma_start3A_941 = tpu.memref_slice %arg13[%dma_start3A_939, %dma_start3A_940] : memref<256x128xf32, #tpu.memory_space<vmem>> -> memref<128x128xf32, #tpu.memory_space<vmem>>
    %dma_start3A_942 = arith.constant 0 : i32
    %dma_start3A_943 = tpu.memref_slice %arg11[%dma_start3A_938, %dma_start3A_942] : memref<4x128xi32, #tpu.memory_space<vmem>> -> memref<1x128xi32, #tpu.memory_space<vmem>>
    %dma_start3A_944 = tpu.memref_squeeze %dma_start3A_943 : memref<1x128xi32, #tpu.memory_space<vmem>> -> memref<128xi32, #tpu.memory_space<vmem>>
    %dma_start3A_945 = arith.constant 0 : i32
    %dma_start3A_946 = arith.constant 0 : i32
    %dma_start3A_947 = tpu.memref_slice %arg4[%dma_start3A_945, %dma_start3A_946] : memref<250000x128xf32, #tpu.memory_space<hbm>> -> memref<250000x128xf32, #tpu.memory_space<hbm>>
    tpu.enqueue_indirect_dma source(%dma_start3A_947 : memref<250000x128xf32, #tpu.memory_space<hbm>>) target(%dma_start3A_941 : memref<128x128xf32, #tpu.memory_space<vmem>>) offsets(%dma_start3A_944 : memref<128xi32, #tpu.memory_space<vmem>>) semaphore(%arg18 : memref<!tpu.dma_semaphore, #tpu.memory_space<semaphore_mem>>)
    %dma_start3A_948 = arith.constant 2 : i32
    %dma_start3A_949 = arith.constant 0 : i32
    %dma_start3A_950 = arith.constant 0 : i32
    %dma_start3A_951 = tpu.memref_slice %arg14[%dma_start3A_949, %dma_start3A_950] : memref<256x128xf32, #tpu.memory_space<vmem>> -> memref<128x128xf32, #tpu.memory_space<vmem>>
    %dma_start3A_952 = arith.constant 0 : i32
    %dma_start3A_953 = tpu.memref_slice %arg12[%dma_start3A_948, %dma_start3A_952] : memref<4x128xi32, #tpu.memory_space<vmem>> -> memref<1x128xi32, #tpu.memory_space<vmem>>
    %dma_start3A_954 = tpu.memref_squeeze %dma_start3A_953 : memref<1x128xi32, #tpu.memory_space<vmem>> -> memref<128xi32, #tpu.memory_space<vmem>>
    %dma_start3A_955 = arith.constant 0 : i32
    %dma_start3A_956 = arith.constant 0 : i32
    %dma_start3A_957 = tpu.memref_slice %arg5[%dma_start3A_955, %dma_start3A_956] : memref<250000x128xf32, #tpu.memory_space<hbm>> -> memref<250000x128xf32, #tpu.memory_space<hbm>>
    tpu.enqueue_indirect_dma source(%dma_start3A_957 : memref<250000x128xf32, #tpu.memory_space<hbm>>) target(%dma_start3A_951 : memref<128x128xf32, #tpu.memory_space<vmem>>) offsets(%dma_start3A_954 : memref<128xi32, #tpu.memory_space<vmem>>) semaphore(%arg18 : memref<!tpu.dma_semaphore, #tpu.memory_space<semaphore_mem>>)
    %dma_start3A_958 = arith.constant 3 : i32
    %dma_start3A_959 = arith.constant 128 : i32
    %dma_start3A_960 = arith.constant 0 : i32
    %dma_start3A_961 = tpu.memref_slice %arg13[%dma_start3A_959, %dma_start3A_960] : memref<256x128xf32, #tpu.memory_space<vmem>> -> memref<128x128xf32, #tpu.memory_space<vmem>>
    %dma_start3A_962 = arith.constant 0 : i32
    %dma_start3A_963 = tpu.memref_slice %arg11[%dma_start3A_958, %dma_start3A_962] : memref<4x128xi32, #tpu.memory_space<vmem>> -> memref<1x128xi32, #tpu.memory_space<vmem>>
    %dma_start3A_964 = tpu.memref_squeeze %dma_start3A_963 : memref<1x128xi32, #tpu.memory_space<vmem>> -> memref<128xi32, #tpu.memory_space<vmem>>
    %dma_start3A_965 = arith.constant 0 : i32
    %dma_start3A_966 = arith.constant 0 : i32
    %dma_start3A_967 = tpu.memref_slice %arg4[%dma_start3A_965, %dma_start3A_966] : memref<250000x128xf32, #tpu.memory_space<hbm>> -> memref<250000x128xf32, #tpu.memory_space<hbm>>
    tpu.enqueue_indirect_dma source(%dma_start3A_967 : memref<250000x128xf32, #tpu.memory_space<hbm>>) target(%dma_start3A_961 : memref<128x128xf32, #tpu.memory_space<vmem>>) offsets(%dma_start3A_964 : memref<128xi32, #tpu.memory_space<vmem>>) semaphore(%arg18 : memref<!tpu.dma_semaphore, #tpu.memory_space<semaphore_mem>>)
    %dma_start3A_968 = arith.constant 3 : i32
    %dma_start3A_969 = arith.constant 128 : i32
    %dma_start3A_970 = arith.constant 0 : i32
    %dma_start3A_971 = tpu.memref_slice %arg14[%dma_start3A_969, %dma_start3A_970] : memref<256x128xf32, #tpu.memory_space<vmem>> -> memref<128x128xf32, #tpu.memory_space<vmem>>
    %dma_start3A_972 = arith.constant 0 : i32
    %dma_start3A_973 = tpu.memref_slice %arg12[%dma_start3A_968, %dma_start3A_972] : memref<4x128xi32, #tpu.memory_space<vmem>> -> memref<1x128xi32, #tpu.memory_space<vmem>>
    %dma_start3A_974 = tpu.memref_squeeze %dma_start3A_973 : memref<1x128xi32, #tpu.memory_space<vmem>> -> memref<128xi32, #tpu.memory_space<vmem>>
    %dma_start3A_975 = arith.constant 0 : i32
    %dma_start3A_976 = arith.constant 0 : i32
    %dma_start3A_977 = tpu.memref_slice %arg5[%dma_start3A_975, %dma_start3A_976] : memref<250000x128xf32, #tpu.memory_space<hbm>> -> memref<250000x128xf32, #tpu.memory_space<hbm>>
    tpu.enqueue_indirect_dma source(%dma_start3A_977 : memref<250000x128xf32, #tpu.memory_space<hbm>>) target(%dma_start3A_971 : memref<128x128xf32, #tpu.memory_space<vmem>>) offsets(%dma_start3A_974 : memref<128xi32, #tpu.memory_space<vmem>>) semaphore(%arg18 : memref<!tpu.dma_semaphore, #tpu.memory_space<semaphore_mem>>)
    %dma_wait3A_978 = arith.constant 2 : i32
    %dma_wait3A_979 = arith.constant 0 : i32
    %dma_wait3A_980 = arith.constant 0 : i32
    %dma_wait3A_981 = tpu.memref_slice %arg13[%dma_wait3A_979, %dma_wait3A_980] : memref<256x128xf32, #tpu.memory_space<vmem>> -> memref<128x128xf32, #tpu.memory_space<vmem>>
    %dma_wait3A_982 = arith.constant 0 : i32
    %dma_wait3A_983 = tpu.memref_slice %arg11[%dma_wait3A_978, %dma_wait3A_982] : memref<4x128xi32, #tpu.memory_space<vmem>> -> memref<1x128xi32, #tpu.memory_space<vmem>>
    %dma_wait3A_984 = tpu.memref_squeeze %dma_wait3A_983 : memref<1x128xi32, #tpu.memory_space<vmem>> -> memref<128xi32, #tpu.memory_space<vmem>>
    %dma_wait3A_985 = arith.constant 0 : i32
    %dma_wait3A_986 = arith.constant 0 : i32
    %dma_wait3A_987 = tpu.memref_slice %arg4[%dma_wait3A_985, %dma_wait3A_986] : memref<250000x128xf32, #tpu.memory_space<hbm>> -> memref<250000x128xf32, #tpu.memory_space<hbm>>
    tpu.wait_indirect_dma semaphore(%arg18 : memref<!tpu.dma_semaphore, #tpu.memory_space<semaphore_mem>>) src(%dma_wait3A_987 : memref<250000x128xf32, #tpu.memory_space<hbm>>) dst(%dma_wait3A_981 : memref<128x128xf32, #tpu.memory_space<vmem>>)
    %dma_wait3A_988 = arith.constant 2 : i32
    %dma_wait3A_989 = arith.constant 0 : i32
    %dma_wait3A_990 = arith.constant 0 : i32
    %dma_wait3A_991 = tpu.memref_slice %arg14[%dma_wait3A_989, %dma_wait3A_990] : memref<256x128xf32, #tpu.memory_space<vmem>> -> memref<128x128xf32, #tpu.memory_space<vmem>>
    %dma_wait3A_992 = arith.constant 0 : i32
    %dma_wait3A_993 = tpu.memref_slice %arg12[%dma_wait3A_988, %dma_wait3A_992] : memref<4x128xi32, #tpu.memory_space<vmem>> -> memref<1x128xi32, #tpu.memory_space<vmem>>
    %dma_wait3A_994 = tpu.memref_squeeze %dma_wait3A_993 : memref<1x128xi32, #tpu.memory_space<vmem>> -> memref<128xi32, #tpu.memory_space<vmem>>
    %dma_wait3A_995 = arith.constant 0 : i32
    %dma_wait3A_996 = arith.constant 0 : i32
    %dma_wait3A_997 = tpu.memref_slice %arg5[%dma_wait3A_995, %dma_wait3A_996] : memref<250000x128xf32, #tpu.memory_space<hbm>> -> memref<250000x128xf32, #tpu.memory_space<hbm>>
    tpu.wait_indirect_dma semaphore(%arg18 : memref<!tpu.dma_semaphore, #tpu.memory_space<semaphore_mem>>) src(%dma_wait3A_997 : memref<250000x128xf32, #tpu.memory_space<hbm>>) dst(%dma_wait3A_991 : memref<128x128xf32, #tpu.memory_space<vmem>>)
    %dma_wait3A_998 = arith.constant 3 : i32
    %dma_wait3A_999 = arith.constant 128 : i32
    %dma_wait3A_1000 = arith.constant 0 : i32
    %dma_wait3A_1001 = tpu.memref_slice %arg13[%dma_wait3A_999, %dma_wait3A_1000] : memref<256x128xf32, #tpu.memory_space<vmem>> -> memref<128x128xf32, #tpu.memory_space<vmem>>
    %dma_wait3A_1002 = arith.constant 0 : i32
    %dma_wait3A_1003 = tpu.memref_slice %arg11[%dma_wait3A_998, %dma_wait3A_1002] : memref<4x128xi32, #tpu.memory_space<vmem>> -> memref<1x128xi32, #tpu.memory_space<vmem>>
    %dma_wait3A_1004 = tpu.memref_squeeze %dma_wait3A_1003 : memref<1x128xi32, #tpu.memory_space<vmem>> -> memref<128xi32, #tpu.memory_space<vmem>>
    %dma_wait3A_1005 = arith.constant 0 : i32
    %dma_wait3A_1006 = arith.constant 0 : i32
    %dma_wait3A_1007 = tpu.memref_slice %arg4[%dma_wait3A_1005, %dma_wait3A_1006] : memref<250000x128xf32, #tpu.memory_space<hbm>> -> memref<250000x128xf32, #tpu.memory_space<hbm>>
    tpu.wait_indirect_dma semaphore(%arg18 : memref<!tpu.dma_semaphore, #tpu.memory_space<semaphore_mem>>) src(%dma_wait3A_1007 : memref<250000x128xf32, #tpu.memory_space<hbm>>) dst(%dma_wait3A_1001 : memref<128x128xf32, #tpu.memory_space<vmem>>)
    %dma_wait3A_1008 = arith.constant 3 : i32
    %dma_wait3A_1009 = arith.constant 128 : i32
    %dma_wait3A_1010 = arith.constant 0 : i32
    %dma_wait3A_1011 = tpu.memref_slice %arg14[%dma_wait3A_1009, %dma_wait3A_1010] : memref<256x128xf32, #tpu.memory_space<vmem>> -> memref<128x128xf32, #tpu.memory_space<vmem>>
    %dma_wait3A_1012 = arith.constant 0 : i32
    %dma_wait3A_1013 = tpu.memref_slice %arg12[%dma_wait3A_1008, %dma_wait3A_1012] : memref<4x128xi32, #tpu.memory_space<vmem>> -> memref<1x128xi32, #tpu.memory_space<vmem>>
    %dma_wait3A_1014 = tpu.memref_squeeze %dma_wait3A_1013 : memref<1x128xi32, #tpu.memory_space<vmem>> -> memref<128xi32, #tpu.memory_space<vmem>>
    %dma_wait3A_1015 = arith.constant 0 : i32
    %dma_wait3A_1016 = arith.constant 0 : i32
    %dma_wait3A_1017 = tpu.memref_slice %arg5[%dma_wait3A_1015, %dma_wait3A_1016] : memref<250000x128xf32, #tpu.memory_space<hbm>> -> memref<250000x128xf32, #tpu.memory_space<hbm>>
    tpu.wait_indirect_dma semaphore(%arg18 : memref<!tpu.dma_semaphore, #tpu.memory_space<semaphore_mem>>) src(%dma_wait3A_1017 : memref<250000x128xf32, #tpu.memory_space<hbm>>) dst(%dma_wait3A_1011 : memref<128x128xf32, #tpu.memory_space<vmem>>)
    %scan3A_1018 = arith.constant 0 : i32
    %scan3A_1019 = arith.constant 0 : i32
    %scan3A_1020 = arith.constant 16 : i32
    %scan3A_1021 = arith.addi %scan3A_1019, %scan3A_1020 : i32
    %scan3A_1022 = arith.constant 1 : i32
    scf.for %scan3A_1024 = %scan3A_1019 to %scan3A_1021 step %scan3A_1022  : i32 {
      %shift_right_logical3A_1025 = arith.constant 3 : i32
      %shift_right_logical3A_1026 = arith.shrui %scan3A_1024, %shift_right_logical3A_1025 : i32
      %add3A_1027 = arith.constant 2 : i32
      %add3A_1028 = arith.addi %add3A_1027, %shift_right_logical3A_1026 : i32
      %and3A = arith.constant 7 : i32
      %and3A_1029 = arith.andi %scan3A_1024, %and3A : i32
      %mul3A_1030 = arith.constant 16 : i32
      %mul3A_1031 = arith.muli %and3A_1029, %mul3A_1030 : i32
      %mul3A_1032 = arith.constant 16 : i32
      %mul3A_1033 = arith.muli %scan3A_1024, %mul3A_1032 : i32
      %add3A_1034 = arith.constant 256 : i32
      %add3A_1035 = arith.addi %add3A_1034, %mul3A_1033 : i32
      %get3A_1036 = arith.index_cast %add3A_1028 : i32 to index
      %get3A_1037 = arith.index_cast %mul3A_1031 : i32 to index
      %get3A_1038 = tpu.vector_load %arg9[%get3A_1036, %get3A_1037] {strides = array<i32>} : memref<4x128xi32, #tpu.memory_space<vmem>>, vector<16xi32>,
      %get3A_1039 = arith.index_cast %add3A_1028 : i32 to index
      %get3A_1040 = arith.index_cast %mul3A_1031 : i32 to index
      %get3A_1041 = tpu.vector_load %arg10[%get3A_1039, %get3A_1040] {strides = array<i32>} : memref<4x128xi32, #tpu.memory_space<vmem>>, vector<16xi32>,
      %mul3A_1042 = arith.constant 16 : i32
      %mul3A_1043 = arith.muli %scan3A_1024, %mul3A_1042 : i32
      %add3A_1044 = vector.broadcast %mul3A_1043 : i32 to vector<16xi32>
      %add3A_1045 = arith.addi %add3A_1044, %iota3A : vector<16xi32>
      %and3A_1046 = arith.constant 3 : i32
      %and3A_1047 = vector.broadcast %and3A_1046 : i32 to vector<16xi32>
      %and3A_1048 = arith.andi %get3A_1038, %and3A_1047 : vector<16xi32>
      %mul3A_1049 = arith.constant 32 : i32
      %mul3A_1050 = vector.broadcast %mul3A_1049 : i32 to vector<16xi32>
      %mul3A_1051 = arith.muli %and3A_1048, %mul3A_1050 : vector<16xi32>
      %and3A_1052 = arith.constant 3 : i32
      %and3A_1053 = vector.broadcast %and3A_1052 : i32 to vector<16xi32>
      %and3A_1054 = arith.andi %get3A_1041, %and3A_1053 : vector<16xi32>
      %mul3A_1055 = arith.constant 32 : i32
      %mul3A_1056 = vector.broadcast %mul3A_1055 : i32 to vector<16xi32>
      %mul3A_1057 = arith.muli %and3A_1054, %mul3A_1056 : vector<16xi32>
      %get3A_1058 = arith.index_cast %add3A_1035 : i32 to index
      %get3A_1059 = tpu.vector_load %arg15[%get3A_1058] {strides = array<i32>} : memref<512xf32, #tpu.memory_space<vmem>>, vector<16xf32>,
      %get3A_1060 = arith.index_cast %add3A_1035 : i32 to index
      %get3A_1061 = tpu.vector_load %arg16[%get3A_1060] {strides = array<i32>} : memref<512xf32, #tpu.memory_space<vmem>>, vector<16xf32>,
      %add3A_1062 = arith.addf %get3A_1059, %get3A_1061 : vector<16xf32>
      %add3A_1063 = arith.constant 0 : i32
      %add3A_1064 = vector.broadcast %add3A_1063 : i32 to vector<16xi32>
      %add3A_1065 = arith.addi %mul3A_1051, %add3A_1064 : vector<16xi32>
      %gather3A = tpu.vector_load_idx %arg13[%add3A_1045, %add3A_1065] : memref<256x128xf32, #tpu.memory_space<vmem>>[vector<16xi32>, vector<16xi32>], vector<16xf32>,
      %add3A_1066 = arith.constant 0 : i32
      %add3A_1067 = vector.broadcast %add3A_1066 : i32 to vector<16xi32>
      %add3A_1068 = arith.addi %mul3A_1057, %add3A_1067 : vector<16xi32>
      %gather3A_1069 = tpu.vector_load_idx %arg14[%add3A_1045, %add3A_1068] : memref<256x128xf32, #tpu.memory_space<vmem>>[vector<16xi32>, vector<16xi32>], vector<16xf32>,
      %mul3A_1070 = arith.mulf %gather3A, %gather3A_1069 : vector<16xf32>
      %add3A_1071 = arith.addf %add3A_1062, %mul3A_1070 : vector<16xf32>
      %add3A_1072 = arith.constant 1 : i32
      %add3A_1073 = vector.broadcast %add3A_1072 : i32 to vector<16xi32>
      %add3A_1074 = arith.addi %mul3A_1051, %add3A_1073 : vector<16xi32>
      %gather3A_1075 = tpu.vector_load_idx %arg13[%add3A_1045, %add3A_1074] : memref<256x128xf32, #tpu.memory_space<vmem>>[vector<16xi32>, vector<16xi32>], vector<16xf32>,
      %add3A_1076 = arith.constant 1 : i32
      %add3A_1077 = vector.broadcast %add3A_1076 : i32 to vector<16xi32>
      %add3A_1078 = arith.addi %mul3A_1057, %add3A_1077 : vector<16xi32>
      %gather3A_1079 = tpu.vector_load_idx %arg14[%add3A_1045, %add3A_1078] : memref<256x128xf32, #tpu.memory_space<vmem>>[vector<16xi32>, vector<16xi32>], vector<16xf32>,
      %mul3A_1080 = arith.mulf %gather3A_1075, %gather3A_1079 : vector<16xf32>
      %add3A_1081 = arith.addf %add3A_1071, %mul3A_1080 : vector<16xf32>
      %add3A_1082 = arith.constant 2 : i32
      %add3A_1083 = vector.broadcast %add3A_1082 : i32 to vector<16xi32>
      %add3A_1084 = arith.addi %mul3A_1051, %add3A_1083 : vector<16xi32>
      %gather3A_1085 = tpu.vector_load_idx %arg13[%add3A_1045, %add3A_1084] : memref<256x128xf32, #tpu.memory_space<vmem>>[vector<16xi32>, vector<16xi32>], vector<16xf32>,
      %add3A_1086 = arith.constant 2 : i32
      %add3A_1087 = vector.broadcast %add3A_1086 : i32 to vector<16xi32>
      %add3A_1088 = arith.addi %mul3A_1057, %add3A_1087 : vector<16xi32>
      %gather3A_1089 = tpu.vector_load_idx %arg14[%add3A_1045, %add3A_1088] : memref<256x128xf32, #tpu.memory_space<vmem>>[vector<16xi32>, vector<16xi32>], vector<16xf32>,
      %mul3A_1090 = arith.mulf %gather3A_1085, %gather3A_1089 : vector<16xf32>
      %add3A_1091 = arith.addf %add3A_1081, %mul3A_1090 : vector<16xf32>
      %add3A_1092 = arith.constant 3 : i32
      %add3A_1093 = vector.broadcast %add3A_1092 : i32 to vector<16xi32>
      %add3A_1094 = arith.addi %mul3A_1051, %add3A_1093 : vector<16xi32>
      %gather3A_1095 = tpu.vector_load_idx %arg13[%add3A_1045, %add3A_1094] : memref<256x128xf32, #tpu.memory_space<vmem>>[vector<16xi32>, vector<16xi32>], vector<16xf32>,
      %add3A_1096 = arith.constant 3 : i32
      %add3A_1097 = vector.broadcast %add3A_1096 : i32 to vector<16xi32>
      %add3A_1098 = arith.addi %mul3A_1057, %add3A_1097 : vector<16xi32>
      %gather3A_1099 = tpu.vector_load_idx %arg14[%add3A_1045, %add3A_1098] : memref<256x128xf32, #tpu.memory_space<vmem>>[vector<16xi32>, vector<16xi32>], vector<16xf32>,
      %mul3A_1100 = arith.mulf %gather3A_1095, %gather3A_1099 : vector<16xf32>
      %add3A_1101 = arith.addf %add3A_1091, %mul3A_1100 : vector<16xf32>
      %add3A_1102 = arith.constant 4 : i32
      %add3A_1103 = vector.broadcast %add3A_1102 : i32 to vector<16xi32>
      %add3A_1104 = arith.addi %mul3A_1051, %add3A_1103 : vector<16xi32>
      %gather3A_1105 = tpu.vector_load_idx %arg13[%add3A_1045, %add3A_1104] : memref<256x128xf32, #tpu.memory_space<vmem>>[vector<16xi32>, vector<16xi32>], vector<16xf32>,
      %add3A_1106 = arith.constant 4 : i32
      %add3A_1107 = vector.broadcast %add3A_1106 : i32 to vector<16xi32>
      %add3A_1108 = arith.addi %mul3A_1057, %add3A_1107 : vector<16xi32>
      %gather3A_1109 = tpu.vector_load_idx %arg14[%add3A_1045, %add3A_1108] : memref<256x128xf32, #tpu.memory_space<vmem>>[vector<16xi32>, vector<16xi32>], vector<16xf32>,
      %mul3A_1110 = arith.mulf %gather3A_1105, %gather3A_1109 : vector<16xf32>
      %add3A_1111 = arith.addf %add3A_1101, %mul3A_1110 : vector<16xf32>
      %add3A_1112 = arith.constant 5 : i32
      %add3A_1113 = vector.broadcast %add3A_1112 : i32 to vector<16xi32>
      %add3A_1114 = arith.addi %mul3A_1051, %add3A_1113 : vector<16xi32>
      %gather3A_1115 = tpu.vector_load_idx %arg13[%add3A_1045, %add3A_1114] : memref<256x128xf32, #tpu.memory_space<vmem>>[vector<16xi32>, vector<16xi32>], vector<16xf32>,
      %add3A_1116 = arith.constant 5 : i32
      %add3A_1117 = vector.broadcast %add3A_1116 : i32 to vector<16xi32>
      %add3A_1118 = arith.addi %mul3A_1057, %add3A_1117 : vector<16xi32>
      %gather3A_1119 = tpu.vector_load_idx %arg14[%add3A_1045, %add3A_1118] : memref<256x128xf32, #tpu.memory_space<vmem>>[vector<16xi32>, vector<16xi32>], vector<16xf32>,
      %mul3A_1120 = arith.mulf %gather3A_1115, %gather3A_1119 : vector<16xf32>
      %add3A_1121 = arith.addf %add3A_1111, %mul3A_1120 : vector<16xf32>
      %add3A_1122 = arith.constant 6 : i32
      %add3A_1123 = vector.broadcast %add3A_1122 : i32 to vector<16xi32>
      %add3A_1124 = arith.addi %mul3A_1051, %add3A_1123 : vector<16xi32>
      %gather3A_1125 = tpu.vector_load_idx %arg13[%add3A_1045, %add3A_1124] : memref<256x128xf32, #tpu.memory_space<vmem>>[vector<16xi32>, vector<16xi32>], vector<16xf32>,
      %add3A_1126 = arith.constant 6 : i32
      %add3A_1127 = vector.broadcast %add3A_1126 : i32 to vector<16xi32>
      %add3A_1128 = arith.addi %mul3A_1057, %add3A_1127 : vector<16xi32>
      %gather3A_1129 = tpu.vector_load_idx %arg14[%add3A_1045, %add3A_1128] : memref<256x128xf32, #tpu.memory_space<vmem>>[vector<16xi32>, vector<16xi32>], vector<16xf32>,
      %mul3A_1130 = arith.mulf %gather3A_1125, %gather3A_1129 : vector<16xf32>
      %add3A_1131 = arith.addf %add3A_1121, %mul3A_1130 : vector<16xf32>
      %add3A_1132 = arith.constant 7 : i32
      %add3A_1133 = vector.broadcast %add3A_1132 : i32 to vector<16xi32>
      %add3A_1134 = arith.addi %mul3A_1051, %add3A_1133 : vector<16xi32>
      %gather3A_1135 = tpu.vector_load_idx %arg13[%add3A_1045, %add3A_1134] : memref<256x128xf32, #tpu.memory_space<vmem>>[vector<16xi32>, vector<16xi32>], vector<16xf32>,
      %add3A_1136 = arith.constant 7 : i32
      %add3A_1137 = vector.broadcast %add3A_1136 : i32 to vector<16xi32>
      %add3A_1138 = arith.addi %mul3A_1057, %add3A_1137 : vector<16xi32>
      %gather3A_1139 = tpu.vector_load_idx %arg14[%add3A_1045, %add3A_1138] : memref<256x128xf32, #tpu.memory_space<vmem>>[vector<16xi32>, vector<16xi32>], vector<16xf32>,
      %mul3A_1140 = arith.mulf %gather3A_1135, %gather3A_1139 : vector<16xf32>
      %add3A_1141 = arith.addf %add3A_1131, %mul3A_1140 : vector<16xf32>
      %add3A_1142 = arith.constant 8 : i32
      %add3A_1143 = vector.broadcast %add3A_1142 : i32 to vector<16xi32>
      %add3A_1144 = arith.addi %mul3A_1051, %add3A_1143 : vector<16xi32>
      %gather3A_1145 = tpu.vector_load_idx %arg13[%add3A_1045, %add3A_1144] : memref<256x128xf32, #tpu.memory_space<vmem>>[vector<16xi32>, vector<16xi32>], vector<16xf32>,
      %add3A_1146 = arith.constant 8 : i32
      %add3A_1147 = vector.broadcast %add3A_1146 : i32 to vector<16xi32>
      %add3A_1148 = arith.addi %mul3A_1057, %add3A_1147 : vector<16xi32>
      %gather3A_1149 = tpu.vector_load_idx %arg14[%add3A_1045, %add3A_1148] : memref<256x128xf32, #tpu.memory_space<vmem>>[vector<16xi32>, vector<16xi32>], vector<16xf32>,
      %mul3A_1150 = arith.mulf %gather3A_1145, %gather3A_1149 : vector<16xf32>
      %add3A_1151 = arith.addf %add3A_1141, %mul3A_1150 : vector<16xf32>
      %add3A_1152 = arith.constant 9 : i32
      %add3A_1153 = vector.broadcast %add3A_1152 : i32 to vector<16xi32>
      %add3A_1154 = arith.addi %mul3A_1051, %add3A_1153 : vector<16xi32>
      %gather3A_1155 = tpu.vector_load_idx %arg13[%add3A_1045, %add3A_1154] : memref<256x128xf32, #tpu.memory_space<vmem>>[vector<16xi32>, vector<16xi32>], vector<16xf32>,
      %add3A_1156 = arith.constant 9 : i32
      %add3A_1157 = vector.broadcast %add3A_1156 : i32 to vector<16xi32>
      %add3A_1158 = arith.addi %mul3A_1057, %add3A_1157 : vector<16xi32>
      %gather3A_1159 = tpu.vector_load_idx %arg14[%add3A_1045, %add3A_1158] : memref<256x128xf32, #tpu.memory_space<vmem>>[vector<16xi32>, vector<16xi32>], vector<16xf32>,
      %mul3A_1160 = arith.mulf %gather3A_1155, %gather3A_1159 : vector<16xf32>
      %add3A_1161 = arith.addf %add3A_1151, %mul3A_1160 : vector<16xf32>
      %add3A_1162 = arith.constant 10 : i32
      %add3A_1163 = vector.broadcast %add3A_1162 : i32 to vector<16xi32>
      %add3A_1164 = arith.addi %mul3A_1051, %add3A_1163 : vector<16xi32>
      %gather3A_1165 = tpu.vector_load_idx %arg13[%add3A_1045, %add3A_1164] : memref<256x128xf32, #tpu.memory_space<vmem>>[vector<16xi32>, vector<16xi32>], vector<16xf32>,
      %add3A_1166 = arith.constant 10 : i32
      %add3A_1167 = vector.broadcast %add3A_1166 : i32 to vector<16xi32>
      %add3A_1168 = arith.addi %mul3A_1057, %add3A_1167 : vector<16xi32>
      %gather3A_1169 = tpu.vector_load_idx %arg14[%add3A_1045, %add3A_1168] : memref<256x128xf32, #tpu.memory_space<vmem>>[vector<16xi32>, vector<16xi32>], vector<16xf32>,
      %mul3A_1170 = arith.mulf %gather3A_1165, %gather3A_1169 : vector<16xf32>
      %add3A_1171 = arith.addf %add3A_1161, %mul3A_1170 : vector<16xf32>
      %add3A_1172 = arith.constant 11 : i32
      %add3A_1173 = vector.broadcast %add3A_1172 : i32 to vector<16xi32>
      %add3A_1174 = arith.addi %mul3A_1051, %add3A_1173 : vector<16xi32>
      %gather3A_1175 = tpu.vector_load_idx %arg13[%add3A_1045, %add3A_1174] : memref<256x128xf32, #tpu.memory_space<vmem>>[vector<16xi32>, vector<16xi32>], vector<16xf32>,
      %add3A_1176 = arith.constant 11 : i32
      %add3A_1177 = vector.broadcast %add3A_1176 : i32 to vector<16xi32>
      %add3A_1178 = arith.addi %mul3A_1057, %add3A_1177 : vector<16xi32>
      %gather3A_1179 = tpu.vector_load_idx %arg14[%add3A_1045, %add3A_1178] : memref<256x128xf32, #tpu.memory_space<vmem>>[vector<16xi32>, vector<16xi32>], vector<16xf32>,
      %mul3A_1180 = arith.mulf %gather3A_1175, %gather3A_1179 : vector<16xf32>
      %add3A_1181 = arith.addf %add3A_1171, %mul3A_1180 : vector<16xf32>
      %add3A_1182 = arith.constant 12 : i32
      %add3A_1183 = vector.broadcast %add3A_1182 : i32 to vector<16xi32>
      %add3A_1184 = arith.addi %mul3A_1051, %add3A_1183 : vector<16xi32>
      %gather3A_1185 = tpu.vector_load_idx %arg13[%add3A_1045, %add3A_1184] : memref<256x128xf32, #tpu.memory_space<vmem>>[vector<16xi32>, vector<16xi32>], vector<16xf32>,
      %add3A_1186 = arith.constant 12 : i32
      %add3A_1187 = vector.broadcast %add3A_1186 : i32 to vector<16xi32>
      %add3A_1188 = arith.addi %mul3A_1057, %add3A_1187 : vector<16xi32>
      %gather3A_1189 = tpu.vector_load_idx %arg14[%add3A_1045, %add3A_1188] : memref<256x128xf32, #tpu.memory_space<vmem>>[vector<16xi32>, vector<16xi32>], vector<16xf32>,
      %mul3A_1190 = arith.mulf %gather3A_1185, %gather3A_1189 : vector<16xf32>
      %add3A_1191 = arith.addf %add3A_1181, %mul3A_1190 : vector<16xf32>
      %add3A_1192 = arith.constant 13 : i32
      %add3A_1193 = vector.broadcast %add3A_1192 : i32 to vector<16xi32>
      %add3A_1194 = arith.addi %mul3A_1051, %add3A_1193 : vector<16xi32>
      %gather3A_1195 = tpu.vector_load_idx %arg13[%add3A_1045, %add3A_1194] : memref<256x128xf32, #tpu.memory_space<vmem>>[vector<16xi32>, vector<16xi32>], vector<16xf32>,
      %add3A_1196 = arith.constant 13 : i32
      %add3A_1197 = vector.broadcast %add3A_1196 : i32 to vector<16xi32>
      %add3A_1198 = arith.addi %mul3A_1057, %add3A_1197 : vector<16xi32>
      %gather3A_1199 = tpu.vector_load_idx %arg14[%add3A_1045, %add3A_1198] : memref<256x128xf32, #tpu.memory_space<vmem>>[vector<16xi32>, vector<16xi32>], vector<16xf32>,
      %mul3A_1200 = arith.mulf %gather3A_1195, %gather3A_1199 : vector<16xf32>
      %add3A_1201 = arith.addf %add3A_1191, %mul3A_1200 : vector<16xf32>
      %add3A_1202 = arith.constant 14 : i32
      %add3A_1203 = vector.broadcast %add3A_1202 : i32 to vector<16xi32>
      %add3A_1204 = arith.addi %mul3A_1051, %add3A_1203 : vector<16xi32>
      %gather3A_1205 = tpu.vector_load_idx %arg13[%add3A_1045, %add3A_1204] : memref<256x128xf32, #tpu.memory_space<vmem>>[vector<16xi32>, vector<16xi32>], vector<16xf32>,
      %add3A_1206 = arith.constant 14 : i32
      %add3A_1207 = vector.broadcast %add3A_1206 : i32 to vector<16xi32>
      %add3A_1208 = arith.addi %mul3A_1057, %add3A_1207 : vector<16xi32>
      %gather3A_1209 = tpu.vector_load_idx %arg14[%add3A_1045, %add3A_1208] : memref<256x128xf32, #tpu.memory_space<vmem>>[vector<16xi32>, vector<16xi32>], vector<16xf32>,
      %mul3A_1210 = arith.mulf %gather3A_1205, %gather3A_1209 : vector<16xf32>
      %add3A_1211 = arith.addf %add3A_1201, %mul3A_1210 : vector<16xf32>
      %add3A_1212 = arith.constant 15 : i32
      %add3A_1213 = vector.broadcast %add3A_1212 : i32 to vector<16xi32>
      %add3A_1214 = arith.addi %mul3A_1051, %add3A_1213 : vector<16xi32>
      %gather3A_1215 = tpu.vector_load_idx %arg13[%add3A_1045, %add3A_1214] : memref<256x128xf32, #tpu.memory_space<vmem>>[vector<16xi32>, vector<16xi32>], vector<16xf32>,
      %add3A_1216 = arith.constant 15 : i32
      %add3A_1217 = vector.broadcast %add3A_1216 : i32 to vector<16xi32>
      %add3A_1218 = arith.addi %mul3A_1057, %add3A_1217 : vector<16xi32>
      %gather3A_1219 = tpu.vector_load_idx %arg14[%add3A_1045, %add3A_1218] : memref<256x128xf32, #tpu.memory_space<vmem>>[vector<16xi32>, vector<16xi32>], vector<16xf32>,
      %mul3A_1220 = arith.mulf %gather3A_1215, %gather3A_1219 : vector<16xf32>
      %add3A_1221 = arith.addf %add3A_1211, %mul3A_1220 : vector<16xf32>
      %add3A_1222 = arith.constant 16 : i32
      %add3A_1223 = vector.broadcast %add3A_1222 : i32 to vector<16xi32>
      %add3A_1224 = arith.addi %mul3A_1051, %add3A_1223 : vector<16xi32>
      %gather3A_1225 = tpu.vector_load_idx %arg13[%add3A_1045, %add3A_1224] : memref<256x128xf32, #tpu.memory_space<vmem>>[vector<16xi32>, vector<16xi32>], vector<16xf32>,
      %add3A_1226 = arith.constant 16 : i32
      %add3A_1227 = vector.broadcast %add3A_1226 : i32 to vector<16xi32>
      %add3A_1228 = arith.addi %mul3A_1057, %add3A_1227 : vector<16xi32>
      %gather3A_1229 = tpu.vector_load_idx %arg14[%add3A_1045, %add3A_1228] : memref<256x128xf32, #tpu.memory_space<vmem>>[vector<16xi32>, vector<16xi32>], vector<16xf32>,
      %mul3A_1230 = arith.mulf %gather3A_1225, %gather3A_1229 : vector<16xf32>
      %add3A_1231 = arith.addf %add3A_1221, %mul3A_1230 : vector<16xf32>
      %add3A_1232 = arith.constant 17 : i32
      %add3A_1233 = vector.broadcast %add3A_1232 : i32 to vector<16xi32>
      %add3A_1234 = arith.addi %mul3A_1051, %add3A_1233 : vector<16xi32>
      %gather3A_1235 = tpu.vector_load_idx %arg13[%add3A_1045, %add3A_1234] : memref<256x128xf32, #tpu.memory_space<vmem>>[vector<16xi32>, vector<16xi32>], vector<16xf32>,
      %add3A_1236 = arith.constant 17 : i32
      %add3A_1237 = vector.broadcast %add3A_1236 : i32 to vector<16xi32>
      %add3A_1238 = arith.addi %mul3A_1057, %add3A_1237 : vector<16xi32>
      %gather3A_1239 = tpu.vector_load_idx %arg14[%add3A_1045, %add3A_1238] : memref<256x128xf32, #tpu.memory_space<vmem>>[vector<16xi32>, vector<16xi32>], vector<16xf32>,
      %mul3A_1240 = arith.mulf %gather3A_1235, %gather3A_1239 : vector<16xf32>
      %add3A_1241 = arith.addf %add3A_1231, %mul3A_1240 : vector<16xf32>
      %add3A_1242 = arith.constant 18 : i32
      %add3A_1243 = vector.broadcast %add3A_1242 : i32 to vector<16xi32>
      %add3A_1244 = arith.addi %mul3A_1051, %add3A_1243 : vector<16xi32>
      %gather3A_1245 = tpu.vector_load_idx %arg13[%add3A_1045, %add3A_1244] : memref<256x128xf32, #tpu.memory_space<vmem>>[vector<16xi32>, vector<16xi32>], vector<16xf32>,
      %add3A_1246 = arith.constant 18 : i32
      %add3A_1247 = vector.broadcast %add3A_1246 : i32 to vector<16xi32>
      %add3A_1248 = arith.addi %mul3A_1057, %add3A_1247 : vector<16xi32>
      %gather3A_1249 = tpu.vector_load_idx %arg14[%add3A_1045, %add3A_1248] : memref<256x128xf32, #tpu.memory_space<vmem>>[vector<16xi32>, vector<16xi32>], vector<16xf32>,
      %mul3A_1250 = arith.mulf %gather3A_1245, %gather3A_1249 : vector<16xf32>
      %add3A_1251 = arith.addf %add3A_1241, %mul3A_1250 : vector<16xf32>
      %add3A_1252 = arith.constant 19 : i32
      %add3A_1253 = vector.broadcast %add3A_1252 : i32 to vector<16xi32>
      %add3A_1254 = arith.addi %mul3A_1051, %add3A_1253 : vector<16xi32>
      %gather3A_1255 = tpu.vector_load_idx %arg13[%add3A_1045, %add3A_1254] : memref<256x128xf32, #tpu.memory_space<vmem>>[vector<16xi32>, vector<16xi32>], vector<16xf32>,
      %add3A_1256 = arith.constant 19 : i32
      %add3A_1257 = vector.broadcast %add3A_1256 : i32 to vector<16xi32>
      %add3A_1258 = arith.addi %mul3A_1057, %add3A_1257 : vector<16xi32>
      %gather3A_1259 = tpu.vector_load_idx %arg14[%add3A_1045, %add3A_1258] : memref<256x128xf32, #tpu.memory_space<vmem>>[vector<16xi32>, vector<16xi32>], vector<16xf32>,
      %mul3A_1260 = arith.mulf %gather3A_1255, %gather3A_1259 : vector<16xf32>
      %add3A_1261 = arith.addf %add3A_1251, %mul3A_1260 : vector<16xf32>
      %add3A_1262 = arith.constant 20 : i32
      %add3A_1263 = vector.broadcast %add3A_1262 : i32 to vector<16xi32>
      %add3A_1264 = arith.addi %mul3A_1051, %add3A_1263 : vector<16xi32>
      %gather3A_1265 = tpu.vector_load_idx %arg13[%add3A_1045, %add3A_1264] : memref<256x128xf32, #tpu.memory_space<vmem>>[vector<16xi32>, vector<16xi32>], vector<16xf32>,
      %add3A_1266 = arith.constant 20 : i32
      %add3A_1267 = vector.broadcast %add3A_1266 : i32 to vector<16xi32>
      %add3A_1268 = arith.addi %mul3A_1057, %add3A_1267 : vector<16xi32>
      %gather3A_1269 = tpu.vector_load_idx %arg14[%add3A_1045, %add3A_1268] : memref<256x128xf32, #tpu.memory_space<vmem>>[vector<16xi32>, vector<16xi32>], vector<16xf32>,
      %mul3A_1270 = arith.mulf %gather3A_1265, %gather3A_1269 : vector<16xf32>
      %add3A_1271 = arith.addf %add3A_1261, %mul3A_1270 : vector<16xf32>
      %add3A_1272 = arith.constant 21 : i32
      %add3A_1273 = vector.broadcast %add3A_1272 : i32 to vector<16xi32>
      %add3A_1274 = arith.addi %mul3A_1051, %add3A_1273 : vector<16xi32>
      %gather3A_1275 = tpu.vector_load_idx %arg13[%add3A_1045, %add3A_1274] : memref<256x128xf32, #tpu.memory_space<vmem>>[vector<16xi32>, vector<16xi32>], vector<16xf32>,
      %add3A_1276 = arith.constant 21 : i32
      %add3A_1277 = vector.broadcast %add3A_1276 : i32 to vector<16xi32>
      %add3A_1278 = arith.addi %mul3A_1057, %add3A_1277 : vector<16xi32>
      %gather3A_1279 = tpu.vector_load_idx %arg14[%add3A_1045, %add3A_1278] : memref<256x128xf32, #tpu.memory_space<vmem>>[vector<16xi32>, vector<16xi32>], vector<16xf32>,
      %mul3A_1280 = arith.mulf %gather3A_1275, %gather3A_1279 : vector<16xf32>
      %add3A_1281 = arith.addf %add3A_1271, %mul3A_1280 : vector<16xf32>
      %add3A_1282 = arith.constant 22 : i32
      %add3A_1283 = vector.broadcast %add3A_1282 : i32 to vector<16xi32>
      %add3A_1284 = arith.addi %mul3A_1051, %add3A_1283 : vector<16xi32>
      %gather3A_1285 = tpu.vector_load_idx %arg13[%add3A_1045, %add3A_1284] : memref<256x128xf32, #tpu.memory_space<vmem>>[vector<16xi32>, vector<16xi32>], vector<16xf32>,
      %add3A_1286 = arith.constant 22 : i32
      %add3A_1287 = vector.broadcast %add3A_1286 : i32 to vector<16xi32>
      %add3A_1288 = arith.addi %mul3A_1057, %add3A_1287 : vector<16xi32>
      %gather3A_1289 = tpu.vector_load_idx %arg14[%add3A_1045, %add3A_1288] : memref<256x128xf32, #tpu.memory_space<vmem>>[vector<16xi32>, vector<16xi32>], vector<16xf32>,
      %mul3A_1290 = arith.mulf %gather3A_1285, %gather3A_1289 : vector<16xf32>
      %add3A_1291 = arith.addf %add3A_1281, %mul3A_1290 : vector<16xf32>
      %add3A_1292 = arith.constant 23 : i32
      %add3A_1293 = vector.broadcast %add3A_1292 : i32 to vector<16xi32>
      %add3A_1294 = arith.addi %mul3A_1051, %add3A_1293 : vector<16xi32>
      %gather3A_1295 = tpu.vector_load_idx %arg13[%add3A_1045, %add3A_1294] : memref<256x128xf32, #tpu.memory_space<vmem>>[vector<16xi32>, vector<16xi32>], vector<16xf32>,
      %add3A_1296 = arith.constant 23 : i32
      %add3A_1297 = vector.broadcast %add3A_1296 : i32 to vector<16xi32>
      %add3A_1298 = arith.addi %mul3A_1057, %add3A_1297 : vector<16xi32>
      %gather3A_1299 = tpu.vector_load_idx %arg14[%add3A_1045, %add3A_1298] : memref<256x128xf32, #tpu.memory_space<vmem>>[vector<16xi32>, vector<16xi32>], vector<16xf32>,
      %mul3A_1300 = arith.mulf %gather3A_1295, %gather3A_1299 : vector<16xf32>
      %add3A_1301 = arith.addf %add3A_1291, %mul3A_1300 : vector<16xf32>
      %add3A_1302 = arith.constant 24 : i32
      %add3A_1303 = vector.broadcast %add3A_1302 : i32 to vector<16xi32>
      %add3A_1304 = arith.addi %mul3A_1051, %add3A_1303 : vector<16xi32>
      %gather3A_1305 = tpu.vector_load_idx %arg13[%add3A_1045, %add3A_1304] : memref<256x128xf32, #tpu.memory_space<vmem>>[vector<16xi32>, vector<16xi32>], vector<16xf32>,
      %add3A_1306 = arith.constant 24 : i32
      %add3A_1307 = vector.broadcast %add3A_1306 : i32 to vector<16xi32>
      %add3A_1308 = arith.addi %mul3A_1057, %add3A_1307 : vector<16xi32>
      %gather3A_1309 = tpu.vector_load_idx %arg14[%add3A_1045, %add3A_1308] : memref<256x128xf32, #tpu.memory_space<vmem>>[vector<16xi32>, vector<16xi32>], vector<16xf32>,
      %mul3A_1310 = arith.mulf %gather3A_1305, %gather3A_1309 : vector<16xf32>
      %add3A_1311 = arith.addf %add3A_1301, %mul3A_1310 : vector<16xf32>
      %add3A_1312 = arith.constant 25 : i32
      %add3A_1313 = vector.broadcast %add3A_1312 : i32 to vector<16xi32>
      %add3A_1314 = arith.addi %mul3A_1051, %add3A_1313 : vector<16xi32>
      %gather3A_1315 = tpu.vector_load_idx %arg13[%add3A_1045, %add3A_1314] : memref<256x128xf32, #tpu.memory_space<vmem>>[vector<16xi32>, vector<16xi32>], vector<16xf32>,
      %add3A_1316 = arith.constant 25 : i32
      %add3A_1317 = vector.broadcast %add3A_1316 : i32 to vector<16xi32>
      %add3A_1318 = arith.addi %mul3A_1057, %add3A_1317 : vector<16xi32>
      %gather3A_1319 = tpu.vector_load_idx %arg14[%add3A_1045, %add3A_1318] : memref<256x128xf32, #tpu.memory_space<vmem>>[vector<16xi32>, vector<16xi32>], vector<16xf32>,
      %mul3A_1320 = arith.mulf %gather3A_1315, %gather3A_1319 : vector<16xf32>
      %add3A_1321 = arith.addf %add3A_1311, %mul3A_1320 : vector<16xf32>
      %add3A_1322 = arith.constant 26 : i32
      %add3A_1323 = vector.broadcast %add3A_1322 : i32 to vector<16xi32>
      %add3A_1324 = arith.addi %mul3A_1051, %add3A_1323 : vector<16xi32>
      %gather3A_1325 = tpu.vector_load_idx %arg13[%add3A_1045, %add3A_1324] : memref<256x128xf32, #tpu.memory_space<vmem>>[vector<16xi32>, vector<16xi32>], vector<16xf32>,
      %add3A_1326 = arith.constant 26 : i32
      %add3A_1327 = vector.broadcast %add3A_1326 : i32 to vector<16xi32>
      %add3A_1328 = arith.addi %mul3A_1057, %add3A_1327 : vector<16xi32>
      %gather3A_1329 = tpu.vector_load_idx %arg14[%add3A_1045, %add3A_1328] : memref<256x128xf32, #tpu.memory_space<vmem>>[vector<16xi32>, vector<16xi32>], vector<16xf32>,
      %mul3A_1330 = arith.mulf %gather3A_1325, %gather3A_1329 : vector<16xf32>
      %add3A_1331 = arith.addf %add3A_1321, %mul3A_1330 : vector<16xf32>
      %add3A_1332 = arith.constant 27 : i32
      %add3A_1333 = vector.broadcast %add3A_1332 : i32 to vector<16xi32>
      %add3A_1334 = arith.addi %mul3A_1051, %add3A_1333 : vector<16xi32>
      %gather3A_1335 = tpu.vector_load_idx %arg13[%add3A_1045, %add3A_1334] : memref<256x128xf32, #tpu.memory_space<vmem>>[vector<16xi32>, vector<16xi32>], vector<16xf32>,
      %add3A_1336 = arith.constant 27 : i32
      %add3A_1337 = vector.broadcast %add3A_1336 : i32 to vector<16xi32>
      %add3A_1338 = arith.addi %mul3A_1057, %add3A_1337 : vector<16xi32>
      %gather3A_1339 = tpu.vector_load_idx %arg14[%add3A_1045, %add3A_1338] : memref<256x128xf32, #tpu.memory_space<vmem>>[vector<16xi32>, vector<16xi32>], vector<16xf32>,
      %mul3A_1340 = arith.mulf %gather3A_1335, %gather3A_1339 : vector<16xf32>
      %add3A_1341 = arith.addf %add3A_1331, %mul3A_1340 : vector<16xf32>
      %add3A_1342 = arith.constant 28 : i32
      %add3A_1343 = vector.broadcast %add3A_1342 : i32 to vector<16xi32>
      %add3A_1344 = arith.addi %mul3A_1051, %add3A_1343 : vector<16xi32>
      %gather3A_1345 = tpu.vector_load_idx %arg13[%add3A_1045, %add3A_1344] : memref<256x128xf32, #tpu.memory_space<vmem>>[vector<16xi32>, vector<16xi32>], vector<16xf32>,
      %add3A_1346 = arith.constant 28 : i32
      %add3A_1347 = vector.broadcast %add3A_1346 : i32 to vector<16xi32>
      %add3A_1348 = arith.addi %mul3A_1057, %add3A_1347 : vector<16xi32>
      %gather3A_1349 = tpu.vector_load_idx %arg14[%add3A_1045, %add3A_1348] : memref<256x128xf32, #tpu.memory_space<vmem>>[vector<16xi32>, vector<16xi32>], vector<16xf32>,
      %mul3A_1350 = arith.mulf %gather3A_1345, %gather3A_1349 : vector<16xf32>
      %add3A_1351 = arith.addf %add3A_1341, %mul3A_1350 : vector<16xf32>
      %add3A_1352 = arith.constant 29 : i32
      %add3A_1353 = vector.broadcast %add3A_1352 : i32 to vector<16xi32>
      %add3A_1354 = arith.addi %mul3A_1051, %add3A_1353 : vector<16xi32>
      %gather3A_1355 = tpu.vector_load_idx %arg13[%add3A_1045, %add3A_1354] : memref<256x128xf32, #tpu.memory_space<vmem>>[vector<16xi32>, vector<16xi32>], vector<16xf32>,
      %add3A_1356 = arith.constant 29 : i32
      %add3A_1357 = vector.broadcast %add3A_1356 : i32 to vector<16xi32>
      %add3A_1358 = arith.addi %mul3A_1057, %add3A_1357 : vector<16xi32>
      %gather3A_1359 = tpu.vector_load_idx %arg14[%add3A_1045, %add3A_1358] : memref<256x128xf32, #tpu.memory_space<vmem>>[vector<16xi32>, vector<16xi32>], vector<16xf32>,
      %mul3A_1360 = arith.mulf %gather3A_1355, %gather3A_1359 : vector<16xf32>
      %add3A_1361 = arith.addf %add3A_1351, %mul3A_1360 : vector<16xf32>
      %add3A_1362 = arith.constant 30 : i32
      %add3A_1363 = vector.broadcast %add3A_1362 : i32 to vector<16xi32>
      %add3A_1364 = arith.addi %mul3A_1051, %add3A_1363 : vector<16xi32>
      %gather3A_1365 = tpu.vector_load_idx %arg13[%add3A_1045, %add3A_1364] : memref<256x128xf32, #tpu.memory_space<vmem>>[vector<16xi32>, vector<16xi32>], vector<16xf32>,
      %add3A_1366 = arith.constant 30 : i32
      %add3A_1367 = vector.broadcast %add3A_1366 : i32 to vector<16xi32>
      %add3A_1368 = arith.addi %mul3A_1057, %add3A_1367 : vector<16xi32>
      %gather3A_1369 = tpu.vector_load_idx %arg14[%add3A_1045, %add3A_1368] : memref<256x128xf32, #tpu.memory_space<vmem>>[vector<16xi32>, vector<16xi32>], vector<16xf32>,
      %mul3A_1370 = arith.mulf %gather3A_1365, %gather3A_1369 : vector<16xf32>
      %add3A_1371 = arith.addf %add3A_1361, %mul3A_1370 : vector<16xf32>
      %add3A_1372 = arith.constant 31 : i32
      %add3A_1373 = vector.broadcast %add3A_1372 : i32 to vector<16xi32>
      %add3A_1374 = arith.addi %mul3A_1051, %add3A_1373 : vector<16xi32>
      %gather3A_1375 = tpu.vector_load_idx %arg13[%add3A_1045, %add3A_1374] : memref<256x128xf32, #tpu.memory_space<vmem>>[vector<16xi32>, vector<16xi32>], vector<16xf32>,
      %add3A_1376 = arith.constant 31 : i32
      %add3A_1377 = vector.broadcast %add3A_1376 : i32 to vector<16xi32>
      %add3A_1378 = arith.addi %mul3A_1057, %add3A_1377 : vector<16xi32>
      %gather3A_1379 = tpu.vector_load_idx %arg14[%add3A_1045, %add3A_1378] : memref<256x128xf32, #tpu.memory_space<vmem>>[vector<16xi32>, vector<16xi32>], vector<16xf32>,
      %mul3A_1380 = arith.mulf %gather3A_1375, %gather3A_1379 : vector<16xf32>
      %add3A_1381 = arith.addf %add3A_1371, %mul3A_1380 : vector<16xf32>
      %swap3A_1382 = arith.index_cast %add3A_1035 : i32 to index
      %swap3A_1383 = tpu.vector_load %arg17[%swap3A_1382] {strides = array<i32>} : memref<512xf32, #tpu.memory_space<vmem>>, vector<16xf32>,
      tpu.vector_store %arg17[%swap3A_1382], %add3A_1381 {strides = array<i32>} : memref<512xf32, #tpu.memory_space<vmem>>, vector<16xf32>,
    }
    %scan3A_1023 = arith.constant 16 : i32
    "tpu.region"() ({
      %run_scoped3A_1024 = tpu.sem_alloc : memref<!tpu.dma_semaphore, #tpu.memory_space<semaphore_mem>>
      %dma_start3A_1025 = tpu.memref_slice %arg8[%mul3A_2] : memref<16384xf32, #tpu.memory_space<hbm>> -> memref<512xf32, #tpu.memory_space<hbm>>
      %dma_start3A_1026 = tpu.memref_slice %arg8[%mul3A_2] : memref<16384xf32, #tpu.memory_space<hbm>> -> memref<512xf32, #tpu.memory_space<hbm>>
      tpu.enqueue_dma source(%arg17 : memref<512xf32, #tpu.memory_space<vmem>>) target(%dma_start3A_1026 : memref<512xf32, #tpu.memory_space<hbm>>) target_semaphore(%run_scoped3A_1024 : memref<!tpu.dma_semaphore, #tpu.memory_space<semaphore_mem>>)
      %dma_wait3A_1027 = tpu.memref_slice %arg8[%mul3A_2] : memref<16384xf32, #tpu.memory_space<hbm>> -> memref<512xf32, #tpu.memory_space<hbm>>
      %dma_wait3A_1028 = tpu.memref_slice %arg8[%mul3A_2] : memref<16384xf32, #tpu.memory_space<hbm>> -> memref<512xf32, #tpu.memory_space<hbm>>
      tpu.wait_dma2 semaphore(%run_scoped3A_1024 : memref<!tpu.dma_semaphore, #tpu.memory_space<semaphore_mem>>) src(%arg17 : memref<512xf32, #tpu.memory_space<vmem>>) dst(%dma_wait3A_1028 : memref<512xf32, #tpu.memory_space<hbm>>)
      tpu.yield
    }) : () -> ()
    return
  }
}

</mosaic_0001>

<sc_bundles>
// kernel: kernel.3.cloned.1.call-start
scs
__scs_entry_jumppad:
0x0: {  	(pc) =	sbr.rel $0x88, $3  }
0x1: {  	(tag) =	ssettag $0x0;
	lr =	simm.s32 $0x1  }
0x2: {  	[smem:$0x3F9B] =	sst lr;
	_ =	strace $0xD0000000  }
0x3: {  	_ = 	snop  }
0x4: {  	_ = 	snop  }
0x5: {  	_ = 	snop  }
0x6: {  	_ = 	snop  }
0x7: {  	_ = 	snop  }
__scs_overlays_trampoline_lowered:
0x8: {  	[smem:$0x3FAA] =	sst s0  }
0x9: {  	[smem:$0x3FAB] =	sst s1  }
0xa: {  	[smem:$0x3FAC] =	sst s2  }
0xb: {  	[smem:$0x3FAD] =	sst s3  }
0xc: {  	[smem:$0x3FAE] =	sst s4  }
0xd: {  	[smem:$0x3FAF] =	sst s5  }
0xe: {  	[smem:$0x3FB0] =	sst s6  }
0xf: {  	[smem:$0x3FB1] =	sst s7  }
0x10: {  	[smem:$0x3FB2] =	sst s8  }
0x11: {  	[smem:$0x3FB3] =	sst s9;
	s0 =	simm.s32 @!p0 $0x0  }
0x12: {  	s1 =	sld [smem:$0x3F99];
	s0 =	simm.s32 @p0 $0x1  }
0x13: {  	[smem:$0x3FB4] =	sst s0;
	s0 =	simm.s32 @!p1 $0x0  }
0x14: {  	s2 =	sld [smem:$0x3F98];
	s0 =	simm.s32 @p1 $0x1  }
0x15: {  	[smem:$0x3FB5] =	sst s0;
	s0 =	simm.s32 @!p2 $0x0  }
0x16: {  	s3 =	sld [smem:$0x3FDB];
	s0 =	simm.s32 @p2 $0x1  }
0x17: {  	s4 =	simm.s32 $0x1BF5;
	[smem:$0x3FB7] =	sst s0  }
0x18: {  	s0 =	sld [smem:$0x3F9A];
	_ =	swait.ge [sflag:s4], $0x0  }
0x19: {  	s7 =	sld [smem:$0x3F9B]  }
0x1a: {  	s8 =	sadd.s32 $0xFFFFE003, lr  }
0x1b: {  	s9 =	sadd.s32 $0xFFFFFEF7, lr;
	s5 =	simm.s32 $0xFFFFFFFF;
	p2 =	slt.u32 s8, $0xFFFFF086  }
0x1c: {  	p1 =	slt.u32 s9, $0xF7A;
	s5 =	simm.s32 @!p2 $0x0  }
0x1d: {  	s5 =	simm.s32 @p1 $0x1;
	p0 =	seq.s32 s7, s2  }
0x1e: {  	s7 =	smul.u32 @!p0 $0xF7A, s2;
	p2 =	seq.s32 @!p0 s5, $0x0  }
0x1f: {  	s9 =	smul.u32 $0xF7A, s1;
	s8 =	simm.s32 @!p0 $0x1BF5;
	p2 =	por !p2, p0  }
0x20: {  	[sflag:s8] =	ssyncset.s32 @!p0 $0xFFFFF086;
	s6 =	sadd.s32 @!p0 s3, s7;
	s7 =	simm.s32 @!p0 $0x108  }
0x21: {  	s3 =	sadd.s32 s3, s9;
	s6 =	sadd.s32 @!p0 $0x88, s6;
	s7 =	simm.s32 @p2 $0x1082  }
0x22: {  	[simem:s7], [sflag:s8] =	dma.local @!p0 [hbm:s6], $0xF7A  }
0x23: {  	s9 =	sor.u32 $0xD0000000, s2;
	s6 =	simm.s32 $0x108;
	_ =	swait.ge @!p0 [sflag:s8], $0x0  }
0x24: {  	s3 =	sadd.s32 $0x88, s3;
	s6 =	simm.s32 @!p1 $0x1082;
	[sflag:s4] =	ssyncset.s32 $0xFFFFF086  }
0x25: {  	[simem:s6], [sflag:s4] =	dma.local [hbm:s3], $0xF7A  }
0x26: {  	[smem:$0x3F9B] =	sst s1;
	(tag) =	ssettag s2;
	_ =	strace s9  }
0x27: {  	s1 =	sld [smem:$0x3FAB]  }
0x28: {  	s2 =	sld [smem:$0x3FAC]  }
0x29: {  	s4 =	sld [smem:$0x3FAE]  }
0x2a: {  	p0 =	seq.s32 s5, $0x0;
	s5 =	sld [smem:$0x3FAF]  }
0x2b: {  	s6 =	sld [smem:$0x3FB0]  }
0x2c: {  	s7 =	sld [smem:$0x3FB1]  }
0x2d: {  	s3 =	simm.s32 $0x108;
	s8 =	sld [smem:$0x3FB2]  }
0x2e: {  	s3 =	simm.s32 @!p0 $0x1082;
	s9 =	sld [smem:$0x3FB3]  }
0x2f: {  	lr =	sadd.s32 s0, s3;
	s0 =	sld [smem:$0x3FAA]  }
0x30: {  	s3 =	sld [smem:$0x3FAD]  }
0x31: {  	[smem:$0x3FB6] =	sst s10  }
0x32: {  	s10 =	sld [smem:$0x3FB4];
	_ =	sdelay $0x3  }
0x33: {  	p0 =	seq.s32 s10, $0x1;
	s10 =	sld [smem:$0x3FB6];
	_ =	sdelay $0x3  }
0x34: {  	[smem:$0x3FB6] =	sst s10  }
0x35: {  	s10 =	sld [smem:$0x3FB5];
	_ =	sdelay $0x3  }
0x36: {  	p1 =	seq.s32 s10, $0x1;
	s10 =	sld [smem:$0x3FB6];
	_ =	sdelay $0x3  }
0x37: {  	[smem:$0x3FB6] =	sst s10  }
0x38: {  	s10 =	sld [smem:$0x3FB7]  }
0x39: {  	_ = 	snop;
	(pc) =	sbr.ind lr, $3  }
0x3a: {  	_ = 	snop  }
0x3b: {  	_ = 	snop  }
0x3c: {  	p2 =	seq.s32 s10, $0x1;
	s10 =	sld [smem:$0x3FB6]  }
0x3d: {  	_ =	shalt  }
0x3e: {  	_ =	shalt  }
0x3f: {  	_ =	shalt  }
0x40: {  	_ =	shalt  }
0x41: {  	_ =	shalt  }
0x42: {  	_ =	shalt  }
0x43: {  	_ =	shalt  }
0x44: {  	_ =	shalt  }
0x45: {  	_ =	shalt  }
0x46: {  	_ =	shalt  }
0x47: {  	_ =	shalt  }
0x48: {  	_ =	shalt  }
0x49: {  	_ =	shalt  }
0x4a: {  	_ =	shalt  }
0x4b: {  	_ =	shalt  }
0x4c: {  	_ =	shalt  }
0x4d: {  	_ =	shalt  }
0x4e: {  	_ =	shalt  }
0x4f: {  	_ =	shalt  }
0x50: {  	_ =	shalt  }
0x51: {  	_ =	shalt  }
0x52: {  	_ =	shalt  }
0x53: {  	_ =	shalt  }
0x54: {  	_ =	shalt  }
0x55: {  	_ =	shalt  }
0x56: {  	_ =	shalt  }
0x57: {  	_ =	shalt  }
0x58: {  	_ =	shalt  }
0x59: {  	_ =	shalt  }
0x5a: {  	_ =	shalt  }
0x5b: {  	_ =	shalt  }
0x5c: {  	_ =	shalt  }
0x5d: {  	_ =	shalt  }
0x5e: {  	_ =	shalt  }
0x5f: {  	_ =	shalt  }
0x60: {  	_ =	shalt  }
0x61: {  	_ =	shalt  }
0x62: {  	_ =	shalt  }
0x63: {  	_ =	shalt  }
0x64: {  	_ =	shalt  }
0x65: {  	_ =	shalt  }
0x66: {  	_ =	shalt  }
0x67: {  	_ =	shalt  }
0x68: {  	_ =	shalt  }
0x69: {  	_ =	shalt  }
0x6a: {  	_ =	shalt  }
0x6b: {  	_ =	shalt  }
0x6c: {  	_ =	shalt  }
0x6d: {  	_ =	shalt  }
0x6e: {  	_ =	shalt  }
0x6f: {  	_ =	shalt  }
0x70: {  	_ =	shalt  }
0x71: {  	_ =	shalt  }
0x72: {  	_ =	shalt  }
0x73: {  	_ =	shalt  }
0x74: {  	_ =	shalt  }
0x75: {  	_ =	shalt  }
0x76: {  	_ =	shalt  }
0x77: {  	_ =	shalt  }
0x78: {  	_ =	shalt  }
0x79: {  	_ =	shalt  }
0x7a: {  	_ =	shalt  }
0x7b: {  	_ =	shalt  }
0x7c: {  	_ =	shalt  }
0x7d: {  	_ =	shalt  }
0x7e: {  	_ =	shalt  }
0x7f: {  	_ =	shalt  }
0x80: {  	_ =	shalt  }
0x81: {  	_ =	shalt  }
0x82: {  	_ =	shalt  }
0x83: {  	_ =	shalt  }
0x84: {  	_ =	shalt  }
0x85: {  	_ =	shalt  }
0x86: {  	_ =	shalt  }
0x87: {  	_ =	shalt  }
.Lfunc_end0:
.L_simem_size_0:
called_computation_lowered:
.L_overlay_start_0:
0x88: {  	s2 =	sld [smem:$0x3FD9]  }
0x89: {  	s3 =	sld [smem:$0x3FFE];
	_ =	sdelay $0x1  }
0x8a: {  	s1 =	srdreg.scid  }
0x8b: {  	s0 =	sand.u32 $0x1, s1  }
0x8c: {  	s17 =	sshll.u32 s0, $0xA;
	s2 =	sadd.s32 s3, s2  }
0x8d: {  	s2 =	sadd.s32 s2, s17  }
0x8e: {  	[smem:$0x3FC2] =	sst s2  }
0x8f: {  	_ = 	snop  }
0x90: {  	s2 =	sld [smem:$0x3FC9]  }
0x91: {  	s18 =	sld [smem:$0x3FC8]  }
0x92: {  	s4 =	sld [smem:$0x3FD0];
	(tm) =	ssettm $0x1  }
0x93: {  	s5 =	sld [smem:$0x3FFB];
	_ =	sdelay $0x3  }
0x94: {  	_ =	strace s5  }
0x95: {  	s5 =	sld [smem:$0x3FFC];
	_ =	sdelay $0x3  }
0x96: {  	_ =	strace s5  }
0x97: {  	s5 =	sld [smem:$0x3FFD];
	_ =	sdelay $0x3  }
0x98: {  	_ =	strace s5  }
0x99: {  	_ =	strace $0x8FFFFFFF  }
0x9a: {  	s19 =	sld [smem:$0x3FDB];
	_ =	sdelay $0x1  }
0x9b: {  	s6 =	simm.s32 $_scs_section_size  }
0x9c: {  	s7 =	simm.s32 $_size__tile_overlayer_lowered;
	s8 =	simm.s32 $_tile_overlayer_lowered  }
0x9d: {  	s22 =	simm.s32 $0x1BFF;
	s21 =	sshll.u32 s8, $0x1;
	s5 =	sadd.s32 s6, s19  }
0x9e: {  	s9 =	simm.s32 $0x0;
	s20 =	sshll.u32 s7, $0x1;
	s7 =	sadd.s32 s21, s5  }
0x9f: {  	[timem:s9], [sflag:s22] =	dma.local [hbm:s7], s20  }
0xa0: {  	_ =	swait.ge [sflag:s22], s20  }
0xa1: {  	s6 =	ssub.s32 $0x0, s20;
	[sflag:s22] =	ssyncset.done $0x0  }
0xa2: {  	[sflag:s22] =	ssyncadd.s32 s6;
	_ =	sdelay $0x1  }
0xa3: {  	s23 =	simm.s32 $0x1B8B  }
0xa4: {  	_ =	swait.ge [sflag:s23], $0x1  }
0xa5: {  	[sflag:s23] =	ssyncset.done $0x0  }
0xa6: {  	s25 =	simm.s32 $0x1B8E;
	s24 =	sld [smem:$0x3FFE];
	[sflag:s23] =	ssyncadd.s32 $0xFFFFFFFF  }
0xa7: {  	s26 =	simm.s32 $execute0_lowered;
	[smem:$0x3FD2] =	sst s25  }
0xa8: {  	s7 =	sshll.u32 s26, $0x1;
	_ =	strace $0x80000046;
	[dreg:$0x1] =	wrdreg $0xFFFFFFFF  }
0xa9: {  	s28 =	simm.s32 $_size_execute0_lowered;
	s5 =	sadd.s32 s5, s7;
	[dreg:$0x0] =	wrdreg $0x0  }
0xaa: {  	s7 =	sshll.u32 s28, $0x1;
	[dreg:$0x2] =	wrdreg s5  }
0xab: {  	[dreg:$0x3] =	wrdreg s7  }
0xac: {  	[dreg:$0x4] =	wrdreg $0xC0  }
0xad: {  	_ =	task [dreg:s9], $0x5FFFF  }
0xae: {  	[dreg:$0x1] =	wrdreg $0xFFFFFFFF  }
0xaf: {  	[dreg:$0x0] =	wrdreg $0x60  }
0xb0: {  	[dreg:$0x2] =	wrdreg s2  }
0xb1: {  	[dreg:$0x3] =	wrdreg s18  }
0xb2: {  	[dreg:$0x4] =	wrdreg s24  }
0xb3: {  	[dreg:$0x5] =	wrdreg s4  }
0xb4: {  	[dreg:$0x6] =	wrdreg $0x9  }
0xb5: {  	_ =	task.clear_ibuf [dreg:s9], $0x7FFFF;
	_ =	strace $0x90000046  }
0xb6: {  	s29 =	simm.s32 $0x9;
	_ =	strace $0x80000048  }
0xb7: {  	_ =	swait.ge [sflag:s29], $0x1  }
0xb8: {  	[sflag:s29] =	ssyncadd.s32 $0xFFFFFFFF  }
0xb9: {  	_ =	strace $0x90000048  }
0xba: {  	_ =	sfence  }
0xbb: {  	s30 =	sld [smem:$0x0];
	_ =	sdelay $0x2  }
0xbc: {  	s31 =	sshll.u32 s1, $0xD;
	s1 =	sshrl.u32 s1, $0x2  }
0xbd: {  	s3 =	sand.u32 $0x4000, s31;
	s1 =	sadd.s32 s1, s30  }
0xbe: {  	s0 =	sor.u32 s3, s0;
	s1 =	sshll.u32 s1, $0x11  }
0xbf: {  	s0 =	sor.u32 s1, s0  }
0xc0: {  	s0 =	sadd.s32 $0x8F2B, s0  }
0xc1: {  	[sflag:s0] =	ssyncadd.remote.s32 $0x1  }
0xc2: {  	_ =	sfence.sel $0xFFFF  }
0xc3: {  	[dreg:$0x0] =	wrdreg $0xFFFFFFFF;
	(pc) =	sbr.abs _section_cstart, $3  }
0xc4: {  	[dreg:$0x1] =	wrdreg $0xFFFFFFFF  }
0xc5: {  	_ =	task.clear_ibuf [dreg:s9], $0x2FFFF;
	_ =	strace $0x9FFFFFFF  }
0xc6: {  	(tm) =	ssettm $0x7FFFFFFF  }
0xc7: {  	_ =	shalt  }
tec
execute0_lowered:
.L_overlay_start_1:
0x0: {  	(tag) =	ssettag $0x1  }
0x1: {  	s0 =	rddreg [dreg:$0x0]  }
0x2: {  	s3 =	rddreg [dreg:$0x1]  }
0x3: {  	s1 =	rddreg [dreg:$0x2]  }
0x4: {  	s15 =	rddreg [dreg:$0x3]  }
0x5: {  	s2 =	simm.s32 $0x0;
	s6 =	srdreg.scid;
	s8 =	stileid.u32  }
0x6: {  	s18 =	simm.s32 $0x80;
	s24 =	simm.s32 $0x8800;
	s29 =	simm.s32 $0xC800  }
0x7: {  	s30 =	simm.s32 $0x1;
	s31 =	simm.s32 $0x10C00;
	[smem:$0x7FF] =	sst s2  }
0x8: {  	s4 =	sadd.s32 $0x1312E00, s1;
	s5 =	sadd.s32 $0xF42400, s1;
	s6 =	sand.u32 $0x1, s6  }
0x9: {  	s8 =	sshll.u32 s8, $0x7;
	s7 =	ssub.s32 $0x2, s6;
	s9 =	sshll.u32 s6, $0x6  }
0xa: {  	_ =	strace $0x80000047;
	s10 =	sshrl.u32 s7, $0x1;
	s16 =	sor.u32 s9, s8  }
0xb: {  	s6 =	sadd.s32 $0x1EA00, s1;
	s17 =	ssub.s32 s7, s10;
	s25 =	sadd.s32 s0, s16  }
0xc: {  	s26 =	sor.u32 $0x10, s16;
	s28 =	sadd.s32 s3, s16;
	s12 =	sor.u32 $0x20, s16  }
0xd: {  	s14 =	sor.u32 $0x30, s16;
	s15 =	sadd.s32 s15, s16;
	[dreg:$0x5] =	wrdreg s25  }
0xe: {  	[dreg:$0x6] =	wrdreg s28;
	s9 =	sadd.s32 s0, s26;
	s10 =	sadd.s32 s3, s26  }
0xf: {  	s11 =	sadd.s32 s0, s12;
	s12 =	sadd.s32 s3, s12;
	s13 =	sadd.s32 s0, s14  }
0x10: {  	v0 =	vlaneseq.u32;
	s14 =	sadd.s32 s3, s14;
	s16 =	smax.u32 s17, $0x1;
	s17 =	simm.s32 $0x2  }
0x11: {  	v0 =	vmul.u32 $0x80, v0;
	s0 =	simm.s32 $0x800;
	s26 =	simm.s32 $0x4800;
	s3 =	simm.s32 $0x0  }
.LBB2_1:
0x12: {  	s7 =	rddreg [dreg:$0x5]  }
0x13: {  	[tilespmem:s2], [sflag:$0x2] =	stream.linear.gather [hbm4b:s7+s2], $0x80, $0x38;
	[tilespmem:$0x10E00] =	vst v63  }
0x14: {  	_ =	swait.ge [sflag:s17], $0x80  }
0x15: {  	[sflag:s17] =	ssyncset.done $0x0  }
0x16: {  	s19 =	simm.s32 $0x200;
	s8 =	rddreg [dreg:$0x6];
	[sflag:s17] =	ssyncadd.s32 $0xFFFFFF80  }
0x17: {  	[tilespmem:s19], [sflag:$0x2] =	stream.linear.gather [hbm4b:s8+s2], $0x80, $0x38;
	[tilespmem:$0x10E00] =	vst v63  }
0x18: {  	_ =	swait.ge [sflag:s17], $0x80  }
0x19: {  	[sflag:s17] =	ssyncset.done $0x0  }
0x1a: {  	[sflag:s17] =	ssyncadd.s32 $0xFFFFFF80  }
0x1b: {  	[tilespmem:s18], [sflag:$0x2] =	stream.linear.gather [hbm4b:s9+s2], $0x80, $0x38;
	[tilespmem:$0x10E00] =	vst v63  }
0x1c: {  	_ =	swait.ge [sflag:s17], $0x80  }
0x1d: {  	[sflag:s17] =	ssyncset.done $0x0  }
0x1e: {  	s20 =	simm.s32 $0x280;
	[sflag:s17] =	ssyncadd.s32 $0xFFFFFF80  }
0x1f: {  	[tilespmem:s20], [sflag:$0x2] =	stream.linear.gather [hbm4b:s10+s2], $0x80, $0x38;
	[tilespmem:$0x10E00] =	vst v63  }
0x20: {  	_ =	swait.ge [sflag:s17], $0x80  }
0x21: {  	[sflag:s17] =	ssyncset.done $0x0  }
0x22: {  	s21 =	simm.s32 $0x100;
	[sflag:s17] =	ssyncadd.s32 $0xFFFFFF80  }
0x23: {  	[tilespmem:s21], [sflag:$0x2] =	stream.linear.gather [hbm4b:s11+s2], $0x80, $0x38;
	[tilespmem:$0x10E00] =	vst v63  }
0x24: {  	_ =	swait.ge [sflag:s17], $0x80  }
0x25: {  	[sflag:s17] =	ssyncset.done $0x0  }
0x26: {  	s22 =	simm.s32 $0x300;
	[sflag:s17] =	ssyncadd.s32 $0xFFFFFF80  }
0x27: {  	[tilespmem:s22], [sflag:$0x2] =	stream.linear.gather [hbm4b:s12+s2], $0x80, $0x38;
	[tilespmem:$0x10E00] =	vst v63  }
0x28: {  	_ =	swait.ge [sflag:s17], $0x80  }
0x29: {  	[sflag:s17] =	ssyncset.done $0x0  }
0x2a: {  	s23 =	simm.s32 $0x180;
	[sflag:s17] =	ssyncadd.s32 $0xFFFFFF80  }
0x2b: {  	[tilespmem:s23], [sflag:$0x2] =	stream.linear.gather [hbm4b:s13+s2], $0x80, $0x38;
	[tilespmem:$0x10E00] =	vst v63  }
0x2c: {  	_ =	swait.ge [sflag:s17], $0x80  }
0x2d: {  	[sflag:s17] =	ssyncset.done $0x0  }
0x2e: {  	s7 =	simm.s32 $0x380;
	[sflag:s17] =	ssyncadd.s32 $0xFFFFFF80  }
0x2f: {  	[tilespmem:s7], [sflag:$0x2] =	stream.linear.gather [hbm4b:s14+s2], $0x80, $0x38;
	[tilespmem:$0x10E00] =	vst v63  }
0x30: {  	_ =	swait.ge [sflag:s17], $0x80  }
0x31: {  	[sflag:s17] =	ssyncset.done $0x0  }
0x32: {  	s28 =	simm.s32 $0x10800;
	[sflag:s17] =	ssyncadd.s32 $0xFFFFFF80  }
0x33: {  	[tilespmem:s28], [sflag:$0x1] =	stream.indirect.gather [hbm4b:s6+s18], $0x1, s2, s18, $0xb8;
	[tilespmem:$0x10E00] =	vst v63  }
0x34: {  	s25 =	simm.s32 $0x10A00  }
0x35: {  	[tilespmem:s25], [sflag:$0x1] =	stream.indirect.gather [hbm4b:s1+s18], $0x1, s19, s18, $0xb8;
	[tilespmem:$0x10E00] =	vst v63  }
0x36: {  	s8 =	simm.s32 $0x10880  }
0x37: {  	[tilespmem:s8], [sflag:$0x1] =	stream.indirect.gather [hbm4b:s6+s18], $0x1, s18, s18, $0xb8;
	[tilespmem:$0x10E00] =	vst v63  }
0x38: {  	s8 =	simm.s32 $0x10A80  }
0x39: {  	[tilespmem:s8], [sflag:$0x1] =	stream.indirect.gather [hbm4b:s1+s18], $0x1, s20, s18, $0xb8;
	[tilespmem:$0x10E00] =	vst v63  }
0x3a: {  	s20 =	simm.s32 $0x10900  }
0x3b: {  	[tilespmem:s20], [sflag:$0x1] =	stream.indirect.gather [hbm4b:s6+s18], $0x1, s21, s18, $0xb8;
	[tilespmem:$0x10E00] =	vst v63  }
0x3c: {  	s21 =	simm.s32 $0x10B00  }
0x3d: {  	[tilespmem:s21], [sflag:$0x1] =	stream.indirect.gather [hbm4b:s1+s18], $0x1, s22, s18, $0xb8;
	[tilespmem:$0x10E00] =	vst v63  }
0x3e: {  	s22 =	simm.s32 $0x10980  }
0x3f: {  	[tilespmem:s22], [sflag:$0x1] =	stream.indirect.gather [hbm4b:s6+s18], $0x1, s23, s18, $0xb8;
	[tilespmem:$0x10E00] =	vst v63  }
0x40: {  	s23 =	simm.s32 $0x10B80  }
0x41: {  	[tilespmem:s23], [sflag:$0x1] =	stream.indirect.gather [hbm4b:s1+s18], $0x1, s7, s18, $0xb8;
	[tilespmem:$0x10E00] =	vst v63  }
0x42: {  	v1 =	vld [tilespmem:$0x0]  }
0x43: {  	v2 =	vld [tilespmem:$0x200]  }
0x44: {  	v3 =	vld [tilespmem:$0x10]  }
0x45: {  	v4 =	vld [tilespmem:$0x210]  }
0x46: {  	v5 =	vld [tilespmem:$0x20]  }
0x47: {  	v6 =	vld [tilespmem:$0x220];
	v1 =	vshrl.u32 v1, $0x2  }
0x48: {  	[tilespmem:$0x400] =	vst v1;
	v1 =	vshrl.u32 v2, $0x2;
	v2 =	vld [tilespmem:$0x30]  }
0x49: {  	[tilespmem:$0x600] =	vst v1;
	v1 =	vshrl.u32 v3, $0x2;
	v3 =	vld [tilespmem:$0x230]  }
0x4a: {  	v57 =	vld [tilespmem:$0x40];
	[tilespmem:$0x410] =	vst v1;
	v1 =	vshrl.u32 v4, $0x2  }
0x4b: {  	v58 =	vld [tilespmem:$0x240];
	[tilespmem:$0x610] =	vst v1;
	v1 =	vshrl.u32 v5, $0x2  }
0x4c: {  	v59 =	vld [tilespmem:$0x50];
	[tilespmem:$0x420] =	vst v1;
	v1 =	vshrl.u32 v6, $0x2  }
0x4d: {  	[tilespmem:$0x620] =	vst v1;
	v1 =	vshrl.u32 v2, $0x2;
	v2 =	vld [tilespmem:$0x250]  }
0x4e: {  	[tilespmem:$0x430] =	vst v1;
	v1 =	vshrl.u32 v3, $0x2;
	v3 =	vld [tilespmem:$0x60]  }
0x4f: {  	v60 =	vld [tilespmem:$0x260];
	[tilespmem:$0x630] =	vst v1;
	v1 =	vshrl.u32 v57, $0x2  }
0x50: {  	v61 =	vld [tilespmem:$0x70];
	[tilespmem:$0x440] =	vst v1;
	v1 =	vshrl.u32 v58, $0x2  }
0x51: {  	v62 =	vld [tilespmem:$0x270];
	[tilespmem:$0x640] =	vst v1;
	v1 =	vshrl.u32 v59, $0x2  }
0x52: {  	[tilespmem:$0x450] =	vst v1;
	v1 =	vshrl.u32 v2, $0x2;
	v2 =	vld [tilespmem:$0x80]  }
0x53: {  	[tilespmem:$0x650] =	vst v1;
	v1 =	vshrl.u32 v3, $0x2;
	v3 =	vld [tilespmem:$0x280]  }
0x54: {  	v63 =	vld [tilespmem:$0x90];
	[tilespmem:$0x460] =	vst v1;
	v1 =	vshrl.u32 v60, $0x2  }
0x55: {  	v9 =	vld [tilespmem:$0x290];
	[tilespmem:$0x660] =	vst v1;
	v1 =	vshrl.u32 v61, $0x2  }
0x56: {  	v10 =	vld [tilespmem:$0xA0];
	[tilespmem:$0x470] =	vst v1;
	v1 =	vshrl.u32 v62, $0x2  }
0x57: {  	[tilespmem:$0x670] =	vst v1;
	v1 =	vshrl.u32 v2, $0x2;
	v2 =	vld [tilespmem:$0x2A0]  }
0x58: {  	[tilespmem:$0x480] =	vst v1;
	v1 =	vshrl.u32 v3, $0x2;
	v3 =	vld [tilespmem:$0xB0]  }
0x59: {  	v11 =	vld [tilespmem:$0x2B0];
	[tilespmem:$0x680] =	vst v1;
	v1 =	vshrl.u32 v63, $0x2  }
0x5a: {  	v12 =	vld [tilespmem:$0xC0];
	[tilespmem:$0x490] =	vst v1;
	v1 =	vshrl.u32 v9, $0x2  }
0x5b: {  	v13 =	vld [tilespmem:$0x2C0];
	[tilespmem:$0x690] =	vst v1;
	v1 =	vshrl.u32 v10, $0x2  }
0x5c: {  	[tilespmem:$0x4A0] =	vst v1;
	v1 =	vshrl.u32 v2, $0x2;
	v2 =	vld [tilespmem:$0xD0]  }
0x5d: {  	[tilespmem:$0x6A0] =	vst v1;
	v1 =	vshrl.u32 v3, $0x2;
	v3 =	vld [tilespmem:$0x2D0]  }
0x5e: {  	v14 =	vld [tilespmem:$0xE0];
	[tilespmem:$0x4B0] =	vst v1;
	v1 =	vshrl.u32 v11, $0x2  }
0x5f: {  	v15 =	vld [tilespmem:$0x2E0];
	[tilespmem:$0x6B0] =	vst v1;
	v1 =	vshrl.u32 v12, $0x2  }
0x60: {  	v16 =	vld [tilespmem:$0xF0];
	[tilespmem:$0x4C0] =	vst v1;
	v1 =	vshrl.u32 v13, $0x2  }
0x61: {  	[tilespmem:$0x6C0] =	vst v1;
	v1 =	vshrl.u32 v2, $0x2;
	v2 =	vld [tilespmem:$0x2F0]  }
0x62: {  	[tilespmem:$0x4D0] =	vst v1;
	v1 =	vshrl.u32 v3, $0x2;
	v3 =	vld [tilespmem:$0x100]  }
0x63: {  	v17 =	vld [tilespmem:$0x300];
	[tilespmem:$0x6D0] =	vst v1;
	v1 =	vshrl.u32 v14, $0x2  }
0x64: {  	v18 =	vld [tilespmem:$0x110];
	[tilespmem:$0x4E0] =	vst v1;
	v1 =	vshrl.u32 v15, $0x2  }
0x65: {  	v19 =	vld [tilespmem:$0x310];
	[tilespmem:$0x6E0] =	vst v1;
	v1 =	vshrl.u32 v16, $0x2  }
0x66: {  	[tilespmem:$0x4F0] =	vst v1;
	v1 =	vshrl.u32 v2, $0x2;
	v2 =	vld [tilespmem:$0x120]  }
0x67: {  	[tilespmem:$0x6F0] =	vst v1;
	v1 =	vshrl.u32 v3, $0x2;
	v3 =	vld [tilespmem:$0x320]  }
0x68: {  	v20 =	vld [tilespmem:$0x130];
	[tilespmem:$0x500] =	vst v1;
	v1 =	vshrl.u32 v17, $0x2  }
0x69: {  	v21 =	vld [tilespmem:$0x330];
	[tilespmem:$0x700] =	vst v1;
	v1 =	vshrl.u32 v18, $0x2  }
0x6a: {  	v22 =	vld [tilespmem:$0x140];
	[tilespmem:$0x510] =	vst v1;
	v1 =	vshrl.u32 v19, $0x2  }
0x6b: {  	[tilespmem:$0x710] =	vst v1;
	v1 =	vshrl.u32 v2, $0x2;
	v2 =	vld [tilespmem:$0x340]  }
0x6c: {  	[tilespmem:$0x520] =	vst v1;
	v1 =	vshrl.u32 v3, $0x2;
	v3 =	vld [tilespmem:$0x150]  }
0x6d: {  	v23 =	vld [tilespmem:$0x350];
	[tilespmem:$0x720] =	vst v1;
	v1 =	vshrl.u32 v20, $0x2  }
0x6e: {  	v24 =	vld [tilespmem:$0x160];
	[tilespmem:$0x530] =	vst v1;
	v1 =	vshrl.u32 v21, $0x2  }
0x6f: {  	v25 =	vld [tilespmem:$0x360];
	[tilespmem:$0x730] =	vst v1;
	v1 =	vshrl.u32 v22, $0x2  }
0x70: {  	[tilespmem:$0x540] =	vst v1;
	v1 =	vshrl.u32 v2, $0x2;
	v2 =	vld [tilespmem:$0x170]  }
0x71: {  	[tilespmem:$0x740] =	vst v1;
	v1 =	vshrl.u32 v3, $0x2;
	v3 =	vld [tilespmem:$0x370]  }
0x72: {  	v26 =	vld [tilespmem:$0x180];
	[tilespmem:$0x550] =	vst v1;
	v1 =	vshrl.u32 v23, $0x2  }
0x73: {  	v27 =	vld [tilespmem:$0x380];
	[tilespmem:$0x750] =	vst v1;
	v1 =	vshrl.u32 v24, $0x2  }
0x74: {  	v28 =	vld [tilespmem:$0x190];
	[tilespmem:$0x560] =	vst v1;
	v1 =	vshrl.u32 v25, $0x2  }
0x75: {  	[tilespmem:$0x760] =	vst v1;
	v1 =	vshrl.u32 v2, $0x2;
	v2 =	vld [tilespmem:$0x390]  }
0x76: {  	[tilespmem:$0x570] =	vst v1;
	v1 =	vshrl.u32 v3, $0x2;
	v3 =	vld [tilespmem:$0x1A0]  }
0x77: {  	v29 =	vld [tilespmem:$0x3A0];
	[tilespmem:$0x770] =	vst v1;
	v1 =	vshrl.u32 v26, $0x2  }
0x78: {  	v30 =	vld [tilespmem:$0x1B0];
	[tilespmem:$0x580] =	vst v1;
	v1 =	vshrl.u32 v27, $0x2  }
0x79: {  	v31 =	vld [tilespmem:$0x3B0];
	[tilespmem:$0x780] =	vst v1;
	v1 =	vshrl.u32 v28, $0x2  }
0x7a: {  	[tilespmem:$0x590] =	vst v1;
	v1 =	vshrl.u32 v2, $0x2;
	v2 =	vld [tilespmem:$0x1C0]  }
0x7b: {  	[tilespmem:$0x790] =	vst v1;
	v1 =	vshrl.u32 v3, $0x2;
	v3 =	vld [tilespmem:$0x3C0]  }
0x7c: {  	v32 =	vld [tilespmem:$0x1D0];
	[tilespmem:$0x5A0] =	vst v1;
	v1 =	vshrl.u32 v29, $0x2  }
0x7d: {  	v33 =	vld [tilespmem:$0x3D0];
	[tilespmem:$0x7A0] =	vst v1;
	v1 =	vshrl.u32 v30, $0x2  }
0x7e: {  	v34 =	vld [tilespmem:$0x1E0];
	[tilespmem:$0x5B0] =	vst v1;
	v1 =	vshrl.u32 v31, $0x2  }
0x7f: {  	[tilespmem:$0x7B0] =	vst v1;
	v1 =	vshrl.u32 v2, $0x2;
	v2 =	vld [tilespmem:$0x3E0]  }
0x80: {  	[tilespmem:$0x5C0] =	vst v1;
	v1 =	vshrl.u32 v3, $0x2;
	v3 =	vld [tilespmem:$0x1F0]  }
0x81: {  	v35 =	vld [tilespmem:$0x3F0];
	[tilespmem:$0x7C0] =	vst v1;
	v1 =	vshrl.u32 v32, $0x2  }
0x82: {  	[tilespmem:$0x5D0] =	vst v1;
	v1 =	vshrl.u32 v33, $0x2  }
0x83: {  	[tilespmem:$0x7D0] =	vst v1;
	v1 =	vshrl.u32 v34, $0x2  }
0x84: {  	[tilespmem:$0x5E0] =	vst v1;
	v1 =	vshrl.u32 v2, $0x2  }
0x85: {  	[tilespmem:$0x7E0] =	vst v1;
	v1 =	vshrl.u32 v3, $0x2  }
0x86: {  	[tilespmem:$0x5F0] =	vst v1;
	v1 =	vshrl.u32 v35, $0x2  }
0x87: {  	s20 =	simm.s32 $0x400;
	[tilespmem:$0x7F0] =	vst v1  }
0x88: {  	[tilespmem:s0], [sflag:$0x1] =	stream.indirect.gather [hbm4b:s4+s18], $0x80, s20, s18, $0xb8;
	[tilespmem:$0x10E00] =	vst v63  }
0x89: {  	s21 =	simm.s32 $0x600  }
0x8a: {  	[tilespmem:s24], [sflag:$0x1] =	stream.indirect.gather [hbm4b:s5+s18], $0x80, s21, s18, $0xb8;
	[tilespmem:$0x10E00] =	vst v63  }
0x8b: {  	s22 =	simm.s32 $0x480  }
0x8c: {  	[tilespmem:s26], [sflag:$0x1] =	stream.indirect.gather [hbm4b:s4+s18], $0x80, s22, s18, $0xb8;
	[tilespmem:$0x10E00] =	vst v63  }
0x8d: {  	s23 =	simm.s32 $0x680  }
0x8e: {  	[tilespmem:s29], [sflag:$0x1] =	stream.indirect.gather [hbm4b:s5+s18], $0x80, s23, s18, $0xb8;
	[tilespmem:$0x10E00] =	vst v63  }
0x8f: {  	_ =	swait.ge [sflag:s30], $0x80  }
0x90: {  	[sflag:s30] =	ssyncset.done $0x0  }
0x91: {  	[sflag:s30] =	ssyncadd.s32 $0xFFFFFF80  }
0x92: {  	_ =	swait.ge [sflag:s30], $0x80  }
0x93: {  	[sflag:s30] =	ssyncset.done $0x0  }
0x94: {  	[sflag:s30] =	ssyncadd.s32 $0xFFFFFF80  }
0x95: {  	_ =	swait.ge [sflag:s30], $0x80  }
0x96: {  	[sflag:s30] =	ssyncset.done $0x0  }
0x97: {  	[sflag:s30] =	ssyncadd.s32 $0xFFFFFF80  }
0x98: {  	_ =	swait.ge [sflag:s30], $0x80  }
0x99: {  	[sflag:s30] =	ssyncset.done $0x0  }
0x9a: {  	[sflag:s30] =	ssyncadd.s32 $0xFFFFFF80  }
0x9b: {  	_ =	swait.ge [sflag:s30], $0x80  }
0x9c: {  	[sflag:s30] =	ssyncset.done $0x0  }
0x9d: {  	[sflag:s30] =	ssyncadd.s32 $0xFFFFFF80  }
0x9e: {  	_ =	swait.ge [sflag:s30], $0x80  }
0x9f: {  	[sflag:s30] =	ssyncset.done $0x0  }
0xa0: {  	[sflag:s30] =	ssyncadd.s32 $0xFFFFFF80  }
0xa1: {  	_ =	swait.ge [sflag:s30], $0x80  }
0xa2: {  	[sflag:s30] =	ssyncset.done $0x0  }
0xa3: {  	[sflag:s30] =	ssyncadd.s32 $0xFFFFFF80  }
0xa4: {  	_ =	swait.ge [sflag:s30], $0x80  }
0xa5: {  	[sflag:s30] =	ssyncset.done $0x0  }
0xa6: {  	[sflag:s30] =	ssyncadd.s32 $0xFFFFFF80  }
0xa7: {  	_ =	swait.ge [sflag:s30], $0x4000  }
0xa8: {  	[sflag:s30] =	ssyncset.done $0x0  }
0xa9: {  	[sflag:s30] =	ssyncadd.s32 $0xFFFFC000  }
0xaa: {  	_ =	swait.ge [sflag:s30], $0x4000  }
0xab: {  	[sflag:s30] =	ssyncset.done $0x0  }
0xac: {  	[sflag:s30] =	ssyncadd.s32 $0xFFFFC000  }
0xad: {  	_ =	swait.ge [sflag:s30], $0x4000  }
0xae: {  	[sflag:s30] =	ssyncset.done $0x0  }
0xaf: {  	[sflag:s30] =	ssyncadd.s32 $0xFFFFC000  }
0xb0: {  	_ =	swait.ge [sflag:s30], $0x4000  }
0xb1: {  	[sflag:s30] =	ssyncset.done $0x0  }
0xb2: {  	[sflag:s30] =	ssyncadd.s32 $0xFFFFC000  }
0xb3: {  	v1 =	vld [tilespmem:s2+$0x0]  }
0xb4: {  	v2 =	vld [tilespmem:s19+$0x0];
	_ =	sdelay $0x2  }
0xb5: {  	v3 =	vmov s2  }
0xb6: {  	v3 =	vshll.u32 v3, $0x7;
	v1 =	vshll.u32 v1, $0x5  }
0xb7: {  	v3 =	vor.u32 v0, v3;
	v2 =	vshll.u32 v2, $0x5;
	v1 =	vand.u32 $0x60, v1  }
0xb8: {  	v36 =	vand.u32 $0x60, v2;
	v2 =	vor.u32 v3, v1  }
0xb9: {  	v1 =	vor.u32 v3, v36  }
0xba: {  	v3 =	vor.u32 $0x1, v2  }
0xbb: {  	v37 =	vld [tilespmem:s28+$0x0];
	v38 =	vor.u32 $0x1, v1  }
0xbc: {  	v39 =	vld [tilespmem:s25+$0x0];
	v7 =	vor.u32 $0x2, v2  }
0xbd: {  	v9 =	vor.u32 $0x2, v1;
	v8 =	vld.idx.msk [tilespmem:v2+s0+$0x0], $0xffff  }
0xbe: {  	v11 =	vor.u32 $0x3, v2;
	v10 =	vld.idx.msk [tilespmem:v1+s24+$0x0], $0xffff  }
0xbf: {  	v12 =	vor.u32 $0x3, v1;
	v3 =	vld.idx.msk [tilespmem:v3+s0+$0x0], $0xffff  }
0xc0: {  	v13 =	vor.u32 $0x4, v2;
	v5 =	vld.idx.msk [tilespmem:v38+s24+$0x0], $0xffff  }
0xc1: {  	v14 =	vor.u32 $0x4, v1;
	v7 =	vld.idx.msk [tilespmem:v7+s0+$0x0], $0xffff  }
0xc2: {  	v15 =	vor.u32 $0x5, v2;
	v9 =	vld.idx.msk [tilespmem:v9+s24+$0x0], $0xffff  }
0xc3: {  	v4 =	vadd.f32 v39, v37;
	v16 =	vor.u32 $0x5, v1;
	v11 =	vld.idx.msk [tilespmem:v11+s0+$0x0], $0xffff;
	v40 =	vmul.f32 v10, v8  }
0xc4: {  	v44 =	vor.u32 $0x6, v1;
	v41 =	vld.idx.msk [tilespmem:v12+s24+$0x0], $0xffff  }
0xc5: {  	v42 =	vor.u32 $0x6, v2;
	v43 =	vld.idx.msk [tilespmem:v13+s0+$0x0], $0xffff;
	v3 =	vmul.f32 v5, v3;
	v4 =	vadd.f32 v40, v4  }
0xc6: {  	v46 =	vor.u32 $0x7, v2;
	v45 =	vld.idx.msk [tilespmem:v14+s24+$0x0], $0xffff  }
0xc7: {  	v48 =	vor.u32 $0x7, v1;
	v47 =	vld.idx.msk [tilespmem:v15+s0+$0x0], $0xffff;
	v49 =	vmul.f32 v9, v7;
	v3 =	vadd.f32 v3, v4  }
0xc8: {  	v52 =	vor.u32 $0x8, v1;
	v50 =	vld.idx.msk [tilespmem:v16+s24+$0x0], $0xffff  }
0xc9: {  	v51 =	vor.u32 $0x8, v2;
	v54 =	vld.idx.msk [tilespmem:v44+s24+$0x0], $0xffff;
	v53 =	vmul.f32 v41, v11;
	v3 =	vadd.f32 v49, v3  }
0xca: {  	v56 =	vor.u32 $0x9, v1;
	v10 =	vld.idx.msk [tilespmem:v42+s0+$0x0], $0xffff  }
0xcb: {  	v55 =	vor.u32 $0x9, v2;
	v6 =	vld.idx.msk [tilespmem:v46+s0+$0x0], $0xffff;
	v57 =	vmul.f32 v45, v43;
	v3 =	vadd.f32 v53, v3  }
0xcc: {  	v59 =	vor.u32 $0xA, v2;
	v58 =	vld.idx.msk [tilespmem:v48+s24+$0x0], $0xffff  }
0xcd: {  	v60 =	vor.u32 $0xA, v1;
	v62 =	vld.idx.msk [tilespmem:v52+s24+$0x0], $0xffff;
	v61 =	vmul.f32 v50, v47;
	v3 =	vadd.f32 v57, v3  }
0xce: {  	v63 =	vor.u32 $0xB, v2;
	v9 =	vld.idx.msk [tilespmem:v51+s0+$0x0], $0xffff  }
0xcf: {  	v20 =	vor.u32 $0xB, v1;
	v22 =	vld.idx.msk [tilespmem:v56+s24+$0x0], $0xffff;
	v21 =	vmul.f32 v54, v10;
	v3 =	vadd.f32 v61, v3  }
0xd0: {  	v24 =	vor.u32 $0xC, v1;
	v11 =	vld.idx.msk [tilespmem:v55+s0+$0x0], $0xffff  }
0xd1: {  	v23 =	vor.u32 $0xC, v2;
	v12 =	vld.idx.msk [tilespmem:v59+s0+$0x0], $0xffff;
	v25 =	vmul.f32 v58, v6;
	v3 =	vadd.f32 v21, v3  }
0xd2: {  	v28 =	vor.u32 $0xD, v1;
	v26 =	vld.idx.msk [tilespmem:v60+s24+$0x0], $0xffff  }
0xd3: {  	v27 =	vor.u32 $0xD, v2;
	v14 =	vld.idx.msk [tilespmem:v63+s0+$0x0], $0xffff;
	v29 =	vmul.f32 v62, v9;
	v3 =	vadd.f32 v25, v3  }
0xd4: {  	v32 =	vor.u32 $0xE, v1;
	v30 =	vld.idx.msk [tilespmem:v20+s24+$0x0], $0xffff  }
0xd5: {  	v31 =	vor.u32 $0xE, v2;
	v34 =	vld.idx.msk [tilespmem:v24+s24+$0x0], $0xffff;
	v33 =	vmul.f32 v22, v11;
	v3 =	vadd.f32 v29, v3  }
0xd6: {  	v36 =	vor.u32 $0xF, v1;
	v10 =	vld.idx.msk [tilespmem:v23+s0+$0x0], $0xffff  }
0xd7: {  	v35 =	vor.u32 $0xF, v2;
	v38 =	vld.idx.msk [tilespmem:v28+s24+$0x0], $0xffff;
	v37 =	vmul.f32 v26, v12;
	v3 =	vadd.f32 v33, v3  }
0xd8: {  	v39 =	vor.u32 $0x10, v2;
	v6 =	vld.idx.msk [tilespmem:v27+s0+$0x0], $0xffff  }
0xd9: {  	v42 =	vld.idx.msk [tilespmem:v32+s24+$0x0], $0xffff;
	v41 =	vmul.f32 v30, v14;
	v40 =	vor.u32 $0x10, v1;
	v3 =	vadd.f32 v37, v3  }
0xda: {  	v44 =	vor.u32 $0x11, v1;
	v9 =	vld.idx.msk [tilespmem:v31+s0+$0x0], $0xffff  }
0xdb: {  	v46 =	vld.idx.msk [tilespmem:v36+s24+$0x0], $0xffff;
	v43 =	vor.u32 $0x11, v2;
	v45 =	vmul.f32 v34, v10;
	v3 =	vadd.f32 v41, v3  }
0xdc: {  	v48 =	vor.u32 $0x12, v1;
	v11 =	vld.idx.msk [tilespmem:v35+s0+$0x0], $0xffff  }
0xdd: {  	v47 =	vor.u32 $0x12, v2;
	v12 =	vld.idx.msk [tilespmem:v39+s0+$0x0], $0xffff;
	v49 =	vmul.f32 v38, v6;
	v3 =	vadd.f32 v45, v3  }
0xde: {  	v51 =	vor.u32 $0x13, v2;
	v50 =	vld.idx.msk [tilespmem:v40+s24+$0x0], $0xffff  }
0xdf: {  	v52 =	vor.u32 $0x13, v1;
	v54 =	vld.idx.msk [tilespmem:v44+s24+$0x0], $0xffff;
	v53 =	vmul.f32 v42, v9;
	v3 =	vadd.f32 v49, v3  }
0xe0: {  	v56 =	vor.u32 $0x14, v1;
	v14 =	vld.idx.msk [tilespmem:v43+s0+$0x0], $0xffff  }
0xe1: {  	v55 =	vor.u32 $0x14, v2;
	v58 =	vld.idx.msk [tilespmem:v48+s24+$0x0], $0xffff;
	v57 =	vmul.f32 v46, v11;
	v3 =	vadd.f32 v53, v3  }
0xe2: {  	v60 =	vor.u32 $0x15, v1;
	v10 =	vld.idx.msk [tilespmem:v47+s0+$0x0], $0xffff  }
0xe3: {  	v59 =	vor.u32 $0x15, v2;
	v6 =	vld.idx.msk [tilespmem:v51+s0+$0x0], $0xffff;
	v61 =	vmul.f32 v50, v12;
	v3 =	vadd.f32 v57, v3  }
0xe4: {  	v20 =	vor.u32 $0x16, v1;
	v62 =	vld.idx.msk [tilespmem:v52+s24+$0x0], $0xffff  }
0xe5: {  	v63 =	vor.u32 $0x16, v2;
	v22 =	vld.idx.msk [tilespmem:v56+s24+$0x0], $0xffff;
	v21 =	vmul.f32 v54, v14;
	v3 =	vadd.f32 v61, v3  }
0xe6: {  	v24 =	vor.u32 $0x17, v1;
	v9 =	vld.idx.msk [tilespmem:v55+s0+$0x0], $0xffff  }
0xe7: {  	v26 =	vld.idx.msk [tilespmem:v60+s24+$0x0], $0xffff;
	v23 =	vor.u32 $0x17, v2;
	v25 =	vmul.f32 v58, v10;
	v3 =	vadd.f32 v21, v3  }
0xe8: {  	v28 =	vor.u32 $0x18, v1;
	v11 =	vld.idx.msk [tilespmem:v59+s0+$0x0], $0xffff  }
0xe9: {  	v27 =	vor.u32 $0x18, v2;
	v30 =	vld.idx.msk [tilespmem:v20+s24+$0x0], $0xffff;
	v29 =	vmul.f32 v62, v6;
	v3 =	vadd.f32 v25, v3  }
0xea: {  	v32 =	vor.u32 $0x19, v1;
	v12 =	vld.idx.msk [tilespmem:v63+s0+$0x0], $0xffff  }
0xeb: {  	v31 =	vor.u32 $0x19, v2;
	v34 =	vld.idx.msk [tilespmem:v24+s24+$0x0], $0xffff;
	v33 =	vmul.f32 v22, v9;
	v3 =	vadd.f32 v29, v3  }
0xec: {  	v36 =	vor.u32 $0x1A, v1;
	v14 =	vld.idx.msk [tilespmem:v23+s0+$0x0], $0xffff  }
0xed: {  	v35 =	vor.u32 $0x1A, v2;
	v38 =	vld.idx.msk [tilespmem:v28+s24+$0x0], $0xffff;
	v37 =	vmul.f32 v26, v11;
	v3 =	vadd.f32 v33, v3  }
0xee: {  	v40 =	vor.u32 $0x1B, v1;
	v10 =	vld.idx.msk [tilespmem:v27+s0+$0x0], $0xffff  }
0xef: {  	v39 =	vor.u32 $0x1B, v2;
	v42 =	vld.idx.msk [tilespmem:v32+s24+$0x0], $0xffff;
	v41 =	vmul.f32 v30, v12;
	v3 =	vadd.f32 v37, v3  }
0xf0: {  	v44 =	vor.u32 $0x1C, v1;
	v6 =	vld.idx.msk [tilespmem:v31+s0+$0x0], $0xffff  }
0xf1: {  	v43 =	vor.u32 $0x1C, v2;
	v46 =	vld.idx.msk [tilespmem:v36+s24+$0x0], $0xffff;
	v45 =	vmul.f32 v34, v14;
	v3 =	vadd.f32 v41, v3  }
0xf2: {  	v47 =	vor.u32 $0x1D, v2;
	v9 =	vld.idx.msk [tilespmem:v35+s0+$0x0], $0xffff  }
0xf3: {  	v48 =	vor.u32 $0x1D, v1;
	v50 =	vld.idx.msk [tilespmem:v40+s24+$0x0], $0xffff;
	v49 =	vmul.f32 v38, v10;
	v3 =	vadd.f32 v45, v3  }
0xf4: {  	v52 =	vor.u32 $0x1E, v1;
	v11 =	vld.idx.msk [tilespmem:v39+s0+$0x0], $0xffff  }
0xf5: {  	v51 =	vor.u32 $0x1E, v2;
	v54 =	vld.idx.msk [tilespmem:v44+s24+$0x0], $0xffff;
	v53 =	vmul.f32 v42, v6;
	v3 =	vadd.f32 v49, v3  }
0xf6: {  	v1 =	vor.u32 $0x1F, v1;
	v12 =	vld.idx.msk [tilespmem:v43+s0+$0x0], $0xffff  }
0xf7: {  	v2 =	vor.u32 $0x1F, v2;
	v55 =	vld.idx.msk [tilespmem:v47+s0+$0x0], $0xffff;
	v56 =	vmul.f32 v46, v9;
	v3 =	vadd.f32 v53, v3  }
0xf8: {  	v57 =	vld.idx.msk [tilespmem:v48+s24+$0x0], $0xffff  }
0xf9: {  	v60 =	vld.idx.msk [tilespmem:v52+s24+$0x0], $0xffff;
	v59 =	vmul.f32 v50, v11;
	v3 =	vadd.f32 v56, v3  }
0xfa: {  	v58 =	vld.idx.msk [tilespmem:v51+s0+$0x0], $0xffff  }
0xfb: {  	v1 =	vld.idx.msk [tilespmem:v1+s24+$0x0], $0xffff;
	v61 =	vmul.f32 v54, v12;
	v3 =	vadd.f32 v59, v3  }
0xfc: {  	v2 =	vld.idx.msk [tilespmem:v2+s0+$0x0], $0xffff  }
0xfd: {  	v62 =	vmul.f32 v57, v55;
	v3 =	vadd.f32 v61, v3;
	_ =	sdelay $0x1  }
0xfe: {  	v63 =	vmul.f32 v60, v58;
	v3 =	vadd.f32 v62, v3;
	_ =	sdelay $0x1  }
0xff: {  	v1 =	vmul.f32 v1, v2;
	v3 =	vadd.f32 v63, v3;
	_ =	sdelay $0x1  }
0x100: {  	v1 =	vadd.f32 v1, v3;
	_ =	sdelay $0x1  }
0x101: {  	s20 =	simm.s32 $0x10;
	[tilespmem:s31+$0x0] =	vst v1  }
0x102: {  	s21 =	simm.s32 $0x210;
	v1 =	vld [tilespmem:s20+$0x0]  }
0x103: {  	s22 =	simm.s32 $0x20;
	s23 =	simm.s32 $0x10;
	s19 =	simm.s32 $0x10C00;
	v2 =	vld [tilespmem:s21+$0x0]  }
.LBB2_2:
0x104: {  	p0 =	sne.s32 s22, $0xF0;
	_ =	sdelay $0x1  }
0x105: {  	v3 =	vmov s20;
	s20 =	smov.u32 s22  }
0x106: {  	v3 =	vshll.u32 v3, $0x7;
	v1 =	vshll.u32 v1, $0x5  }
0x107: {  	v3 =	vor.u32 v0, v3;
	v1 =	vand.u32 $0x60, v1;
	v2 =	vshll.u32 v2, $0x5  }
0x108: {  	v4 =	vand.u32 $0x60, v2;
	v2 =	vor.u32 v3, v1  }
0x109: {  	v1 =	vor.u32 v3, v4  }
0x10a: {  	s28 =	sadd.s32 $0x10, s28;
	v3 =	vor.u32 $0x1, v2  }
0x10b: {  	s25 =	sadd.s32 $0x10, s25;
	v5 =	vor.u32 $0x1, v1;
	v4 =	vld [tilespmem:s28+$0x0]  }
0x10c: {  	v7 =	vor.u32 $0x2, v2;
	v6 =	vld [tilespmem:s25+$0x0]  }
0x10d: {  	v9 =	vor.u32 $0x2, v1;
	v8 =	vld.idx.msk [tilespmem:v2+s0+$0x0], $0xffff  }
0x10e: {  	v11 =	vor.u32 $0x3, v2;
	v10 =	vld.idx.msk [tilespmem:v1+s24+$0x0], $0xffff  }
0x10f: {  	v12 =	vor.u32 $0x3, v1;
	v3 =	vld.idx.msk [tilespmem:v3+s0+$0x0], $0xffff  }
0x110: {  	v13 =	vor.u32 $0x4, v2;
	v5 =	vld.idx.msk [tilespmem:v5+s24+$0x0], $0xffff  }
0x111: {  	v14 =	vor.u32 $0x4, v1;
	v7 =	vld.idx.msk [tilespmem:v7+s0+$0x0], $0xffff  }
0x112: {  	v15 =	vor.u32 $0x5, v2;
	v9 =	vld.idx.msk [tilespmem:v9+s24+$0x0], $0xffff  }
0x113: {  	v16 =	vor.u32 $0x5, v1;
	v11 =	vld.idx.msk [tilespmem:v11+s0+$0x0], $0xffff  }
0x114: {  	v4 =	vadd.f32 v6, v4;
	v6 =	vmul.f32 v10, v8;
	v10 =	vor.u32 $0x6, v2;
	v8 =	vld.idx.msk [tilespmem:v12+s24+$0x0], $0xffff  }
0x115: {  	v12 =	vld.idx.msk [tilespmem:v13+s0+$0x0], $0xffff;
	v13 =	vor.u32 $0x6, v1  }
0x116: {  	v4 =	vadd.f32 v6, v4;
	v3 =	vmul.f32 v5, v3;
	v6 =	vor.u32 $0x7, v2;
	v5 =	vld.idx.msk [tilespmem:v14+s24+$0x0], $0xffff  }
0x117: {  	v14 =	vld.idx.msk [tilespmem:v15+s0+$0x0], $0xffff;
	v15 =	vor.u32 $0x7, v1  }
0x118: {  	v3 =	vadd.f32 v3, v4;
	v4 =	vmul.f32 v9, v7;
	v9 =	vor.u32 $0x8, v2;
	v7 =	vld.idx.msk [tilespmem:v16+s24+$0x0], $0xffff  }
0x119: {  	v16 =	vor.u32 $0x8, v1;
	v10 =	vld.idx.msk [tilespmem:v10+s0+$0x0], $0xffff  }
0x11a: {  	v3 =	vadd.f32 v4, v3;
	v4 =	vmul.f32 v8, v11;
	v11 =	vor.u32 $0x9, v2;
	v8 =	vld.idx.msk [tilespmem:v13+s24+$0x0], $0xffff  }
0x11b: {  	v13 =	vor.u32 $0x9, v1;
	v6 =	vld.idx.msk [tilespmem:v6+s0+$0x0], $0xffff  }
0x11c: {  	v3 =	vadd.f32 v4, v3;
	v4 =	vmul.f32 v5, v12;
	v12 =	vor.u32 $0xA, v2;
	v5 =	vld.idx.msk [tilespmem:v15+s24+$0x0], $0xffff  }
0x11d: {  	v15 =	vor.u32 $0xA, v1;
	v9 =	vld.idx.msk [tilespmem:v9+s0+$0x0], $0xffff  }
0x11e: {  	v3 =	vadd.f32 v4, v3;
	v4 =	vmul.f32 v7, v14;
	v14 =	vor.u32 $0xB, v2;
	v7 =	vld.idx.msk [tilespmem:v16+s24+$0x0], $0xffff  }
0x11f: {  	v16 =	vor.u32 $0xB, v1;
	v11 =	vld.idx.msk [tilespmem:v11+s0+$0x0], $0xffff  }
0x120: {  	v3 =	vadd.f32 v4, v3;
	v4 =	vmul.f32 v8, v10;
	v10 =	vor.u32 $0xC, v2;
	v8 =	vld.idx.msk [tilespmem:v13+s24+$0x0], $0xffff  }
0x121: {  	v13 =	vor.u32 $0xC, v1;
	v12 =	vld.idx.msk [tilespmem:v12+s0+$0x0], $0xffff  }
0x122: {  	v3 =	vadd.f32 v4, v3;
	v4 =	vmul.f32 v5, v6;
	v6 =	vor.u32 $0xD, v2;
	v5 =	vld.idx.msk [tilespmem:v15+s24+$0x0], $0xffff  }
0x123: {  	v15 =	vor.u32 $0xD, v1;
	v14 =	vld.idx.msk [tilespmem:v14+s0+$0x0], $0xffff  }
0x124: {  	v3 =	vadd.f32 v4, v3;
	v4 =	vmul.f32 v7, v9;
	v9 =	vor.u32 $0xE, v2;
	v7 =	vld.idx.msk [tilespmem:v16+s24+$0x0], $0xffff  }
0x125: {  	v16 =	vor.u32 $0xE, v1;
	v10 =	vld.idx.msk [tilespmem:v10+s0+$0x0], $0xffff  }
0x126: {  	v3 =	vadd.f32 v4, v3;
	v4 =	vmul.f32 v8, v11;
	v11 =	vor.u32 $0xF, v2;
	v8 =	vld.idx.msk [tilespmem:v13+s24+$0x0], $0xffff  }
0x127: {  	v13 =	vor.u32 $0xF, v1;
	v6 =	vld.idx.msk [tilespmem:v6+s0+$0x0], $0xffff  }
0x128: {  	v3 =	vadd.f32 v4, v3;
	v4 =	vmul.f32 v5, v12;
	v12 =	vor.u32 $0x10, v2;
	v5 =	vld.idx.msk [tilespmem:v15+s24+$0x0], $0xffff  }
0x129: {  	v15 =	vor.u32 $0x10, v1;
	v9 =	vld.idx.msk [tilespmem:v9+s0+$0x0], $0xffff  }
0x12a: {  	v3 =	vadd.f32 v4, v3;
	v4 =	vmul.f32 v7, v14;
	v14 =	vor.u32 $0x11, v2;
	v7 =	vld.idx.msk [tilespmem:v16+s24+$0x0], $0xffff  }
0x12b: {  	v16 =	vor.u32 $0x11, v1;
	v11 =	vld.idx.msk [tilespmem:v11+s0+$0x0], $0xffff  }
0x12c: {  	v3 =	vadd.f32 v4, v3;
	v4 =	vmul.f32 v8, v10;
	v10 =	vor.u32 $0x12, v2;
	v8 =	vld.idx.msk [tilespmem:v13+s24+$0x0], $0xffff  }
0x12d: {  	v13 =	vor.u32 $0x12, v1;
	v12 =	vld.idx.msk [tilespmem:v12+s0+$0x0], $0xffff  }
0x12e: {  	v3 =	vadd.f32 v4, v3;
	v4 =	vmul.f32 v5, v6;
	v6 =	vor.u32 $0x13, v2;
	v5 =	vld.idx.msk [tilespmem:v15+s24+$0x0], $0xffff  }
0x12f: {  	v15 =	vor.u32 $0x13, v1;
	v14 =	vld.idx.msk [tilespmem:v14+s0+$0x0], $0xffff  }
0x130: {  	v3 =	vadd.f32 v4, v3;
	v4 =	vmul.f32 v7, v9;
	v9 =	vor.u32 $0x14, v2;
	v7 =	vld.idx.msk [tilespmem:v16+s24+$0x0], $0xffff  }
0x131: {  	v16 =	vor.u32 $0x14, v1;
	v10 =	vld.idx.msk [tilespmem:v10+s0+$0x0], $0xffff  }
0x132: {  	v3 =	vadd.f32 v4, v3;
	v4 =	vmul.f32 v8, v11;
	v11 =	vor.u32 $0x15, v2;
	v8 =	vld.idx.msk [tilespmem:v13+s24+$0x0], $0xffff  }
0x133: {  	v13 =	vor.u32 $0x15, v1;
	v6 =	vld.idx.msk [tilespmem:v6+s0+$0x0], $0xffff  }
0x134: {  	v3 =	vadd.f32 v4, v3;
	v4 =	vmul.f32 v5, v12;
	v12 =	vor.u32 $0x16, v2;
	v5 =	vld.idx.msk [tilespmem:v15+s24+$0x0], $0xffff  }
0x135: {  	v15 =	vor.u32 $0x16, v1;
	v9 =	vld.idx.msk [tilespmem:v9+s0+$0x0], $0xffff  }
0x136: {  	v3 =	vadd.f32 v4, v3;
	v4 =	vmul.f32 v7, v14;
	v14 =	vor.u32 $0x17, v2;
	v7 =	vld.idx.msk [tilespmem:v16+s24+$0x0], $0xffff  }
0x137: {  	v16 =	vor.u32 $0x17, v1;
	v11 =	vld.idx.msk [tilespmem:v11+s0+$0x0], $0xffff  }
0x138: {  	v3 =	vadd.f32 v4, v3;
	v4 =	vmul.f32 v8, v10;
	v10 =	vor.u32 $0x18, v2;
	v8 =	vld.idx.msk [tilespmem:v13+s24+$0x0], $0xffff  }
0x139: {  	v13 =	vor.u32 $0x18, v1;
	v12 =	vld.idx.msk [tilespmem:v12+s0+$0x0], $0xffff  }
0x13a: {  	v3 =	vadd.f32 v4, v3;
	v4 =	vmul.f32 v5, v6;
	v6 =	vor.u32 $0x19, v2;
	v5 =	vld.idx.msk [tilespmem:v15+s24+$0x0], $0xffff  }
0x13b: {  	v15 =	vor.u32 $0x19, v1;
	v14 =	vld.idx.msk [tilespmem:v14+s0+$0x0], $0xffff  }
0x13c: {  	v3 =	vadd.f32 v4, v3;
	v4 =	vmul.f32 v7, v9;
	v9 =	vor.u32 $0x1A, v2;
	v7 =	vld.idx.msk [tilespmem:v16+s24+$0x0], $0xffff  }
0x13d: {  	v16 =	vor.u32 $0x1A, v1;
	v10 =	vld.idx.msk [tilespmem:v10+s0+$0x0], $0xffff  }
0x13e: {  	v3 =	vadd.f32 v4, v3;
	v4 =	vmul.f32 v8, v11;
	v11 =	vor.u32 $0x1B, v2;
	v8 =	vld.idx.msk [tilespmem:v13+s24+$0x0], $0xffff  }
0x13f: {  	v13 =	vor.u32 $0x1B, v1;
	v6 =	vld.idx.msk [tilespmem:v6+s0+$0x0], $0xffff  }
0x140: {  	v3 =	vadd.f32 v4, v3;
	v4 =	vmul.f32 v5, v12;
	v12 =	vor.u32 $0x1C, v2;
	v5 =	vld.idx.msk [tilespmem:v15+s24+$0x0], $0xffff  }
0x141: {  	v15 =	vor.u32 $0x1C, v1;
	v9 =	vld.idx.msk [tilespmem:v9+s0+$0x0], $0xffff  }
0x142: {  	v3 =	vadd.f32 v4, v3;
	v4 =	vmul.f32 v7, v14;
	v14 =	vor.u32 $0x1D, v2;
	v7 =	vld.idx.msk [tilespmem:v16+s24+$0x0], $0xffff  }
0x143: {  	v16 =	vor.u32 $0x1D, v1;
	v11 =	vld.idx.msk [tilespmem:v11+s0+$0x0], $0xffff  }
0x144: {  	v3 =	vadd.f32 v4, v3;
	v4 =	vmul.f32 v8, v10;
	v10 =	vor.u32 $0x1E, v2;
	v8 =	vld.idx.msk [tilespmem:v13+s24+$0x0], $0xffff  }
0x145: {  	v13 =	vor.u32 $0x1E, v1;
	v12 =	vld.idx.msk [tilespmem:v12+s0+$0x0], $0xffff  }
0x146: {  	v2 =	vor.u32 $0x1F, v2;
	v3 =	vadd.f32 v4, v3;
	v4 =	vmul.f32 v5, v6;
	v5 =	vld.idx.msk [tilespmem:v15+s24+$0x0], $0xffff  }
0x147: {  	v1 =	vor.u32 $0x1F, v1;
	v6 =	vld.idx.msk [tilespmem:v14+s0+$0x0], $0xffff  }
0x148: {  	v3 =	vadd.f32 v4, v3;
	v4 =	vmul.f32 v7, v9;
	v7 =	vld.idx.msk [tilespmem:v16+s24+$0x0], $0xffff  }
0x149: {  	v9 =	vld.idx.msk [tilespmem:v10+s0+$0x0], $0xffff  }
0x14a: {  	v3 =	vadd.f32 v4, v3;
	v4 =	vmul.f32 v8, v11;
	v8 =	vld.idx.msk [tilespmem:v13+s24+$0x0], $0xffff  }
0x14b: {  	v2 =	vld.idx.msk [tilespmem:v2+s0+$0x0], $0xffff  }
0x14c: {  	v3 =	vadd.f32 v4, v3;
	v4 =	vmul.f32 v5, v12;
	v1 =	vld.idx.msk [tilespmem:v1+s24+$0x0], $0xffff;
	_ =	sdelay $0x1  }
0x14d: {  	v3 =	vadd.f32 v4, v3;
	v4 =	vmul.f32 v7, v6;
	_ =	sdelay $0x1  }
0x14e: {  	v3 =	vadd.f32 v4, v3;
	v4 =	vmul.f32 v8, v9;
	_ =	sdelay $0x1  }
0x14f: {  	v3 =	vadd.f32 v4, v3;
	v1 =	vmul.f32 v1, v2;
	_ =	sdelay $0x1  }
.Ltmp0:
0x150: {  	v1 =	vadd.f32 v1, v3;
	(pc) =	sbr.rel @p0 .LBB2_2-.Ltmp0, $4  }
0x151: {  	s19 =	sadd.s32 $0x10, s19  }
0x152: {  	s23 =	sadd.s32 $0x10, s23;
	[tilespmem:s19+$0x0] =	vst v1  }
0x153: {  	s21 =	sadd.s32 $0x10, s21;
	v1 =	vld [tilespmem:s23+$0x0]  }
0x154: {  	s22 =	sadd.s32 $0x10, s22;
	v2 =	vld [tilespmem:s21+$0x0]  }
0x155: {  	_ =	sdelay $0x1  }
0x156: {  	v3 =	vmov s20  }
0x157: {  	v3 =	vshll.u32 v3, $0x7;
	v1 =	vshll.u32 v1, $0x5  }
0x158: {  	v3 =	vor.u32 v0, v3;
	v1 =	vand.u32 $0x60, v1;
	v2 =	vshll.u32 v2, $0x5  }
0x159: {  	v4 =	vand.u32 $0x60, v2;
	v2 =	vor.u32 v3, v1  }
0x15a: {  	v1 =	vor.u32 v3, v4  }
0x15b: {  	s7 =	sadd.s32 $0x10, s28;
	v3 =	vor.u32 $0x1, v2  }
0x15c: {  	s8 =	sadd.s32 $0x10, s25;
	v50 =	vld [tilespmem:s7+$0x0];
	v5 =	vor.u32 $0x1, v1  }
0x15d: {  	v6 =	vld [tilespmem:s8+$0x0];
	v7 =	vor.u32 $0x2, v2  }
0x15e: {  	v9 =	vor.u32 $0x2, v1;
	v8 =	vld.idx.msk [tilespmem:v2+s0+$0x0], $0xffff  }
0x15f: {  	v11 =	vor.u32 $0x3, v2;
	v10 =	vld.idx.msk [tilespmem:v1+s24+$0x0], $0xffff  }
0x160: {  	v12 =	vor.u32 $0x3, v1;
	v3 =	vld.idx.msk [tilespmem:v3+s0+$0x0], $0xffff  }
0x161: {  	v13 =	vor.u32 $0x4, v2;
	v5 =	vld.idx.msk [tilespmem:v5+s24+$0x0], $0xffff  }
0x162: {  	v14 =	vor.u32 $0x4, v1;
	v7 =	vld.idx.msk [tilespmem:v7+s0+$0x0], $0xffff  }
0x163: {  	v15 =	vor.u32 $0x5, v2;
	v9 =	vld.idx.msk [tilespmem:v9+s24+$0x0], $0xffff  }
0x164: {  	v4 =	vadd.f32 v6, v50;
	v16 =	vor.u32 $0x5, v1;
	v11 =	vld.idx.msk [tilespmem:v11+s0+$0x0], $0xffff;
	v51 =	vmul.f32 v10, v8  }
0x165: {  	v55 =	vor.u32 $0x6, v1;
	v52 =	vld.idx.msk [tilespmem:v12+s24+$0x0], $0xffff  }
0x166: {  	v53 =	vor.u32 $0x6, v2;
	v54 =	vld.idx.msk [tilespmem:v13+s0+$0x0], $0xffff;
	v3 =	vmul.f32 v5, v3;
	v4 =	vadd.f32 v51, v4  }
0x167: {  	v57 =	vor.u32 $0x7, v2;
	v56 =	vld.idx.msk [tilespmem:v14+s24+$0x0], $0xffff  }
0x168: {  	v59 =	vor.u32 $0x7, v1;
	v58 =	vld.idx.msk [tilespmem:v15+s0+$0x0], $0xffff;
	v60 =	vmul.f32 v9, v7;
	v3 =	vadd.f32 v3, v4  }
0x169: {  	v63 =	vor.u32 $0x8, v1;
	v61 =	vld.idx.msk [tilespmem:v16+s24+$0x0], $0xffff  }
0x16a: {  	v62 =	vor.u32 $0x8, v2;
	v20 =	vld.idx.msk [tilespmem:v55+s24+$0x0], $0xffff;
	v19 =	vmul.f32 v52, v11;
	v3 =	vadd.f32 v60, v3  }
0x16b: {  	v22 =	vor.u32 $0x9, v1;
	v10 =	vld.idx.msk [tilespmem:v53+s0+$0x0], $0xffff  }
0x16c: {  	v21 =	vor.u32 $0x9, v2;
	v6 =	vld.idx.msk [tilespmem:v57+s0+$0x0], $0xffff;
	v23 =	vmul.f32 v56, v54;
	v3 =	vadd.f32 v19, v3  }
0x16d: {  	v25 =	vor.u32 $0xA, v2;
	v24 =	vld.idx.msk [tilespmem:v59+s24+$0x0], $0xffff  }
0x16e: {  	v26 =	vor.u32 $0xA, v1;
	v28 =	vld.idx.msk [tilespmem:v63+s24+$0x0], $0xffff;
	v27 =	vmul.f32 v61, v58;
	v3 =	vadd.f32 v23, v3  }
0x16f: {  	v29 =	vor.u32 $0xB, v2;
	v9 =	vld.idx.msk [tilespmem:v62+s0+$0x0], $0xffff  }
0x170: {  	v30 =	vor.u32 $0xB, v1;
	v32 =	vld.idx.msk [tilespmem:v22+s24+$0x0], $0xffff;
	v31 =	vmul.f32 v20, v10;
	v3 =	vadd.f32 v27, v3  }
0x171: {  	v34 =	vor.u32 $0xC, v1;
	v11 =	vld.idx.msk [tilespmem:v21+s0+$0x0], $0xffff  }
0x172: {  	v33 =	vor.u32 $0xC, v2;
	v12 =	vld.idx.msk [tilespmem:v25+s0+$0x0], $0xffff;
	v35 =	vmul.f32 v24, v6;
	v3 =	vadd.f32 v31, v3  }
0x173: {  	v38 =	vor.u32 $0xD, v1;
	v36 =	vld.idx.msk [tilespmem:v26+s24+$0x0], $0xffff  }
0x174: {  	v37 =	vor.u32 $0xD, v2;
	v14 =	vld.idx.msk [tilespmem:v29+s0+$0x0], $0xffff;
	v39 =	vmul.f32 v28, v9;
	v3 =	vadd.f32 v35, v3  }
0x175: {  	v42 =	vor.u32 $0xE, v1;
	v40 =	vld.idx.msk [tilespmem:v30+s24+$0x0], $0xffff  }
0x176: {  	v41 =	vor.u32 $0xE, v2;
	v44 =	vld.idx.msk [tilespmem:v34+s24+$0x0], $0xffff;
	v43 =	vmul.f32 v32, v11;
	v3 =	vadd.f32 v39, v3  }
0x177: {  	v46 =	vor.u32 $0xF, v1;
	v10 =	vld.idx.msk [tilespmem:v33+s0+$0x0], $0xffff  }
0x178: {  	v45 =	vor.u32 $0xF, v2;
	v48 =	vld.idx.msk [tilespmem:v38+s24+$0x0], $0xffff;
	v47 =	vmul.f32 v36, v12;
	v3 =	vadd.f32 v43, v3  }
0x179: {  	v49 =	vor.u32 $0x10, v2;
	v6 =	vld.idx.msk [tilespmem:v37+s0+$0x0], $0xffff  }
0x17a: {  	v50 =	vor.u32 $0x10, v1;
	v52 =	vld.idx.msk [tilespmem:v42+s24+$0x0], $0xffff;
	v51 =	vmul.f32 v40, v14;
	v3 =	vadd.f32 v47, v3  }
0x17b: {  	v53 =	vor.u32 $0x11, v2;
	v9 =	vld.idx.msk [tilespmem:v41+s0+$0x0], $0xffff  }
0x17c: {  	v54 =	vor.u32 $0x11, v1;
	v56 =	vld.idx.msk [tilespmem:v46+s24+$0x0], $0xffff;
	v55 =	vmul.f32 v44, v10;
	v3 =	vadd.f32 v51, v3  }
0x17d: {  	v58 =	vor.u32 $0x12, v1;
	v11 =	vld.idx.msk [tilespmem:v45+s0+$0x0], $0xffff  }
0x17e: {  	v57 =	vor.u32 $0x12, v2;
	v12 =	vld.idx.msk [tilespmem:v49+s0+$0x0], $0xffff;
	v59 =	vmul.f32 v48, v6;
	v3 =	vadd.f32 v55, v3  }
0x17f: {  	v61 =	vor.u32 $0x13, v2;
	v60 =	vld.idx.msk [tilespmem:v50+s24+$0x0], $0xffff  }
0x180: {  	v62 =	vor.u32 $0x13, v1;
	v14 =	vld.idx.msk [tilespmem:v53+s0+$0x0], $0xffff;
	v63 =	vmul.f32 v52, v9;
	v3 =	vadd.f32 v59, v3  }
0x181: {  	v22 =	vor.u32 $0x14, v1;
	v20 =	vld.idx.msk [tilespmem:v54+s24+$0x0], $0xffff  }
0x182: {  	v21 =	vor.u32 $0x14, v2;
	v24 =	vld.idx.msk [tilespmem:v58+s24+$0x0], $0xffff;
	v23 =	vmul.f32 v56, v11;
	v3 =	vadd.f32 v63, v3  }
0x183: {  	v26 =	vor.u32 $0x15, v1;
	v10 =	vld.idx.msk [tilespmem:v57+s0+$0x0], $0xffff  }
0x184: {  	v25 =	vor.u32 $0x15, v2;
	v6 =	vld.idx.msk [tilespmem:v61+s0+$0x0], $0xffff;
	v27 =	vmul.f32 v60, v12;
	v3 =	vadd.f32 v23, v3  }
0x185: {  	v30 =	vor.u32 $0x16, v1;
	v28 =	vld.idx.msk [tilespmem:v62+s24+$0x0], $0xffff  }
0x186: {  	v29 =	vor.u32 $0x16, v2;
	v32 =	vld.idx.msk [tilespmem:v22+s24+$0x0], $0xffff;
	v31 =	vmul.f32 v20, v14;
	v3 =	vadd.f32 v27, v3  }
0x187: {  	v34 =	vor.u32 $0x17, v1;
	v9 =	vld.idx.msk [tilespmem:v21+s0+$0x0], $0xffff  }
0x188: {  	v36 =	vld.idx.msk [tilespmem:v26+s24+$0x0], $0xffff;
	v33 =	vor.u32 $0x17, v2;
	v35 =	vmul.f32 v24, v10;
	v3 =	vadd.f32 v31, v3  }
0x189: {  	v38 =	vor.u32 $0x18, v1;
	v11 =	vld.idx.msk [tilespmem:v25+s0+$0x0], $0xffff  }
0x18a: {  	v37 =	vor.u32 $0x18, v2;
	v40 =	vld.idx.msk [tilespmem:v30+s24+$0x0], $0xffff;
	v39 =	vmul.f32 v28, v6;
	v3 =	vadd.f32 v35, v3  }
0x18b: {  	v42 =	vor.u32 $0x19, v1;
	v12 =	vld.idx.msk [tilespmem:v29+s0+$0x0], $0xffff  }
0x18c: {  	v41 =	vor.u32 $0x19, v2;
	v44 =	vld.idx.msk [tilespmem:v34+s24+$0x0], $0xffff;
	v43 =	vmul.f32 v32, v9;
	v3 =	vadd.f32 v39, v3  }
0x18d: {  	v46 =	vor.u32 $0x1A, v1;
	v14 =	vld.idx.msk [tilespmem:v33+s0+$0x0], $0xffff  }
0x18e: {  	v45 =	vor.u32 $0x1A, v2;
	v48 =	vld.idx.msk [tilespmem:v38+s24+$0x0], $0xffff;
	v47 =	vmul.f32 v36, v11;
	v3 =	vadd.f32 v43, v3  }
0x18f: {  	v50 =	vor.u32 $0x1B, v1;
	v10 =	vld.idx.msk [tilespmem:v37+s0+$0x0], $0xffff  }
0x190: {  	v49 =	vor.u32 $0x1B, v2;
	v52 =	vld.idx.msk [tilespmem:v42+s24+$0x0], $0xffff;
	v51 =	vmul.f32 v40, v12;
	v3 =	vadd.f32 v47, v3  }
0x191: {  	v54 =	vor.u32 $0x1C, v1;
	v6 =	vld.idx.msk [tilespmem:v41+s0+$0x0], $0xffff  }
0x192: {  	v53 =	vor.u32 $0x1C, v2;
	v56 =	vld.idx.msk [tilespmem:v46+s24+$0x0], $0xffff;
	v55 =	vmul.f32 v44, v14;
	v3 =	vadd.f32 v51, v3  }
0x193: {  	v58 =	vor.u32 $0x1D, v1;
	v9 =	vld.idx.msk [tilespmem:v45+s0+$0x0], $0xffff  }
0x194: {  	v57 =	vor.u32 $0x1D, v2;
	v60 =	vld.idx.msk [tilespmem:v50+s24+$0x0], $0xffff;
	v59 =	vmul.f32 v48, v10;
	v3 =	vadd.f32 v55, v3  }
0x195: {  	v62 =	vor.u32 $0x1E, v1;
	v11 =	vld.idx.msk [tilespmem:v49+s0+$0x0], $0xffff  }
0x196: {  	v61 =	vor.u32 $0x1E, v2;
	v15 =	vld.idx.msk [tilespmem:v54+s24+$0x0], $0xffff;
	v63 =	vmul.f32 v52, v6;
	v3 =	vadd.f32 v59, v3  }
0x197: {  	v1 =	vor.u32 $0x1F, v1;
	v12 =	vld.idx.msk [tilespmem:v53+s0+$0x0], $0xffff  }
0x198: {  	v2 =	vor.u32 $0x1F, v2;
	v19 =	vld.idx.msk [tilespmem:v58+s24+$0x0], $0xffff;
	v18 =	vmul.f32 v56, v9;
	v3 =	vadd.f32 v63, v3  }
0x199: {  	v17 =	vld.idx.msk [tilespmem:v57+s0+$0x0], $0xffff  }
0x19a: {  	v22 =	vld.idx.msk [tilespmem:v62+s24+$0x0], $0xffff;
	v21 =	vmul.f32 v60, v11;
	v3 =	vadd.f32 v18, v3  }
0x19b: {  	v20 =	vld.idx.msk [tilespmem:v61+s0+$0x0], $0xffff  }
0x19c: {  	v1 =	vld.idx.msk [tilespmem:v1+s24+$0x0], $0xffff;
	v23 =	vmul.f32 v15, v12;
	v3 =	vadd.f32 v21, v3  }
0x19d: {  	v2 =	vld.idx.msk [tilespmem:v2+s0+$0x0], $0xffff  }
0x19e: {  	v24 =	vmul.f32 v19, v17;
	v3 =	vadd.f32 v23, v3;
	_ =	sdelay $0x1  }
0x19f: {  	v25 =	vmul.f32 v22, v20;
	v3 =	vadd.f32 v24, v3;
	_ =	sdelay $0x1  }
0x1a0: {  	v1 =	vmul.f32 v1, v2;
	v3 =	vadd.f32 v25, v3;
	_ =	sdelay $0x1  }
0x1a1: {  	v1 =	vadd.f32 v1, v3  }
0x1a2: {  	s19 =	sadd.s32 $0x10, s19  }
0x1a3: {  	s7 =	simm.s32 $0x500;
	[tilespmem:s19+$0x0] =	vst v1  }
0x1a4: {  	[tilespmem:s0], [sflag:$0x1] =	stream.indirect.gather [hbm4b:s4+s18], $0x80, s7, s18, $0xb8;
	[tilespmem:$0x10E00] =	vst v63  }
0x1a5: {  	s19 =	simm.s32 $0x700  }
0x1a6: {  	[tilespmem:s24], [sflag:$0x1] =	stream.indirect.gather [hbm4b:s5+s18], $0x80, s19, s18, $0xb8;
	[tilespmem:$0x10E00] =	vst v63  }
0x1a7: {  	s20 =	simm.s32 $0x580  }
0x1a8: {  	[tilespmem:s26], [sflag:$0x1] =	stream.indirect.gather [hbm4b:s4+s18], $0x80, s20, s18, $0xb8;
	[tilespmem:$0x10E00] =	vst v63  }
0x1a9: {  	s21 =	simm.s32 $0x780  }
0x1aa: {  	[tilespmem:s29], [sflag:$0x1] =	stream.indirect.gather [hbm4b:s5+s18], $0x80, s21, s18, $0xb8;
	[tilespmem:$0x10E00] =	vst v63  }
0x1ab: {  	_ =	swait.ge [sflag:s30], $0x4000  }
0x1ac: {  	[sflag:s30] =	ssyncset.done $0x0  }
0x1ad: {  	[sflag:s30] =	ssyncadd.s32 $0xFFFFC000  }
0x1ae: {  	_ =	swait.ge [sflag:s30], $0x4000  }
0x1af: {  	[sflag:s30] =	ssyncset.done $0x0  }
0x1b0: {  	[sflag:s30] =	ssyncadd.s32 $0xFFFFC000  }
0x1b1: {  	_ =	swait.ge [sflag:s30], $0x4000  }
0x1b2: {  	[sflag:s30] =	ssyncset.done $0x0  }
0x1b3: {  	[sflag:s30] =	ssyncadd.s32 $0xFFFFC000  }
0x1b4: {  	_ =	swait.ge [sflag:s30], $0x4000  }
0x1b5: {  	[sflag:s30] =	ssyncset.done $0x0  }
0x1b6: {  	s22 =	simm.s32 $0x100;
	[sflag:s30] =	ssyncadd.s32 $0xFFFFC000  }
0x1b7: {  	s23 =	simm.s32 $0x300;
	v1 =	vld [tilespmem:s22+$0x0]  }
0x1b8: {  	v2 =	vld [tilespmem:s23+$0x0];
	_ =	sdelay $0x1  }
0x1b9: {  	s25 =	simm.s32 $0x0  }
0x1ba: {  	v3 =	vmov s25  }
0x1bb: {  	v3 =	vshll.u32 v3, $0x7;
	v1 =	vshll.u32 v1, $0x5  }
0x1bc: {  	v3 =	vor.u32 v0, v3;
	v2 =	vshll.u32 v2, $0x5;
	v1 =	vand.u32 $0x60, v1  }
0x1bd: {  	v26 =	vand.u32 $0x60, v2;
	v2 =	vor.u32 v3, v1  }
0x1be: {  	v1 =	vor.u32 v3, v26  }
0x1bf: {  	s28 =	simm.s32 $0x10900;
	v3 =	vor.u32 $0x1, v2  }
0x1c0: {  	s25 =	simm.s32 $0x10B00;
	v27 =	vld [tilespmem:s28+$0x0];
	v28 =	vor.u32 $0x1, v1  }
0x1c1: {  	v29 =	vld [tilespmem:s25+$0x0];
	v30 =	vor.u32 $0x2, v2  }
0x1c2: {  	v32 =	vor.u32 $0x2, v1;
	v31 =	vld.idx.msk [tilespmem:v2+s0+$0x0], $0xffff  }
0x1c3: {  	v34 =	vor.u32 $0x3, v2;
	v33 =	vld.idx.msk [tilespmem:v1+s24+$0x0], $0xffff  }
0x1c4: {  	v35 =	vor.u32 $0x3, v1;
	v3 =	vld.idx.msk [tilespmem:v3+s0+$0x0], $0xffff  }
0x1c5: {  	v36 =	vor.u32 $0x4, v2;
	v5 =	vld.idx.msk [tilespmem:v28+s24+$0x0], $0xffff  }
0x1c6: {  	v37 =	vor.u32 $0x4, v1;
	v7 =	vld.idx.msk [tilespmem:v30+s0+$0x0], $0xffff  }
0x1c7: {  	v38 =	vor.u32 $0x5, v2;
	v9 =	vld.idx.msk [tilespmem:v32+s24+$0x0], $0xffff  }
0x1c8: {  	v4 =	vadd.f32 v29, v27;
	v39 =	vor.u32 $0x5, v1;
	v11 =	vld.idx.msk [tilespmem:v34+s0+$0x0], $0xffff;
	v40 =	vmul.f32 v33, v31  }
0x1c9: {  	v42 =	vor.u32 $0x6, v2;
	v41 =	vld.idx.msk [tilespmem:v35+s24+$0x0], $0xffff  }
0x1ca: {  	v44 =	vor.u32 $0x6, v1;
	v43 =	vld.idx.msk [tilespmem:v36+s0+$0x0], $0xffff;
	v3 =	vmul.f32 v5, v3;
	v4 =	vadd.f32 v40, v4  }
0x1cb: {  	v46 =	vor.u32 $0x7, v2;
	v45 =	vld.idx.msk [tilespmem:v37+s24+$0x0], $0xffff  }
0x1cc: {  	v48 =	vor.u32 $0x7, v1;
	v47 =	vld.idx.msk [tilespmem:v38+s0+$0x0], $0xffff;
	v49 =	vmul.f32 v9, v7;
	v3 =	vadd.f32 v3, v4  }
0x1cd: {  	v52 =	vor.u32 $0x8, v1;
	v50 =	vld.idx.msk [tilespmem:v39+s24+$0x0], $0xffff  }
0x1ce: {  	v51 =	vor.u32 $0x8, v2;
	v10 =	vld.idx.msk [tilespmem:v42+s0+$0x0], $0xffff;
	v53 =	vmul.f32 v41, v11;
	v3 =	vadd.f32 v49, v3  }
0x1cf: {  	v56 =	vor.u32 $0x9, v1;
	v54 =	vld.idx.msk [tilespmem:v44+s24+$0x0], $0xffff  }
0x1d0: {  	v55 =	vor.u32 $0x9, v2;
	v6 =	vld.idx.msk [tilespmem:v46+s0+$0x0], $0xffff;
	v57 =	vmul.f32 v45, v43;
	v3 =	vadd.f32 v53, v3  }
0x1d1: {  	v59 =	vor.u32 $0xA, v2;
	v58 =	vld.idx.msk [tilespmem:v48+s24+$0x0], $0xffff  }
0x1d2: {  	v60 =	vor.u32 $0xA, v1;
	v62 =	vld.idx.msk [tilespmem:v52+s24+$0x0], $0xffff;
	v61 =	vmul.f32 v50, v47;
	v3 =	vadd.f32 v57, v3  }
0x1d3: {  	v63 =	vor.u32 $0xB, v2;
	v9 =	vld.idx.msk [tilespmem:v51+s0+$0x0], $0xffff  }
0x1d4: {  	v20 =	vor.u32 $0xB, v1;
	v22 =	vld.idx.msk [tilespmem:v56+s24+$0x0], $0xffff;
	v21 =	vmul.f32 v54, v10;
	v3 =	vadd.f32 v61, v3  }
0x1d5: {  	v24 =	vor.u32 $0xC, v1;
	v11 =	vld.idx.msk [tilespmem:v55+s0+$0x0], $0xffff  }
0x1d6: {  	v23 =	vor.u32 $0xC, v2;
	v12 =	vld.idx.msk [tilespmem:v59+s0+$0x0], $0xffff;
	v25 =	vmul.f32 v58, v6;
	v3 =	vadd.f32 v21, v3  }
0x1d7: {  	v27 =	vor.u32 $0xD, v2;
	v26 =	vld.idx.msk [tilespmem:v60+s24+$0x0], $0xffff  }
0x1d8: {  	v14 =	vld.idx.msk [tilespmem:v63+s0+$0x0], $0xffff;
	v28 =	vor.u32 $0xD, v1;
	v29 =	vmul.f32 v62, v9;
	v3 =	vadd.f32 v25, v3  }
0x1d9: {  	v30 =	vld.idx.msk [tilespmem:v20+s24+$0x0], $0xffff;
	v32 =	vor.u32 $0xE, v1  }
0x1da: {  	v34 =	vld.idx.msk [tilespmem:v24+s24+$0x0], $0xffff;
	v31 =	vor.u32 $0xE, v2;
	v33 =	vmul.f32 v22, v11;
	v3 =	vadd.f32 v29, v3  }
0x1db: {  	v36 =	vor.u32 $0xF, v1;
	v10 =	vld.idx.msk [tilespmem:v23+s0+$0x0], $0xffff  }
0x1dc: {  	v35 =	vor.u32 $0xF, v2;
	v6 =	vld.idx.msk [tilespmem:v27+s0+$0x0], $0xffff;
	v37 =	vmul.f32 v26, v12;
	v3 =	vadd.f32 v33, v3  }
0x1dd: {  	v39 =	vor.u32 $0x10, v2;
	v38 =	vld.idx.msk [tilespmem:v28+s24+$0x0], $0xffff  }
0x1de: {  	v41 =	vmul.f32 v30, v14;
	v42 =	vld.idx.msk [tilespmem:v32+s24+$0x0], $0xffff;
	v40 =	vor.u32 $0x10, v1;
	v3 =	vadd.f32 v37, v3  }
0x1df: {  	v44 =	vor.u32 $0x11, v1;
	v9 =	vld.idx.msk [tilespmem:v31+s0+$0x0], $0xffff  }
0x1e0: {  	v43 =	vor.u32 $0x11, v2;
	v46 =	vld.idx.msk [tilespmem:v36+s24+$0x0], $0xffff;
	v45 =	vmul.f32 v34, v10;
	v3 =	vadd.f32 v41, v3  }
0x1e1: {  	v48 =	vor.u32 $0x12, v1;
	v11 =	vld.idx.msk [tilespmem:v35+s0+$0x0], $0xffff  }
0x1e2: {  	v47 =	vor.u32 $0x12, v2;
	v12 =	vld.idx.msk [tilespmem:v39+s0+$0x0], $0xffff;
	v49 =	vmul.f32 v38, v6;
	v3 =	vadd.f32 v45, v3  }
0x1e3: {  	v51 =	vor.u32 $0x13, v2;
	v50 =	vld.idx.msk [tilespmem:v40+s24+$0x0], $0xffff  }
0x1e4: {  	v52 =	vor.u32 $0x13, v1;
	v54 =	vld.idx.msk [tilespmem:v44+s24+$0x0], $0xffff;
	v53 =	vmul.f32 v42, v9;
	v3 =	vadd.f32 v49, v3  }
0x1e5: {  	v56 =	vor.u32 $0x14, v1;
	v14 =	vld.idx.msk [tilespmem:v43+s0+$0x0], $0xffff  }
0x1e6: {  	v55 =	vor.u32 $0x14, v2;
	v58 =	vld.idx.msk [tilespmem:v48+s24+$0x0], $0xffff;
	v57 =	vmul.f32 v46, v11;
	v3 =	vadd.f32 v53, v3  }
0x1e7: {  	v60 =	vor.u32 $0x15, v1;
	v10 =	vld.idx.msk [tilespmem:v47+s0+$0x0], $0xffff  }
0x1e8: {  	v59 =	vor.u32 $0x15, v2;
	v6 =	vld.idx.msk [tilespmem:v51+s0+$0x0], $0xffff;
	v61 =	vmul.f32 v50, v12;
	v3 =	vadd.f32 v57, v3  }
0x1e9: {  	v20 =	vor.u32 $0x16, v1;
	v62 =	vld.idx.msk [tilespmem:v52+s24+$0x0], $0xffff  }
0x1ea: {  	v63 =	vor.u32 $0x16, v2;
	v22 =	vld.idx.msk [tilespmem:v56+s24+$0x0], $0xffff;
	v21 =	vmul.f32 v54, v14;
	v3 =	vadd.f32 v61, v3  }
0x1eb: {  	v24 =	vor.u32 $0x17, v1;
	v9 =	vld.idx.msk [tilespmem:v55+s0+$0x0], $0xffff  }
0x1ec: {  	v23 =	vor.u32 $0x17, v2;
	v26 =	vld.idx.msk [tilespmem:v60+s24+$0x0], $0xffff;
	v25 =	vmul.f32 v58, v10;
	v3 =	vadd.f32 v21, v3  }
0x1ed: {  	v28 =	vor.u32 $0x18, v1;
	v11 =	vld.idx.msk [tilespmem:v59+s0+$0x0], $0xffff  }
0x1ee: {  	v27 =	vor.u32 $0x18, v2;
	v30 =	vld.idx.msk [tilespmem:v20+s24+$0x0], $0xffff;
	v29 =	vmul.f32 v62, v6;
	v3 =	vadd.f32 v25, v3  }
0x1ef: {  	v32 =	vor.u32 $0x19, v1;
	v12 =	vld.idx.msk [tilespmem:v63+s0+$0x0], $0xffff  }
0x1f0: {  	v31 =	vor.u32 $0x19, v2;
	v34 =	vld.idx.msk [tilespmem:v24+s24+$0x0], $0xffff;
	v33 =	vmul.f32 v22, v9;
	v3 =	vadd.f32 v29, v3  }
0x1f1: {  	v36 =	vor.u32 $0x1A, v1;
	v14 =	vld.idx.msk [tilespmem:v23+s0+$0x0], $0xffff  }
0x1f2: {  	v35 =	vor.u32 $0x1A, v2;
	v38 =	vld.idx.msk [tilespmem:v28+s24+$0x0], $0xffff;
	v37 =	vmul.f32 v26, v11;
	v3 =	vadd.f32 v33, v3  }
0x1f3: {  	v40 =	vor.u32 $0x1B, v1;
	v10 =	vld.idx.msk [tilespmem:v27+s0+$0x0], $0xffff  }
0x1f4: {  	v39 =	vor.u32 $0x1B, v2;
	v42 =	vld.idx.msk [tilespmem:v32+s24+$0x0], $0xffff;
	v41 =	vmul.f32 v30, v12;
	v3 =	vadd.f32 v37, v3  }
0x1f5: {  	v44 =	vor.u32 $0x1C, v1;
	v6 =	vld.idx.msk [tilespmem:v31+s0+$0x0], $0xffff  }
0x1f6: {  	v43 =	vor.u32 $0x1C, v2;
	v46 =	vld.idx.msk [tilespmem:v36+s24+$0x0], $0xffff;
	v45 =	vmul.f32 v34, v14;
	v3 =	vadd.f32 v41, v3  }
0x1f7: {  	v47 =	vor.u32 $0x1D, v2;
	v9 =	vld.idx.msk [tilespmem:v35+s0+$0x0], $0xffff  }
0x1f8: {  	v48 =	vor.u32 $0x1D, v1;
	v50 =	vld.idx.msk [tilespmem:v40+s24+$0x0], $0xffff;
	v49 =	vmul.f32 v38, v10;
	v3 =	vadd.f32 v45, v3  }
0x1f9: {  	v52 =	vor.u32 $0x1E, v1;
	v11 =	vld.idx.msk [tilespmem:v39+s0+$0x0], $0xffff  }
0x1fa: {  	v51 =	vor.u32 $0x1E, v2;
	v54 =	vld.idx.msk [tilespmem:v44+s24+$0x0], $0xffff;
	v53 =	vmul.f32 v42, v6;
	v3 =	vadd.f32 v49, v3  }
0x1fb: {  	v2 =	vor.u32 $0x1F, v2;
	v12 =	vld.idx.msk [tilespmem:v43+s0+$0x0], $0xffff  }
0x1fc: {  	v1 =	vor.u32 $0x1F, v1;
	v55 =	vld.idx.msk [tilespmem:v47+s0+$0x0], $0xffff;
	v56 =	vmul.f32 v46, v9;
	v3 =	vadd.f32 v53, v3  }
0x1fd: {  	v57 =	vld.idx.msk [tilespmem:v48+s24+$0x0], $0xffff  }
0x1fe: {  	v60 =	vld.idx.msk [tilespmem:v52+s24+$0x0], $0xffff;
	v59 =	vmul.f32 v50, v11;
	v3 =	vadd.f32 v56, v3  }
0x1ff: {  	v58 =	vld.idx.msk [tilespmem:v51+s0+$0x0], $0xffff  }
0x200: {  	v2 =	vld.idx.msk [tilespmem:v2+s0+$0x0], $0xffff;
	v61 =	vmul.f32 v54, v12;
	v3 =	vadd.f32 v59, v3  }
0x201: {  	v1 =	vld.idx.msk [tilespmem:v1+s24+$0x0], $0xffff  }
0x202: {  	v62 =	vmul.f32 v57, v55;
	v3 =	vadd.f32 v61, v3;
	_ =	sdelay $0x1  }
0x203: {  	v63 =	vmul.f32 v60, v58;
	v3 =	vadd.f32 v62, v3;
	_ =	sdelay $0x1  }
0x204: {  	v1 =	vmul.f32 v1, v2;
	v3 =	vadd.f32 v63, v3;
	_ =	sdelay $0x1  }
0x205: {  	v1 =	vadd.f32 v1, v3  }
0x206: {  	s19 =	simm.s32 $0x10D00  }
0x207: {  	s20 =	simm.s32 $0x110;
	[tilespmem:s19+$0x0] =	vst v1  }
0x208: {  	s21 =	simm.s32 $0x310;
	v1 =	vld [tilespmem:s20+$0x0]  }
0x209: {  	s22 =	simm.s32 $0x10;
	s23 =	simm.s32 $0x20;
	v2 =	vld [tilespmem:s21+$0x0]  }
.LBB2_4:
0x20a: {  	p0 =	sne.s32 s23, $0xF0;
	_ =	sdelay $0x1  }
0x20b: {  	v3 =	vmov s22;
	s22 =	smov.u32 s23  }
0x20c: {  	v3 =	vshll.u32 v3, $0x7;
	v1 =	vshll.u32 v1, $0x5  }
0x20d: {  	v3 =	vor.u32 v0, v3;
	v1 =	vand.u32 $0x60, v1;
	v2 =	vshll.u32 v2, $0x5  }
0x20e: {  	v4 =	vand.u32 $0x60, v2;
	v2 =	vor.u32 v3, v1  }
0x20f: {  	v1 =	vor.u32 v3, v4  }
0x210: {  	s28 =	sadd.s32 $0x10, s28;
	v3 =	vor.u32 $0x1, v2  }
0x211: {  	s25 =	sadd.s32 $0x10, s25;
	v5 =	vor.u32 $0x1, v1;
	v4 =	vld [tilespmem:s28+$0x0]  }
0x212: {  	v7 =	vor.u32 $0x2, v2;
	v6 =	vld [tilespmem:s25+$0x0]  }
0x213: {  	v9 =	vor.u32 $0x2, v1;
	v8 =	vld.idx.msk [tilespmem:v2+s0+$0x0], $0xffff  }
0x214: {  	v11 =	vor.u32 $0x3, v2;
	v10 =	vld.idx.msk [tilespmem:v1+s24+$0x0], $0xffff  }
0x215: {  	v12 =	vor.u32 $0x3, v1;
	v3 =	vld.idx.msk [tilespmem:v3+s0+$0x0], $0xffff  }
0x216: {  	v13 =	vor.u32 $0x4, v2;
	v5 =	vld.idx.msk [tilespmem:v5+s24+$0x0], $0xffff  }
0x217: {  	v14 =	vor.u32 $0x4, v1;
	v7 =	vld.idx.msk [tilespmem:v7+s0+$0x0], $0xffff  }
0x218: {  	v15 =	vor.u32 $0x5, v2;
	v9 =	vld.idx.msk [tilespmem:v9+s24+$0x0], $0xffff  }
0x219: {  	v16 =	vor.u32 $0x5, v1;
	v11 =	vld.idx.msk [tilespmem:v11+s0+$0x0], $0xffff  }
0x21a: {  	v4 =	vadd.f32 v6, v4;
	v6 =	vmul.f32 v10, v8;
	v10 =	vor.u32 $0x6, v2;
	v8 =	vld.idx.msk [tilespmem:v12+s24+$0x0], $0xffff  }
0x21b: {  	v12 =	vld.idx.msk [tilespmem:v13+s0+$0x0], $0xffff;
	v13 =	vor.u32 $0x6, v1  }
0x21c: {  	v4 =	vadd.f32 v6, v4;
	v3 =	vmul.f32 v5, v3;
	v6 =	vor.u32 $0x7, v2;
	v5 =	vld.idx.msk [tilespmem:v14+s24+$0x0], $0xffff  }
0x21d: {  	v14 =	vld.idx.msk [tilespmem:v15+s0+$0x0], $0xffff;
	v15 =	vor.u32 $0x7, v1  }
0x21e: {  	v3 =	vadd.f32 v3, v4;
	v4 =	vmul.f32 v9, v7;
	v9 =	vor.u32 $0x8, v2;
	v7 =	vld.idx.msk [tilespmem:v16+s24+$0x0], $0xffff  }
0x21f: {  	v16 =	vor.u32 $0x8, v1;
	v10 =	vld.idx.msk [tilespmem:v10+s0+$0x0], $0xffff  }
0x220: {  	v3 =	vadd.f32 v4, v3;
	v4 =	vmul.f32 v8, v11;
	v11 =	vor.u32 $0x9, v2;
	v8 =	vld.idx.msk [tilespmem:v13+s24+$0x0], $0xffff  }
0x221: {  	v13 =	vor.u32 $0x9, v1;
	v6 =	vld.idx.msk [tilespmem:v6+s0+$0x0], $0xffff  }
0x222: {  	v3 =	vadd.f32 v4, v3;
	v4 =	vmul.f32 v5, v12;
	v12 =	vor.u32 $0xA, v2;
	v5 =	vld.idx.msk [tilespmem:v15+s24+$0x0], $0xffff  }
0x223: {  	v15 =	vor.u32 $0xA, v1;
	v9 =	vld.idx.msk [tilespmem:v9+s0+$0x0], $0xffff  }
0x224: {  	v3 =	vadd.f32 v4, v3;
	v4 =	vmul.f32 v7, v14;
	v14 =	vor.u32 $0xB, v2;
	v7 =	vld.idx.msk [tilespmem:v16+s24+$0x0], $0xffff  }
0x225: {  	v16 =	vor.u32 $0xB, v1;
	v11 =	vld.idx.msk [tilespmem:v11+s0+$0x0], $0xffff  }
0x226: {  	v3 =	vadd.f32 v4, v3;
	v4 =	vmul.f32 v8, v10;
	v10 =	vor.u32 $0xC, v2;
	v8 =	vld.idx.msk [tilespmem:v13+s24+$0x0], $0xffff  }
0x227: {  	v13 =	vor.u32 $0xC, v1;
	v12 =	vld.idx.msk [tilespmem:v12+s0+$0x0], $0xffff  }
0x228: {  	v3 =	vadd.f32 v4, v3;
	v4 =	vmul.f32 v5, v6;
	v6 =	vor.u32 $0xD, v2;
	v5 =	vld.idx.msk [tilespmem:v15+s24+$0x0], $0xffff  }
0x229: {  	v15 =	vor.u32 $0xD, v1;
	v14 =	vld.idx.msk [tilespmem:v14+s0+$0x0], $0xffff  }
0x22a: {  	v3 =	vadd.f32 v4, v3;
	v4 =	vmul.f32 v7, v9;
	v9 =	vor.u32 $0xE, v2;
	v7 =	vld.idx.msk [tilespmem:v16+s24+$0x0], $0xffff  }
0x22b: {  	v16 =	vor.u32 $0xE, v1;
	v10 =	vld.idx.msk [tilespmem:v10+s0+$0x0], $0xffff  }
0x22c: {  	v3 =	vadd.f32 v4, v3;
	v4 =	vmul.f32 v8, v11;
	v11 =	vor.u32 $0xF, v2;
	v8 =	vld.idx.msk [tilespmem:v13+s24+$0x0], $0xffff  }
0x22d: {  	v13 =	vor.u32 $0xF, v1;
	v6 =	vld.idx.msk [tilespmem:v6+s0+$0x0], $0xffff  }
0x22e: {  	v3 =	vadd.f32 v4, v3;
	v4 =	vmul.f32 v5, v12;
	v12 =	vor.u32 $0x10, v2;
	v5 =	vld.idx.msk [tilespmem:v15+s24+$0x0], $0xffff  }
0x22f: {  	v15 =	vor.u32 $0x10, v1;
	v9 =	vld.idx.msk [tilespmem:v9+s0+$0x0], $0xffff  }
0x230: {  	v3 =	vadd.f32 v4, v3;
	v4 =	vmul.f32 v7, v14;
	v14 =	vor.u32 $0x11, v2;
	v7 =	vld.idx.msk [tilespmem:v16+s24+$0x0], $0xffff  }
0x231: {  	v16 =	vor.u32 $0x11, v1;
	v11 =	vld.idx.msk [tilespmem:v11+s0+$0x0], $0xffff  }
0x232: {  	v3 =	vadd.f32 v4, v3;
	v4 =	vmul.f32 v8, v10;
	v10 =	vor.u32 $0x12, v2;
	v8 =	vld.idx.msk [tilespmem:v13+s24+$0x0], $0xffff  }
0x233: {  	v13 =	vor.u32 $0x12, v1;
	v12 =	vld.idx.msk [tilespmem:v12+s0+$0x0], $0xffff  }
0x234: {  	v3 =	vadd.f32 v4, v3;
	v4 =	vmul.f32 v5, v6;
	v6 =	vor.u32 $0x13, v2;
	v5 =	vld.idx.msk [tilespmem:v15+s24+$0x0], $0xffff  }
0x235: {  	v15 =	vor.u32 $0x13, v1;
	v14 =	vld.idx.msk [tilespmem:v14+s0+$0x0], $0xffff  }
0x236: {  	v3 =	vadd.f32 v4, v3;
	v4 =	vmul.f32 v7, v9;
	v9 =	vor.u32 $0x14, v2;
	v7 =	vld.idx.msk [tilespmem:v16+s24+$0x0], $0xffff  }
0x237: {  	v16 =	vor.u32 $0x14, v1;
	v10 =	vld.idx.msk [tilespmem:v10+s0+$0x0], $0xffff  }
0x238: {  	v3 =	vadd.f32 v4, v3;
	v4 =	vmul.f32 v8, v11;
	v11 =	vor.u32 $0x15, v2;
	v8 =	vld.idx.msk [tilespmem:v13+s24+$0x0], $0xffff  }
0x239: {  	v13 =	vor.u32 $0x15, v1;
	v6 =	vld.idx.msk [tilespmem:v6+s0+$0x0], $0xffff  }
0x23a: {  	v3 =	vadd.f32 v4, v3;
	v4 =	vmul.f32 v5, v12;
	v12 =	vor.u32 $0x16, v2;
	v5 =	vld.idx.msk [tilespmem:v15+s24+$0x0], $0xffff  }
0x23b: {  	v15 =	vor.u32 $0x16, v1;
	v9 =	vld.idx.msk [tilespmem:v9+s0+$0x0], $0xffff  }
0x23c: {  	v3 =	vadd.f32 v4, v3;
	v4 =	vmul.f32 v7, v14;
	v14 =	vor.u32 $0x17, v2;
	v7 =	vld.idx.msk [tilespmem:v16+s24+$0x0], $0xffff  }
0x23d: {  	v16 =	vor.u32 $0x17, v1;
	v11 =	vld.idx.msk [tilespmem:v11+s0+$0x0], $0xffff  }
0x23e: {  	v3 =	vadd.f32 v4, v3;
	v4 =	vmul.f32 v8, v10;
	v10 =	vor.u32 $0x18, v2;
	v8 =	vld.idx.msk [tilespmem:v13+s24+$0x0], $0xffff  }
0x23f: {  	v13 =	vor.u32 $0x18, v1;
	v12 =	vld.idx.msk [tilespmem:v12+s0+$0x0], $0xffff  }
0x240: {  	v3 =	vadd.f32 v4, v3;
	v4 =	vmul.f32 v5, v6;
	v6 =	vor.u32 $0x19, v2;
	v5 =	vld.idx.msk [tilespmem:v15+s24+$0x0], $0xffff  }
0x241: {  	v15 =	vor.u32 $0x19, v1;
	v14 =	vld.idx.msk [tilespmem:v14+s0+$0x0], $0xffff  }
0x242: {  	v3 =	vadd.f32 v4, v3;
	v4 =	vmul.f32 v7, v9;
	v9 =	vor.u32 $0x1A, v2;
	v7 =	vld.idx.msk [tilespmem:v16+s24+$0x0], $0xffff  }
0x243: {  	v16 =	vor.u32 $0x1A, v1;
	v10 =	vld.idx.msk [tilespmem:v10+s0+$0x0], $0xffff  }
0x244: {  	v3 =	vadd.f32 v4, v3;
	v4 =	vmul.f32 v8, v11;
	v11 =	vor.u32 $0x1B, v2;
	v8 =	vld.idx.msk [tilespmem:v13+s24+$0x0], $0xffff  }
0x245: {  	v13 =	vor.u32 $0x1B, v1;
	v6 =	vld.idx.msk [tilespmem:v6+s0+$0x0], $0xffff  }
0x246: {  	v3 =	vadd.f32 v4, v3;
	v4 =	vmul.f32 v5, v12;
	v12 =	vor.u32 $0x1C, v2;
	v5 =	vld.idx.msk [tilespmem:v15+s24+$0x0], $0xffff  }
0x247: {  	v15 =	vor.u32 $0x1C, v1;
	v9 =	vld.idx.msk [tilespmem:v9+s0+$0x0], $0xffff  }
0x248: {  	v3 =	vadd.f32 v4, v3;
	v4 =	vmul.f32 v7, v14;
	v14 =	vor.u32 $0x1D, v2;
	v7 =	vld.idx.msk [tilespmem:v16+s24+$0x0], $0xffff  }
0x249: {  	v16 =	vor.u32 $0x1D, v1;
	v11 =	vld.idx.msk [tilespmem:v11+s0+$0x0], $0xffff  }
0x24a: {  	v3 =	vadd.f32 v4, v3;
	v4 =	vmul.f32 v8, v10;
	v10 =	vor.u32 $0x1E, v2;
	v8 =	vld.idx.msk [tilespmem:v13+s24+$0x0], $0xffff  }
0x24b: {  	v13 =	vor.u32 $0x1E, v1;
	v12 =	vld.idx.msk [tilespmem:v12+s0+$0x0], $0xffff  }
0x24c: {  	v2 =	vor.u32 $0x1F, v2;
	v3 =	vadd.f32 v4, v3;
	v4 =	vmul.f32 v5, v6;
	v5 =	vld.idx.msk [tilespmem:v15+s24+$0x0], $0xffff  }
0x24d: {  	v1 =	vor.u32 $0x1F, v1;
	v6 =	vld.idx.msk [tilespmem:v14+s0+$0x0], $0xffff  }
0x24e: {  	v3 =	vadd.f32 v4, v3;
	v4 =	vmul.f32 v7, v9;
	v7 =	vld.idx.msk [tilespmem:v16+s24+$0x0], $0xffff  }
0x24f: {  	v9 =	vld.idx.msk [tilespmem:v10+s0+$0x0], $0xffff  }
0x250: {  	v3 =	vadd.f32 v4, v3;
	v4 =	vmul.f32 v8, v11;
	v8 =	vld.idx.msk [tilespmem:v13+s24+$0x0], $0xffff  }
0x251: {  	v2 =	vld.idx.msk [tilespmem:v2+s0+$0x0], $0xffff  }
0x252: {  	v3 =	vadd.f32 v4, v3;
	v4 =	vmul.f32 v5, v12;
	v1 =	vld.idx.msk [tilespmem:v1+s24+$0x0], $0xffff;
	_ =	sdelay $0x1  }
0x253: {  	v3 =	vadd.f32 v4, v3;
	v4 =	vmul.f32 v7, v6;
	_ =	sdelay $0x1  }
0x254: {  	v3 =	vadd.f32 v4, v3;
	v4 =	vmul.f32 v8, v9;
	_ =	sdelay $0x1  }
0x255: {  	v3 =	vadd.f32 v4, v3;
	v1 =	vmul.f32 v1, v2;
	_ =	sdelay $0x1  }
.Ltmp1:
0x256: {  	v1 =	vadd.f32 v1, v3;
	(pc) =	sbr.rel @p0 .LBB2_4-.Ltmp1, $4  }
0x257: {  	s19 =	sadd.s32 $0x10, s19  }
0x258: {  	s20 =	sadd.s32 $0x10, s20;
	[tilespmem:s19+$0x0] =	vst v1  }
0x259: {  	s21 =	sadd.s32 $0x10, s21;
	v1 =	vld [tilespmem:s20+$0x0]  }
0x25a: {  	s23 =	sadd.s32 $0x10, s23;
	v2 =	vld [tilespmem:s21+$0x0]  }
0x25b: {  	_ =	sdelay $0x1  }
0x25c: {  	v3 =	vmov s22  }
0x25d: {  	v3 =	vshll.u32 v3, $0x7;
	v1 =	vshll.u32 v1, $0x5  }
0x25e: {  	v3 =	vor.u32 v0, v3;
	v1 =	vand.u32 $0x60, v1;
	v2 =	vshll.u32 v2, $0x5  }
0x25f: {  	v4 =	vand.u32 $0x60, v2;
	v2 =	vor.u32 v3, v1  }
0x260: {  	v1 =	vor.u32 v3, v4  }
0x261: {  	s20 =	sadd.s32 $0x10, s28;
	v3 =	vor.u32 $0x1, v2  }
0x262: {  	s28 =	sadd.s32 $0x10, s25;
	v39 =	vld [tilespmem:s20+$0x0];
	v5 =	vor.u32 $0x1, v1  }
0x263: {  	v6 =	vld [tilespmem:s28+$0x0];
	v7 =	vor.u32 $0x2, v2  }
0x264: {  	v9 =	vor.u32 $0x2, v1;
	v8 =	vld.idx.msk [tilespmem:v2+s0+$0x0], $0xffff  }
0x265: {  	v11 =	vor.u32 $0x3, v2;
	v10 =	vld.idx.msk [tilespmem:v1+s24+$0x0], $0xffff  }
0x266: {  	v12 =	vor.u32 $0x3, v1;
	v3 =	vld.idx.msk [tilespmem:v3+s0+$0x0], $0xffff  }
0x267: {  	v13 =	vor.u32 $0x4, v2;
	v5 =	vld.idx.msk [tilespmem:v5+s24+$0x0], $0xffff  }
0x268: {  	v14 =	vor.u32 $0x4, v1;
	v7 =	vld.idx.msk [tilespmem:v7+s0+$0x0], $0xffff  }
0x269: {  	v15 =	vor.u32 $0x5, v2;
	v9 =	vld.idx.msk [tilespmem:v9+s24+$0x0], $0xffff  }
0x26a: {  	v4 =	vadd.f32 v6, v39;
	v16 =	vor.u32 $0x5, v1;
	v11 =	vld.idx.msk [tilespmem:v11+s0+$0x0], $0xffff;
	v40 =	vmul.f32 v10, v8  }
0x26b: {  	v44 =	vor.u32 $0x6, v1;
	v41 =	vld.idx.msk [tilespmem:v12+s24+$0x0], $0xffff  }
0x26c: {  	v42 =	vor.u32 $0x6, v2;
	v43 =	vld.idx.msk [tilespmem:v13+s0+$0x0], $0xffff;
	v3 =	vmul.f32 v5, v3;
	v4 =	vadd.f32 v40, v4  }
0x26d: {  	v46 =	vor.u32 $0x7, v2;
	v45 =	vld.idx.msk [tilespmem:v14+s24+$0x0], $0xffff  }
0x26e: {  	v48 =	vor.u32 $0x7, v1;
	v47 =	vld.idx.msk [tilespmem:v15+s0+$0x0], $0xffff;
	v49 =	vmul.f32 v9, v7;
	v3 =	vadd.f32 v3, v4  }
0x26f: {  	v52 =	vor.u32 $0x8, v1;
	v50 =	vld.idx.msk [tilespmem:v16+s24+$0x0], $0xffff  }
0x270: {  	v51 =	vor.u32 $0x8, v2;
	v54 =	vld.idx.msk [tilespmem:v44+s24+$0x0], $0xffff;
	v53 =	vmul.f32 v41, v11;
	v3 =	vadd.f32 v49, v3  }
0x271: {  	v56 =	vor.u32 $0x9, v1;
	v10 =	vld.idx.msk [tilespmem:v42+s0+$0x0], $0xffff  }
0x272: {  	v55 =	vor.u32 $0x9, v2;
	v6 =	vld.idx.msk [tilespmem:v46+s0+$0x0], $0xffff;
	v57 =	vmul.f32 v45, v43;
	v3 =	vadd.f32 v53, v3  }
0x273: {  	v59 =	vor.u32 $0xA, v2;
	v58 =	vld.idx.msk [tilespmem:v48+s24+$0x0], $0xffff  }
0x274: {  	v60 =	vor.u32 $0xA, v1;
	v62 =	vld.idx.msk [tilespmem:v52+s24+$0x0], $0xffff;
	v61 =	vmul.f32 v50, v47;
	v3 =	vadd.f32 v57, v3  }
0x275: {  	v63 =	vor.u32 $0xB, v2;
	v9 =	vld.idx.msk [tilespmem:v51+s0+$0x0], $0xffff  }
0x276: {  	v20 =	vor.u32 $0xB, v1;
	v22 =	vld.idx.msk [tilespmem:v56+s24+$0x0], $0xffff;
	v21 =	vmul.f32 v54, v10;
	v3 =	vadd.f32 v61, v3  }
0x277: {  	v24 =	vor.u32 $0xC, v1;
	v11 =	vld.idx.msk [tilespmem:v55+s0+$0x0], $0xffff  }
0x278: {  	v23 =	vor.u32 $0xC, v2;
	v12 =	vld.idx.msk [tilespmem:v59+s0+$0x0], $0xffff;
	v25 =	vmul.f32 v58, v6;
	v3 =	vadd.f32 v21, v3  }
0x279: {  	v28 =	vor.u32 $0xD, v1;
	v26 =	vld.idx.msk [tilespmem:v60+s24+$0x0], $0xffff  }
0x27a: {  	v27 =	vor.u32 $0xD, v2;
	v14 =	vld.idx.msk [tilespmem:v63+s0+$0x0], $0xffff;
	v29 =	vmul.f32 v62, v9;
	v3 =	vadd.f32 v25, v3  }
0x27b: {  	v32 =	vor.u32 $0xE, v1;
	v30 =	vld.idx.msk [tilespmem:v20+s24+$0x0], $0xffff  }
0x27c: {  	v31 =	vor.u32 $0xE, v2;
	v34 =	vld.idx.msk [tilespmem:v24+s24+$0x0], $0xffff;
	v33 =	vmul.f32 v22, v11;
	v3 =	vadd.f32 v29, v3  }
0x27d: {  	v36 =	vor.u32 $0xF, v1;
	v10 =	vld.idx.msk [tilespmem:v23+s0+$0x0], $0xffff  }
0x27e: {  	v35 =	vor.u32 $0xF, v2;
	v38 =	vld.idx.msk [tilespmem:v28+s24+$0x0], $0xffff;
	v37 =	vmul.f32 v26, v12;
	v3 =	vadd.f32 v33, v3  }
0x27f: {  	v39 =	vor.u32 $0x10, v2;
	v6 =	vld.idx.msk [tilespmem:v27+s0+$0x0], $0xffff  }
0x280: {  	v42 =	vld.idx.msk [tilespmem:v32+s24+$0x0], $0xffff;
	v41 =	vmul.f32 v30, v14;
	v40 =	vor.u32 $0x10, v1;
	v3 =	vadd.f32 v37, v3  }
0x281: {  	v44 =	vor.u32 $0x11, v1;
	v9 =	vld.idx.msk [tilespmem:v31+s0+$0x0], $0xffff  }
0x282: {  	v46 =	vld.idx.msk [tilespmem:v36+s24+$0x0], $0xffff;
	v43 =	vor.u32 $0x11, v2;
	v45 =	vmul.f32 v34, v10;
	v3 =	vadd.f32 v41, v3  }
0x283: {  	v48 =	vor.u32 $0x12, v1;
	v11 =	vld.idx.msk [tilespmem:v35+s0+$0x0], $0xffff  }
0x284: {  	v47 =	vor.u32 $0x12, v2;
	v12 =	vld.idx.msk [tilespmem:v39+s0+$0x0], $0xffff;
	v49 =	vmul.f32 v38, v6;
	v3 =	vadd.f32 v45, v3  }
0x285: {  	v51 =	vor.u32 $0x13, v2;
	v50 =	vld.idx.msk [tilespmem:v40+s24+$0x0], $0xffff  }
0x286: {  	v52 =	vor.u32 $0x13, v1;
	v54 =	vld.idx.msk [tilespmem:v44+s24+$0x0], $0xffff;
	v53 =	vmul.f32 v42, v9;
	v3 =	vadd.f32 v49, v3  }
0x287: {  	v56 =	vor.u32 $0x14, v1;
	v14 =	vld.idx.msk [tilespmem:v43+s0+$0x0], $0xffff  }
0x288: {  	v55 =	vor.u32 $0x14, v2;
	v58 =	vld.idx.msk [tilespmem:v48+s24+$0x0], $0xffff;
	v57 =	vmul.f32 v46, v11;
	v3 =	vadd.f32 v53, v3  }
0x289: {  	v60 =	vor.u32 $0x15, v1;
	v10 =	vld.idx.msk [tilespmem:v47+s0+$0x0], $0xffff  }
0x28a: {  	v59 =	vor.u32 $0x15, v2;
	v6 =	vld.idx.msk [tilespmem:v51+s0+$0x0], $0xffff;
	v61 =	vmul.f32 v50, v12;
	v3 =	vadd.f32 v57, v3  }
0x28b: {  	v20 =	vor.u32 $0x16, v1;
	v62 =	vld.idx.msk [tilespmem:v52+s24+$0x0], $0xffff  }
0x28c: {  	v63 =	vor.u32 $0x16, v2;
	v22 =	vld.idx.msk [tilespmem:v56+s24+$0x0], $0xffff;
	v21 =	vmul.f32 v54, v14;
	v3 =	vadd.f32 v61, v3  }
0x28d: {  	v24 =	vor.u32 $0x17, v1;
	v9 =	vld.idx.msk [tilespmem:v55+s0+$0x0], $0xffff  }
0x28e: {  	v26 =	vld.idx.msk [tilespmem:v60+s24+$0x0], $0xffff;
	v23 =	vor.u32 $0x17, v2;
	v25 =	vmul.f32 v58, v10;
	v3 =	vadd.f32 v21, v3  }
0x28f: {  	v28 =	vor.u32 $0x18, v1;
	v11 =	vld.idx.msk [tilespmem:v59+s0+$0x0], $0xffff  }
0x290: {  	v27 =	vor.u32 $0x18, v2;
	v30 =	vld.idx.msk [tilespmem:v20+s24+$0x0], $0xffff;
	v29 =	vmul.f32 v62, v6;
	v3 =	vadd.f32 v25, v3  }
0x291: {  	v32 =	vor.u32 $0x19, v1;
	v12 =	vld.idx.msk [tilespmem:v63+s0+$0x0], $0xffff  }
0x292: {  	v31 =	vor.u32 $0x19, v2;
	v34 =	vld.idx.msk [tilespmem:v24+s24+$0x0], $0xffff;
	v33 =	vmul.f32 v22, v9;
	v3 =	vadd.f32 v29, v3  }
0x293: {  	v36 =	vor.u32 $0x1A, v1;
	v14 =	vld.idx.msk [tilespmem:v23+s0+$0x0], $0xffff  }
0x294: {  	v35 =	vor.u32 $0x1A, v2;
	v38 =	vld.idx.msk [tilespmem:v28+s24+$0x0], $0xffff;
	v37 =	vmul.f32 v26, v11;
	v3 =	vadd.f32 v33, v3  }
0x295: {  	v40 =	vor.u32 $0x1B, v1;
	v10 =	vld.idx.msk [tilespmem:v27+s0+$0x0], $0xffff  }
0x296: {  	v39 =	vor.u32 $0x1B, v2;
	v42 =	vld.idx.msk [tilespmem:v32+s24+$0x0], $0xffff;
	v41 =	vmul.f32 v30, v12;
	v3 =	vadd.f32 v37, v3  }
0x297: {  	v44 =	vor.u32 $0x1C, v1;
	v6 =	vld.idx.msk [tilespmem:v31+s0+$0x0], $0xffff  }
0x298: {  	v43 =	vor.u32 $0x1C, v2;
	v46 =	vld.idx.msk [tilespmem:v36+s24+$0x0], $0xffff;
	v45 =	vmul.f32 v34, v14;
	v3 =	vadd.f32 v41, v3  }
0x299: {  	v47 =	vor.u32 $0x1D, v2;
	v9 =	vld.idx.msk [tilespmem:v35+s0+$0x0], $0xffff  }
0x29a: {  	v48 =	vor.u32 $0x1D, v1;
	v50 =	vld.idx.msk [tilespmem:v40+s24+$0x0], $0xffff;
	v49 =	vmul.f32 v38, v10;
	v3 =	vadd.f32 v45, v3  }
0x29b: {  	v52 =	vor.u32 $0x1E, v1;
	v11 =	vld.idx.msk [tilespmem:v39+s0+$0x0], $0xffff  }
0x29c: {  	v51 =	vor.u32 $0x1E, v2;
	v54 =	vld.idx.msk [tilespmem:v44+s24+$0x0], $0xffff;
	v53 =	vmul.f32 v42, v6;
	v3 =	vadd.f32 v49, v3  }
0x29d: {  	v1 =	vor.u32 $0x1F, v1;
	v12 =	vld.idx.msk [tilespmem:v43+s0+$0x0], $0xffff  }
0x29e: {  	v2 =	vor.u32 $0x1F, v2;
	v55 =	vld.idx.msk [tilespmem:v47+s0+$0x0], $0xffff;
	v56 =	vmul.f32 v46, v9;
	v3 =	vadd.f32 v53, v3  }
0x29f: {  	v57 =	vld.idx.msk [tilespmem:v48+s24+$0x0], $0xffff  }
0x2a0: {  	v60 =	vld.idx.msk [tilespmem:v52+s24+$0x0], $0xffff;
	v59 =	vmul.f32 v50, v11;
	v3 =	vadd.f32 v56, v3  }
0x2a1: {  	v58 =	vld.idx.msk [tilespmem:v51+s0+$0x0], $0xffff  }
0x2a2: {  	v1 =	vld.idx.msk [tilespmem:v1+s24+$0x0], $0xffff;
	v61 =	vmul.f32 v54, v12;
	v3 =	vadd.f32 v59, v3  }
0x2a3: {  	v2 =	vld.idx.msk [tilespmem:v2+s0+$0x0], $0xffff  }
0x2a4: {  	v62 =	vmul.f32 v57, v55;
	v3 =	vadd.f32 v61, v3;
	_ =	sdelay $0x1  }
0x2a5: {  	v63 =	vmul.f32 v60, v58;
	v3 =	vadd.f32 v62, v3;
	_ =	sdelay $0x1  }
0x2a6: {  	v1 =	vmul.f32 v1, v2;
	v3 =	vadd.f32 v63, v3;
	_ =	sdelay $0x1  }
0x2a7: {  	s3 =	sadd.s32 $0x1, s3;
	v1 =	vadd.f32 v1, v3  }
0x2a8: {  	s19 =	sadd.s32 $0x10, s19;
	p0 =	sne.s32 s3, s16  }
.Ltmp2:
0x2a9: {  	[tilespmem:s19+$0x0] =	vst v1;
	(pc) =	sbr.rel @p0 .LBB2_1-.Ltmp2, $4  }
0x2aa: {  	[hbm4b:s15+s2] =	stream.linear.scatter [tilespmem:s31], [sflag:$0x2], $0x200, $0x38;
	[tilespmem:$0x10E00] =	vst v63  }
0x2ab: {  	_ =	swait.ge [sflag:s17], $0x200  }
0x2ac: {  	[sflag:s17] =	ssyncset.done $0x0  }
0x2ad: {  	[sflag:s17] =	ssyncadd.s32 $0xFFFFFE00  }
0x2ae: {  	_ =	sfence.sel $0x180000  }
0x2af: {  	[bflag:$0x0] =	sbarrier.arrive $0xFFFF  }
0x2b0: {  	_ =	strace $0x90000047  }
0x2b1: {  	s0 =	stileid.u32;
	[bflag:$0x2] =	sbarrier.arrive $0xFFFF  }
0x2b2: {  	p0 =	sne.s32 s0, $0x0;
	s0 =	rddreg [dreg:$0x4]  }
0x2b3: {  	s0 =	sadd.s32 @!p0 $0x100000, s0  }
0x2b4: {  	[sflag:s0] =	ssyncadd.tile.s32 @!p0 $0x1;
	_ =	shalt  }
.Lfunc_end2:
_tile_overlayer_lowered:
.L_overlay_start_2:
0x2b5: {  	(tag) =	ssettag $0x2  }
0x2b6: {  	s0 =	rddreg [dreg:$0x0];
	s2 =	stileid.u32  }
0x2b7: {  	s1 =	rddreg [dreg:$0x1];
	p0 =	sne.s32 s2, $0x0  }
0x2b8: {  	s3 =	rddreg [dreg:$0x2];
	[bflag:$0x3] =	sbarrier.arrive $0xFFFF;
	s2 =	simm.s32 @!p0 $0x1C02  }
0x2b9: {  	[timem:s3], [sflag:s2] =	dma.local @!p0 [hbm:s0], s1  }
0x2ba: {  	s0 =	simm.s32 @!p0 $0x2  }
0x2bb: {  	_ =	swait.ge @!p0 [sflag:s0], s1  }
0x2bc: {  	s1 =	ssub.s32 @!p0 $0x0, s1;
	[sflag:s0] =	ssyncset.done @!p0 $0x0  }
0x2bd: {  	[sflag:s0] =	ssyncadd.s32 @!p0 s1  }
0x2be: {  	[bflag:$0x3] =	sbarrier.arrive $0xFFFF  }
0x2bf: {  	_ =	shalt  }

</sc_bundles>
